<compile_context>
chip_gen: v7x
topology: tpu7x:2x2x1
jax: 0.10.2.dev20260603
libtpu: 0.0.44.dev20260713+nightly
codegen_flags: <defaults>
</compile_context>

<pallas_src>
import jax
import jax.numpy as jnp
from jax import lax
from jax.experimental import pallas as pl
from jax.experimental.pallas import tpu as pltpu
from jax.experimental.pallas import tpu_sc as plsc

_HID = 2048
_E = 8
_ADIM = 128
_SCALE = 2.0
_TB = 512
_NEG = -3.0e38


def _router_body(r_ref, w_ref, logits_t_ref, logits_ref):
    logits_t_ref[...] = lax.dot_general(
        w_ref[...], r_ref[...], (((1,), (1,)), ((), ())),
        preferred_element_type=jnp.float32)
    logits_ref[...] = lax.dot_general(
        r_ref[...], w_ref[...], (((1,), (1,)), ((), ())),
        preferred_element_type=jnp.float32)


def _adapter_body(x_ref, y_ref, ct_ref, wd_ref, wu_ref, out_ref):
    xb = x_ref[...].astype(jnp.bfloat16)
    wdb = wd_ref[...].astype(jnp.bfloat16)
    h = lax.dot_general(xb, wdb, (((1,), (1,)), ((), ())),
                        preferred_element_type=jnp.float32)
    g = 0.5 * h * (1.0 + lax.erf(h * 0.7071067811865476))
    cols = lax.broadcasted_iota(jnp.int32, (_E, _E * _ADIM), 1)
    rows = lax.broadcasted_iota(jnp.int32, (_E, _E * _ADIM), 0)
    m = jnp.where(cols // _ADIM == rows, 1.0, 0.0)
    mult = lax.dot_general(ct_ref[...], m, (((0,), (0,)), ((), ())),
                           preferred_element_type=jnp.float32)
    hs = (g * mult).astype(jnp.bfloat16)
    delta = lax.dot_general(hs, wu_ref[...], (((1,), (0,)), ((), ())),
                            preferred_element_type=jnp.float32)
    out_ref[...] = y_ref[...] + delta


def _sc_topk(logits_t_flat, T):
    nc, ns = 2, 16
    nw = nc * ns
    tpw = T // nw

    def body(lt_hbm, ct_hbm, lvm, cvm):
        wid = lax.axis_index("s") * nc + lax.axis_index("c")
        base_t = wid * tpw
        for e in range(_E):
            pltpu.sync_copy(lt_hbm.at[pl.ds(e * T + base_t, tpw)],
                            lvm.at[pl.ds(e * tpw, tpw)])
        for ch in range(tpw // 16):
            off = ch * 16
            ls = [lvm[pl.ds(e * tpw + off, 16)] for e in range(_E)]
            m1 = ls[0]
            i1 = jnp.zeros((16,), jnp.int32)
            m2 = jnp.full((16,), _NEG, jnp.float32)
            i2 = jnp.full((16,), -1, jnp.int32)
            for e in range(1, _E):
                le = ls[e]
                ev = jnp.full((16,), e, jnp.int32)
                gt1 = le > m1
                gt2 = le > m2
                m2 = jnp.where(gt1, m1, jnp.where(gt2, le, m2))
                i2 = jnp.where(gt1, i1, jnp.where(gt2, ev, i2))
                m1 = jnp.where(gt1, le, m1)
                i1 = jnp.where(gt1, ev, i1)
            w1 = _SCALE / (1.0 + jnp.exp(m2 - m1))
            w2 = _SCALE - w1
            zero = jnp.zeros((16,), jnp.float32)
            for e in range(_E):
                ev = jnp.full((16,), e, jnp.int32)
                cvm[pl.ds(e * tpw + off, 16)] = (
                    jnp.where(i1 == ev, w1, zero)
                    + jnp.where(i2 == ev, w2, zero))
        for e in range(_E):
            pltpu.sync_copy(cvm.at[pl.ds(e * tpw, tpw)],
                            ct_hbm.at[pl.ds(e * T + base_t, tpw)])

    return pl.kernel(
        body,
        out_type=jax.ShapeDtypeStruct((_E * T,), jnp.float32),
        mesh=plsc.VectorSubcoreMesh(core_axis_name="c", subcore_axis_name="s"),
        scratch_types=[
            pltpu.VMEM((_E * tpw,), jnp.float32),
            pltpu.VMEM((_E * tpw,), jnp.float32),
        ],
    )(logits_t_flat)


def kernel(input_hidden_states, output_hidden_states, router_hidden_states,
           W_router, W_down, W_up):
    x = input_hidden_states.reshape(-1, _HID)
    y = output_hidden_states.reshape(-1, _HID)
    r = router_hidden_states.reshape(-1, _HID)
    T = x.shape[0]
    grid = T // _TB

    logits_t, logits = pl.pallas_call(
        _router_body,
        grid=(grid,),
        in_specs=[pl.BlockSpec((_TB, _HID), lambda i: (i, 0)),
                  pl.BlockSpec((_E, _HID), lambda i: (0, 0))],
        out_specs=[pl.BlockSpec((_E, _TB), lambda i: (0, i)),
                   pl.BlockSpec((_TB, _E), lambda i: (i, 0))],
        out_shape=[jax.ShapeDtypeStruct((_E, T), jnp.float32),
                   jax.ShapeDtypeStruct((T, _E), jnp.float32)],
    )(r, W_router)

    ct = _sc_topk(logits_t.reshape(-1), T).reshape(_E, T)

    wd = W_down.reshape(_E * _ADIM, _HID)
    wu = W_up.astype(jnp.bfloat16).transpose(0, 2, 1).reshape(_E * _ADIM, _HID)

    out = pl.pallas_call(
        _adapter_body,
        grid=(grid,),
        in_specs=[pl.BlockSpec((_TB, _HID), lambda i: (i, 0)),
                  pl.BlockSpec((_TB, _HID), lambda i: (i, 0)),
                  pl.BlockSpec((_E, _TB), lambda i: (0, i)),
                  pl.BlockSpec((_E * _ADIM, _HID), lambda i: (0, 0)),
                  pl.BlockSpec((_E * _ADIM, _HID), lambda i: (0, 0))],
        out_specs=pl.BlockSpec((_TB, _HID), lambda i: (i, 0)),
        out_shape=jax.ShapeDtypeStruct((T, _HID), jnp.float32),
    )(x, y, ct, wd, wu)

    return out.reshape(output_hidden_states.shape), logits

# --- scband reference (transcript-rebuilt; emitter-appended) ---
"""Pipeline reference for scband-open-raggate-adapter-ro-e-3908420239749 (READ-ONLY COPY).

The authoritative reference and input builder live on the scoring server;
editing this copy changes nothing except your own understanding.
"""

import jax, jax.numpy as jnp
import numpy as np

HID = 2048
E = 8
TOPK = 2
ADIM = 128
SCALE = 2.0
B, S = 2, 2048


def setup_inputs(seed: int = 0) -> dict:
    key = jax.random.key(seed)
    ks = jax.random.split(key, 6)
    input_hidden_states = jax.random.normal(ks[0], (B, S, HID), dtype=jnp.float32)
    output_hidden_states = jax.random.normal(ks[1], (B, S, HID), dtype=jnp.float32)
    router_hidden_states = jax.random.normal(ks[2], (B, S, HID), dtype=jnp.float32)
    W_router = jax.random.normal(ks[3], (E, HID), dtype=jnp.float32) * 0.02
    W_down = jax.random.normal(ks[4], (E, ADIM, HID), dtype=jnp.float32) * 0.02
    W_up = jax.random.normal(ks[5], (E, HID, ADIM), dtype=jnp.float32) * 0.02
    return {
        "input_hidden_states": input_hidden_states,
        "output_hidden_states": output_hidden_states,
        "router_hidden_states": router_hidden_states,
        "W_router": W_router,
        "W_down": W_down,
        "W_up": W_up,
    }


def reference(input_hidden_states, output_hidden_states, router_hidden_states, W_router, W_down, W_up):
    orig_shape = output_hidden_states.shape
    x = input_hidden_states.reshape(-1, HID)
    y = output_hidden_states.reshape(-1, HID)
    r = router_hidden_states.reshape(-1, HID)
    # router linear (no bias)
    router_logits = r @ W_router.T  # [T, E]
    # apply_roe_to_router: RoE inactive (tau=0) -> identity
    expert_weights, expert_indices = jax.lax.top_k(router_logits, TOPK)
    expert_weights = jax.nn.softmax(expert_weights, axis=-1)  # [T, TOPK]
    flat_expert_indices = expert_indices.reshape(-1)  # [T*TOPK]
    x_rep = jnp.repeat(x, TOPK, axis=0)  # [T*TOPK, HID]
    y_rep = jnp.repeat(y, TOPK, axis=0)  # [T*TOPK, HID]
    # expert loop (dropout in eval mode = identity)
    for e in range(E):
        h = x_rep @ W_down[e].T  # [T*TOPK, ADIM]
        h = jax.nn.gelu(h, approximate=False)
        h = h @ W_up[e].T  # [T*TOPK, HID]
        mask = (flat_expert_indices == e)
        y_rep = y_rep + jnp.where(mask[:, None], SCALE * h, 0.0)
    T = expert_weights.shape[0]
    hidden_states = (y_rep.reshape(T, TOPK, HID) * expert_weights[:, :, None]).sum(axis=1)
    return hidden_states.reshape(orig_shape), router_logits

if __name__ == "__main__":
    import jax
    _d = setup_inputs()
    print(jax.jit(kernel)(*tuple(_d.values())))

</pallas_src>

<mosaic_0001>
#map = affine_map<(d0, d1) -> (0)>
module attributes {stable_mosaic.version = 14 : i64} {
  func.func @body(%arg0: i32, %arg1: i32, %arg2: memref<32768xf32, #tpu.memory_space<hbm>>, %arg3: memref<32768xf32, #tpu.memory_space<hbm>>, %arg4: memref<1024xf32, #tpu.memory_space<vmem>>, %arg5: memref<1024xf32, #tpu.memory_space<vmem>>) attributes {dimension_semantics = [#tpu.dimension_semantics<core_parallel>, #tpu.dimension_semantics<subcore_parallel>], iteration_bounds = array<i64: 2, 16>, scalar_prefetch = 0 : i64, scratch_operands = 2 : i64, tpu.core_type = #tpu.core_type<sc_vector_subcore>, window_params = [{transform_indices = #map}, {transform_indices = #map}]} {
    %mul3A = arith.constant 2 : i32
    %mul3A_0 = arith.muli %arg1, %mul3A : i32
    %add3A = arith.addi %mul3A_0, %arg0 : i32
    %mul3A_1 = arith.constant 128 : i32
    %mul3A_2 = arith.muli %add3A, %mul3A_1 : i32
    %add3A_3 = arith.constant 0 : i32
    %add3A_4 = arith.addi %add3A_3, %mul3A_2 : i32
    "tpu.region"() ({
      %run_scoped3A = tpu.sem_alloc : memref<!tpu.dma_semaphore, #tpu.memory_space<semaphore_mem>>
      %dma_start3A = arith.constant 0 : i32
      %dma_start3A_1634 = tpu.memref_slice %arg4[%dma_start3A] : memref<1024xf32, #tpu.memory_space<vmem>> -> memref<128xf32, #tpu.memory_space<vmem>>
      %dma_start3A_1635 = tpu.memref_slice %arg2[%add3A_4] : memref<32768xf32, #tpu.memory_space<hbm>> -> memref<128xf32, #tpu.memory_space<hbm>>
      %dma_start3A_1636 = arith.constant 0 : i32
      %dma_start3A_1637 = tpu.memref_slice %arg4[%dma_start3A_1636] : memref<1024xf32, #tpu.memory_space<vmem>> -> memref<128xf32, #tpu.memory_space<vmem>>
      %dma_start3A_1638 = tpu.memref_slice %arg2[%add3A_4] : memref<32768xf32, #tpu.memory_space<hbm>> -> memref<128xf32, #tpu.memory_space<hbm>>
      tpu.enqueue_dma source(%dma_start3A_1638 : memref<128xf32, #tpu.memory_space<hbm>>) target(%dma_start3A_1637 : memref<128xf32, #tpu.memory_space<vmem>>) target_semaphore(%run_scoped3A : memref<!tpu.dma_semaphore, #tpu.memory_space<semaphore_mem>>)
      %dma_wait3A = arith.constant 0 : i32
      %dma_wait3A_1639 = tpu.memref_slice %arg4[%dma_wait3A] : memref<1024xf32, #tpu.memory_space<vmem>> -> memref<128xf32, #tpu.memory_space<vmem>>
      %dma_wait3A_1640 = tpu.memref_slice %arg2[%add3A_4] : memref<32768xf32, #tpu.memory_space<hbm>> -> memref<128xf32, #tpu.memory_space<hbm>>
      %dma_wait3A_1641 = arith.constant 0 : i32
      %dma_wait3A_1642 = tpu.memref_slice %arg4[%dma_wait3A_1641] : memref<1024xf32, #tpu.memory_space<vmem>> -> memref<128xf32, #tpu.memory_space<vmem>>
      %dma_wait3A_1643 = tpu.memref_slice %arg2[%add3A_4] : memref<32768xf32, #tpu.memory_space<hbm>> -> memref<128xf32, #tpu.memory_space<hbm>>
      tpu.wait_dma2 semaphore(%run_scoped3A : memref<!tpu.dma_semaphore, #tpu.memory_space<semaphore_mem>>) src(%dma_wait3A_1643 : memref<128xf32, #tpu.memory_space<hbm>>) dst(%dma_wait3A_1642 : memref<128xf32, #tpu.memory_space<vmem>>)
      tpu.yield
    }) : () -> ()
    %add3A_5 = arith.constant 4096 : i32
    %add3A_6 = arith.addi %add3A_5, %mul3A_2 : i32
    "tpu.region"() ({
      %run_scoped3A = tpu.sem_alloc : memref<!tpu.dma_semaphore, #tpu.memory_space<semaphore_mem>>
      %dma_start3A = arith.constant 128 : i32
      %dma_start3A_1634 = tpu.memref_slice %arg4[%dma_start3A] : memref<1024xf32, #tpu.memory_space<vmem>> -> memref<128xf32, #tpu.memory_space<vmem>>
      %dma_start3A_1635 = tpu.memref_slice %arg2[%add3A_6] : memref<32768xf32, #tpu.memory_space<hbm>> -> memref<128xf32, #tpu.memory_space<hbm>>
      %dma_start3A_1636 = arith.constant 128 : i32
      %dma_start3A_1637 = tpu.memref_slice %arg4[%dma_start3A_1636] : memref<1024xf32, #tpu.memory_space<vmem>> -> memref<128xf32, #tpu.memory_space<vmem>>
      %dma_start3A_1638 = tpu.memref_slice %arg2[%add3A_6] : memref<32768xf32, #tpu.memory_space<hbm>> -> memref<128xf32, #tpu.memory_space<hbm>>
      tpu.enqueue_dma source(%dma_start3A_1638 : memref<128xf32, #tpu.memory_space<hbm>>) target(%dma_start3A_1637 : memref<128xf32, #tpu.memory_space<vmem>>) target_semaphore(%run_scoped3A : memref<!tpu.dma_semaphore, #tpu.memory_space<semaphore_mem>>)
      %dma_wait3A = arith.constant 128 : i32
      %dma_wait3A_1639 = tpu.memref_slice %arg4[%dma_wait3A] : memref<1024xf32, #tpu.memory_space<vmem>> -> memref<128xf32, #tpu.memory_space<vmem>>
      %dma_wait3A_1640 = tpu.memref_slice %arg2[%add3A_6] : memref<32768xf32, #tpu.memory_space<hbm>> -> memref<128xf32, #tpu.memory_space<hbm>>
      %dma_wait3A_1641 = arith.constant 128 : i32
      %dma_wait3A_1642 = tpu.memref_slice %arg4[%dma_wait3A_1641] : memref<1024xf32, #tpu.memory_space<vmem>> -> memref<128xf32, #tpu.memory_space<vmem>>
      %dma_wait3A_1643 = tpu.memref_slice %arg2[%add3A_6] : memref<32768xf32, #tpu.memory_space<hbm>> -> memref<128xf32, #tpu.memory_space<hbm>>
      tpu.wait_dma2 semaphore(%run_scoped3A : memref<!tpu.dma_semaphore, #tpu.memory_space<semaphore_mem>>) src(%dma_wait3A_1643 : memref<128xf32, #tpu.memory_space<hbm>>) dst(%dma_wait3A_1642 : memref<128xf32, #tpu.memory_space<vmem>>)
      tpu.yield
    }) : () -> ()
    %add3A_7 = arith.constant 8192 : i32
    %add3A_8 = arith.addi %add3A_7, %mul3A_2 : i32
    "tpu.region"() ({
      %run_scoped3A = tpu.sem_alloc : memref<!tpu.dma_semaphore, #tpu.memory_space<semaphore_mem>>
      %dma_start3A = arith.constant 256 : i32
      %dma_start3A_1634 = tpu.memref_slice %arg4[%dma_start3A] : memref<1024xf32, #tpu.memory_space<vmem>> -> memref<128xf32, #tpu.memory_space<vmem>>
      %dma_start3A_1635 = tpu.memref_slice %arg2[%add3A_8] : memref<32768xf32, #tpu.memory_space<hbm>> -> memref<128xf32, #tpu.memory_space<hbm>>
      %dma_start3A_1636 = arith.constant 256 : i32
      %dma_start3A_1637 = tpu.memref_slice %arg4[%dma_start3A_1636] : memref<1024xf32, #tpu.memory_space<vmem>> -> memref<128xf32, #tpu.memory_space<vmem>>
      %dma_start3A_1638 = tpu.memref_slice %arg2[%add3A_8] : memref<32768xf32, #tpu.memory_space<hbm>> -> memref<128xf32, #tpu.memory_space<hbm>>
      tpu.enqueue_dma source(%dma_start3A_1638 : memref<128xf32, #tpu.memory_space<hbm>>) target(%dma_start3A_1637 : memref<128xf32, #tpu.memory_space<vmem>>) target_semaphore(%run_scoped3A : memref<!tpu.dma_semaphore, #tpu.memory_space<semaphore_mem>>)
      %dma_wait3A = arith.constant 256 : i32
      %dma_wait3A_1639 = tpu.memref_slice %arg4[%dma_wait3A] : memref<1024xf32, #tpu.memory_space<vmem>> -> memref<128xf32, #tpu.memory_space<vmem>>
      %dma_wait3A_1640 = tpu.memref_slice %arg2[%add3A_8] : memref<32768xf32, #tpu.memory_space<hbm>> -> memref<128xf32, #tpu.memory_space<hbm>>
      %dma_wait3A_1641 = arith.constant 256 : i32
      %dma_wait3A_1642 = tpu.memref_slice %arg4[%dma_wait3A_1641] : memref<1024xf32, #tpu.memory_space<vmem>> -> memref<128xf32, #tpu.memory_space<vmem>>
      %dma_wait3A_1643 = tpu.memref_slice %arg2[%add3A_8] : memref<32768xf32, #tpu.memory_space<hbm>> -> memref<128xf32, #tpu.memory_space<hbm>>
      tpu.wait_dma2 semaphore(%run_scoped3A : memref<!tpu.dma_semaphore, #tpu.memory_space<semaphore_mem>>) src(%dma_wait3A_1643 : memref<128xf32, #tpu.memory_space<hbm>>) dst(%dma_wait3A_1642 : memref<128xf32, #tpu.memory_space<vmem>>)
      tpu.yield
    }) : () -> ()
    %add3A_9 = arith.constant 12288 : i32
    %add3A_10 = arith.addi %add3A_9, %mul3A_2 : i32
    "tpu.region"() ({
      %run_scoped3A = tpu.sem_alloc : memref<!tpu.dma_semaphore, #tpu.memory_space<semaphore_mem>>
      %dma_start3A = arith.constant 384 : i32
      %dma_start3A_1634 = tpu.memref_slice %arg4[%dma_start3A] : memref<1024xf32, #tpu.memory_space<vmem>> -> memref<128xf32, #tpu.memory_space<vmem>>
      %dma_start3A_1635 = tpu.memref_slice %arg2[%add3A_10] : memref<32768xf32, #tpu.memory_space<hbm>> -> memref<128xf32, #tpu.memory_space<hbm>>
      %dma_start3A_1636 = arith.constant 384 : i32
      %dma_start3A_1637 = tpu.memref_slice %arg4[%dma_start3A_1636] : memref<1024xf32, #tpu.memory_space<vmem>> -> memref<128xf32, #tpu.memory_space<vmem>>
      %dma_start3A_1638 = tpu.memref_slice %arg2[%add3A_10] : memref<32768xf32, #tpu.memory_space<hbm>> -> memref<128xf32, #tpu.memory_space<hbm>>
      tpu.enqueue_dma source(%dma_start3A_1638 : memref<128xf32, #tpu.memory_space<hbm>>) target(%dma_start3A_1637 : memref<128xf32, #tpu.memory_space<vmem>>) target_semaphore(%run_scoped3A : memref<!tpu.dma_semaphore, #tpu.memory_space<semaphore_mem>>)
      %dma_wait3A = arith.constant 384 : i32
      %dma_wait3A_1639 = tpu.memref_slice %arg4[%dma_wait3A] : memref<1024xf32, #tpu.memory_space<vmem>> -> memref<128xf32, #tpu.memory_space<vmem>>
      %dma_wait3A_1640 = tpu.memref_slice %arg2[%add3A_10] : memref<32768xf32, #tpu.memory_space<hbm>> -> memref<128xf32, #tpu.memory_space<hbm>>
      %dma_wait3A_1641 = arith.constant 384 : i32
      %dma_wait3A_1642 = tpu.memref_slice %arg4[%dma_wait3A_1641] : memref<1024xf32, #tpu.memory_space<vmem>> -> memref<128xf32, #tpu.memory_space<vmem>>
      %dma_wait3A_1643 = tpu.memref_slice %arg2[%add3A_10] : memref<32768xf32, #tpu.memory_space<hbm>> -> memref<128xf32, #tpu.memory_space<hbm>>
      tpu.wait_dma2 semaphore(%run_scoped3A : memref<!tpu.dma_semaphore, #tpu.memory_space<semaphore_mem>>) src(%dma_wait3A_1643 : memref<128xf32, #tpu.memory_space<hbm>>) dst(%dma_wait3A_1642 : memref<128xf32, #tpu.memory_space<vmem>>)
      tpu.yield
    }) : () -> ()
    %add3A_11 = arith.constant 16384 : i32
    %add3A_12 = arith.addi %add3A_11, %mul3A_2 : i32
    "tpu.region"() ({
      %run_scoped3A = tpu.sem_alloc : memref<!tpu.dma_semaphore, #tpu.memory_space<semaphore_mem>>
      %dma_start3A = arith.constant 512 : i32
      %dma_start3A_1634 = tpu.memref_slice %arg4[%dma_start3A] : memref<1024xf32, #tpu.memory_space<vmem>> -> memref<128xf32, #tpu.memory_space<vmem>>
      %dma_start3A_1635 = tpu.memref_slice %arg2[%add3A_12] : memref<32768xf32, #tpu.memory_space<hbm>> -> memref<128xf32, #tpu.memory_space<hbm>>
      %dma_start3A_1636 = arith.constant 512 : i32
      %dma_start3A_1637 = tpu.memref_slice %arg4[%dma_start3A_1636] : memref<1024xf32, #tpu.memory_space<vmem>> -> memref<128xf32, #tpu.memory_space<vmem>>
      %dma_start3A_1638 = tpu.memref_slice %arg2[%add3A_12] : memref<32768xf32, #tpu.memory_space<hbm>> -> memref<128xf32, #tpu.memory_space<hbm>>
      tpu.enqueue_dma source(%dma_start3A_1638 : memref<128xf32, #tpu.memory_space<hbm>>) target(%dma_start3A_1637 : memref<128xf32, #tpu.memory_space<vmem>>) target_semaphore(%run_scoped3A : memref<!tpu.dma_semaphore, #tpu.memory_space<semaphore_mem>>)
      %dma_wait3A = arith.constant 512 : i32
      %dma_wait3A_1639 = tpu.memref_slice %arg4[%dma_wait3A] : memref<1024xf32, #tpu.memory_space<vmem>> -> memref<128xf32, #tpu.memory_space<vmem>>
      %dma_wait3A_1640 = tpu.memref_slice %arg2[%add3A_12] : memref<32768xf32, #tpu.memory_space<hbm>> -> memref<128xf32, #tpu.memory_space<hbm>>
      %dma_wait3A_1641 = arith.constant 512 : i32
      %dma_wait3A_1642 = tpu.memref_slice %arg4[%dma_wait3A_1641] : memref<1024xf32, #tpu.memory_space<vmem>> -> memref<128xf32, #tpu.memory_space<vmem>>
      %dma_wait3A_1643 = tpu.memref_slice %arg2[%add3A_12] : memref<32768xf32, #tpu.memory_space<hbm>> -> memref<128xf32, #tpu.memory_space<hbm>>
      tpu.wait_dma2 semaphore(%run_scoped3A : memref<!tpu.dma_semaphore, #tpu.memory_space<semaphore_mem>>) src(%dma_wait3A_1643 : memref<128xf32, #tpu.memory_space<hbm>>) dst(%dma_wait3A_1642 : memref<128xf32, #tpu.memory_space<vmem>>)
      tpu.yield
    }) : () -> ()
    %add3A_13 = arith.constant 20480 : i32
    %add3A_14 = arith.addi %add3A_13, %mul3A_2 : i32
    "tpu.region"() ({
      %run_scoped3A = tpu.sem_alloc : memref<!tpu.dma_semaphore, #tpu.memory_space<semaphore_mem>>
      %dma_start3A = arith.constant 640 : i32
      %dma_start3A_1634 = tpu.memref_slice %arg4[%dma_start3A] : memref<1024xf32, #tpu.memory_space<vmem>> -> memref<128xf32, #tpu.memory_space<vmem>>
      %dma_start3A_1635 = tpu.memref_slice %arg2[%add3A_14] : memref<32768xf32, #tpu.memory_space<hbm>> -> memref<128xf32, #tpu.memory_space<hbm>>
      %dma_start3A_1636 = arith.constant 640 : i32
      %dma_start3A_1637 = tpu.memref_slice %arg4[%dma_start3A_1636] : memref<1024xf32, #tpu.memory_space<vmem>> -> memref<128xf32, #tpu.memory_space<vmem>>
      %dma_start3A_1638 = tpu.memref_slice %arg2[%add3A_14] : memref<32768xf32, #tpu.memory_space<hbm>> -> memref<128xf32, #tpu.memory_space<hbm>>
      tpu.enqueue_dma source(%dma_start3A_1638 : memref<128xf32, #tpu.memory_space<hbm>>) target(%dma_start3A_1637 : memref<128xf32, #tpu.memory_space<vmem>>) target_semaphore(%run_scoped3A : memref<!tpu.dma_semaphore, #tpu.memory_space<semaphore_mem>>)
      %dma_wait3A = arith.constant 640 : i32
      %dma_wait3A_1639 = tpu.memref_slice %arg4[%dma_wait3A] : memref<1024xf32, #tpu.memory_space<vmem>> -> memref<128xf32, #tpu.memory_space<vmem>>
      %dma_wait3A_1640 = tpu.memref_slice %arg2[%add3A_14] : memref<32768xf32, #tpu.memory_space<hbm>> -> memref<128xf32, #tpu.memory_space<hbm>>
      %dma_wait3A_1641 = arith.constant 640 : i32
      %dma_wait3A_1642 = tpu.memref_slice %arg4[%dma_wait3A_1641] : memref<1024xf32, #tpu.memory_space<vmem>> -> memref<128xf32, #tpu.memory_space<vmem>>
      %dma_wait3A_1643 = tpu.memref_slice %arg2[%add3A_14] : memref<32768xf32, #tpu.memory_space<hbm>> -> memref<128xf32, #tpu.memory_space<hbm>>
      tpu.wait_dma2 semaphore(%run_scoped3A : memref<!tpu.dma_semaphore, #tpu.memory_space<semaphore_mem>>) src(%dma_wait3A_1643 : memref<128xf32, #tpu.memory_space<hbm>>) dst(%dma_wait3A_1642 : memref<128xf32, #tpu.memory_space<vmem>>)
      tpu.yield
    }) : () -> ()
    %add3A_15 = arith.constant 24576 : i32
    %add3A_16 = arith.addi %add3A_15, %mul3A_2 : i32
    "tpu.region"() ({
      %run_scoped3A = tpu.sem_alloc : memref<!tpu.dma_semaphore, #tpu.memory_space<semaphore_mem>>
      %dma_start3A = arith.constant 768 : i32
      %dma_start3A_1634 = tpu.memref_slice %arg4[%dma_start3A] : memref<1024xf32, #tpu.memory_space<vmem>> -> memref<128xf32, #tpu.memory_space<vmem>>
      %dma_start3A_1635 = tpu.memref_slice %arg2[%add3A_16] : memref<32768xf32, #tpu.memory_space<hbm>> -> memref<128xf32, #tpu.memory_space<hbm>>
      %dma_start3A_1636 = arith.constant 768 : i32
      %dma_start3A_1637 = tpu.memref_slice %arg4[%dma_start3A_1636] : memref<1024xf32, #tpu.memory_space<vmem>> -> memref<128xf32, #tpu.memory_space<vmem>>
      %dma_start3A_1638 = tpu.memref_slice %arg2[%add3A_16] : memref<32768xf32, #tpu.memory_space<hbm>> -> memref<128xf32, #tpu.memory_space<hbm>>
      tpu.enqueue_dma source(%dma_start3A_1638 : memref<128xf32, #tpu.memory_space<hbm>>) target(%dma_start3A_1637 : memref<128xf32, #tpu.memory_space<vmem>>) target_semaphore(%run_scoped3A : memref<!tpu.dma_semaphore, #tpu.memory_space<semaphore_mem>>)
      %dma_wait3A = arith.constant 768 : i32
      %dma_wait3A_1639 = tpu.memref_slice %arg4[%dma_wait3A] : memref<1024xf32, #tpu.memory_space<vmem>> -> memref<128xf32, #tpu.memory_space<vmem>>
      %dma_wait3A_1640 = tpu.memref_slice %arg2[%add3A_16] : memref<32768xf32, #tpu.memory_space<hbm>> -> memref<128xf32, #tpu.memory_space<hbm>>
      %dma_wait3A_1641 = arith.constant 768 : i32
      %dma_wait3A_1642 = tpu.memref_slice %arg4[%dma_wait3A_1641] : memref<1024xf32, #tpu.memory_space<vmem>> -> memref<128xf32, #tpu.memory_space<vmem>>
      %dma_wait3A_1643 = tpu.memref_slice %arg2[%add3A_16] : memref<32768xf32, #tpu.memory_space<hbm>> -> memref<128xf32, #tpu.memory_space<hbm>>
      tpu.wait_dma2 semaphore(%run_scoped3A : memref<!tpu.dma_semaphore, #tpu.memory_space<semaphore_mem>>) src(%dma_wait3A_1643 : memref<128xf32, #tpu.memory_space<hbm>>) dst(%dma_wait3A_1642 : memref<128xf32, #tpu.memory_space<vmem>>)
      tpu.yield
    }) : () -> ()
    %add3A_17 = arith.constant 28672 : i32
    %add3A_18 = arith.addi %add3A_17, %mul3A_2 : i32
    "tpu.region"() ({
      %run_scoped3A = tpu.sem_alloc : memref<!tpu.dma_semaphore, #tpu.memory_space<semaphore_mem>>
      %dma_start3A = arith.constant 896 : i32
      %dma_start3A_1634 = tpu.memref_slice %arg4[%dma_start3A] : memref<1024xf32, #tpu.memory_space<vmem>> -> memref<128xf32, #tpu.memory_space<vmem>>
      %dma_start3A_1635 = tpu.memref_slice %arg2[%add3A_18] : memref<32768xf32, #tpu.memory_space<hbm>> -> memref<128xf32, #tpu.memory_space<hbm>>
      %dma_start3A_1636 = arith.constant 896 : i32
      %dma_start3A_1637 = tpu.memref_slice %arg4[%dma_start3A_1636] : memref<1024xf32, #tpu.memory_space<vmem>> -> memref<128xf32, #tpu.memory_space<vmem>>
      %dma_start3A_1638 = tpu.memref_slice %arg2[%add3A_18] : memref<32768xf32, #tpu.memory_space<hbm>> -> memref<128xf32, #tpu.memory_space<hbm>>
      tpu.enqueue_dma source(%dma_start3A_1638 : memref<128xf32, #tpu.memory_space<hbm>>) target(%dma_start3A_1637 : memref<128xf32, #tpu.memory_space<vmem>>) target_semaphore(%run_scoped3A : memref<!tpu.dma_semaphore, #tpu.memory_space<semaphore_mem>>)
      %dma_wait3A = arith.constant 896 : i32
      %dma_wait3A_1639 = tpu.memref_slice %arg4[%dma_wait3A] : memref<1024xf32, #tpu.memory_space<vmem>> -> memref<128xf32, #tpu.memory_space<vmem>>
      %dma_wait3A_1640 = tpu.memref_slice %arg2[%add3A_18] : memref<32768xf32, #tpu.memory_space<hbm>> -> memref<128xf32, #tpu.memory_space<hbm>>
      %dma_wait3A_1641 = arith.constant 896 : i32
      %dma_wait3A_1642 = tpu.memref_slice %arg4[%dma_wait3A_1641] : memref<1024xf32, #tpu.memory_space<vmem>> -> memref<128xf32, #tpu.memory_space<vmem>>
      %dma_wait3A_1643 = tpu.memref_slice %arg2[%add3A_18] : memref<32768xf32, #tpu.memory_space<hbm>> -> memref<128xf32, #tpu.memory_space<hbm>>
      tpu.wait_dma2 semaphore(%run_scoped3A : memref<!tpu.dma_semaphore, #tpu.memory_space<semaphore_mem>>) src(%dma_wait3A_1643 : memref<128xf32, #tpu.memory_space<hbm>>) dst(%dma_wait3A_1642 : memref<128xf32, #tpu.memory_space<vmem>>)
      tpu.yield
    }) : () -> ()
    %get3A = arith.constant 0 : index
    %get3A_19 = tpu.vector_load %arg4[%get3A] {strides = array<i32>} : memref<1024xf32, #tpu.memory_space<vmem>>, vector<16xf32>,
    %get3A_20 = vector.shape_cast %get3A_19 : vector<16xf32> to vector<16xf32>
    %get3A_21 = arith.constant 128 : index
    %get3A_22 = tpu.vector_load %arg4[%get3A_21] {strides = array<i32>} : memref<1024xf32, #tpu.memory_space<vmem>>, vector<16xf32>,
    %get3A_23 = vector.shape_cast %get3A_22 : vector<16xf32> to vector<16xf32>
    %get3A_24 = arith.constant 256 : index
    %get3A_25 = tpu.vector_load %arg4[%get3A_24] {strides = array<i32>} : memref<1024xf32, #tpu.memory_space<vmem>>, vector<16xf32>,
    %get3A_26 = vector.shape_cast %get3A_25 : vector<16xf32> to vector<16xf32>
    %get3A_27 = arith.constant 384 : index
    %get3A_28 = tpu.vector_load %arg4[%get3A_27] {strides = array<i32>} : memref<1024xf32, #tpu.memory_space<vmem>>, vector<16xf32>,
    %get3A_29 = vector.shape_cast %get3A_28 : vector<16xf32> to vector<16xf32>
    %get3A_30 = arith.constant 512 : index
    %get3A_31 = tpu.vector_load %arg4[%get3A_30] {strides = array<i32>} : memref<1024xf32, #tpu.memory_space<vmem>>, vector<16xf32>,
    %get3A_32 = vector.shape_cast %get3A_31 : vector<16xf32> to vector<16xf32>
    %get3A_33 = arith.constant 640 : index
    %get3A_34 = tpu.vector_load %arg4[%get3A_33] {strides = array<i32>} : memref<1024xf32, #tpu.memory_space<vmem>>, vector<16xf32>,
    %get3A_35 = vector.shape_cast %get3A_34 : vector<16xf32> to vector<16xf32>
    %get3A_36 = arith.constant 768 : index
    %get3A_37 = tpu.vector_load %arg4[%get3A_36] {strides = array<i32>} : memref<1024xf32, #tpu.memory_space<vmem>>, vector<16xf32>,
    %get3A_38 = vector.shape_cast %get3A_37 : vector<16xf32> to vector<16xf32>
    %get3A_39 = arith.constant 896 : index
    %get3A_40 = tpu.vector_load %arg4[%get3A_39] {strides = array<i32>} : memref<1024xf32, #tpu.memory_space<vmem>>, vector<16xf32>,
    %get3A_41 = vector.shape_cast %get3A_40 : vector<16xf32> to vector<16xf32>
    %broadcast_in_dim3A = arith.constant 0 : i32
    %broadcast_in_dim3A_42 = vector.broadcast %broadcast_in_dim3A : i32 to vector<16xi32>
    %broadcast_in_dim3A_43 = arith.constant -3.000000e+38 : f32
    %broadcast_in_dim3A_44 = vector.broadcast %broadcast_in_dim3A_43 : f32 to vector<16xf32>
    %broadcast_in_dim3A_45 = arith.constant -1 : i32
    %broadcast_in_dim3A_46 = vector.broadcast %broadcast_in_dim3A_45 : i32 to vector<16xi32>
    %broadcast_in_dim3A_47 = arith.constant 1 : i32
    %broadcast_in_dim3A_48 = vector.broadcast %broadcast_in_dim3A_47 : i32 to vector<16xi32>
    %gt3A = arith.cmpf ogt, %get3A_23, %get3A_20 : vector<16xf32>
    %gt3A_49 = arith.cmpf ogt, %get3A_23, %broadcast_in_dim3A_44 : vector<16xf32>
    %select_n3A = arith.select %gt3A_49, %get3A_23, %broadcast_in_dim3A_44 : vector<16xi1>, vector<16xf32>
    %select_n3A_50 = arith.select %gt3A, %get3A_20, %select_n3A : vector<16xi1>, vector<16xf32>
    %select_n3A_51 = arith.select %gt3A_49, %broadcast_in_dim3A_48, %broadcast_in_dim3A_46 : vector<16xi1>, vector<16xi32>
    %select_n3A_52 = arith.select %gt3A, %broadcast_in_dim3A_42, %select_n3A_51 : vector<16xi1>, vector<16xi32>
    %select_n3A_53 = arith.select %gt3A, %get3A_23, %get3A_20 : vector<16xi1>, vector<16xf32>
    %select_n3A_54 = arith.select %gt3A, %broadcast_in_dim3A_48, %broadcast_in_dim3A_42 : vector<16xi1>, vector<16xi32>
    %broadcast_in_dim3A_55 = arith.constant 2 : i32
    %broadcast_in_dim3A_56 = vector.broadcast %broadcast_in_dim3A_55 : i32 to vector<16xi32>
    %gt3A_57 = arith.cmpf ogt, %get3A_26, %select_n3A_53 : vector<16xf32>
    %gt3A_58 = arith.cmpf ogt, %get3A_26, %select_n3A_50 : vector<16xf32>
    %select_n3A_59 = arith.select %gt3A_58, %get3A_26, %select_n3A_50 : vector<16xi1>, vector<16xf32>
    %select_n3A_60 = arith.select %gt3A_57, %select_n3A_53, %select_n3A_59 : vector<16xi1>, vector<16xf32>
    %select_n3A_61 = arith.select %gt3A_58, %broadcast_in_dim3A_56, %select_n3A_52 : vector<16xi1>, vector<16xi32>
    %select_n3A_62 = arith.select %gt3A_57, %select_n3A_54, %select_n3A_61 : vector<16xi1>, vector<16xi32>
    %select_n3A_63 = arith.select %gt3A_57, %get3A_26, %select_n3A_53 : vector<16xi1>, vector<16xf32>
    %select_n3A_64 = arith.select %gt3A_57, %broadcast_in_dim3A_56, %select_n3A_54 : vector<16xi1>, vector<16xi32>
    %broadcast_in_dim3A_65 = arith.constant 3 : i32
    %broadcast_in_dim3A_66 = vector.broadcast %broadcast_in_dim3A_65 : i32 to vector<16xi32>
    %gt3A_67 = arith.cmpf ogt, %get3A_29, %select_n3A_63 : vector<16xf32>
    %gt3A_68 = arith.cmpf ogt, %get3A_29, %select_n3A_60 : vector<16xf32>
    %select_n3A_69 = arith.select %gt3A_68, %get3A_29, %select_n3A_60 : vector<16xi1>, vector<16xf32>
    %select_n3A_70 = arith.select %gt3A_67, %select_n3A_63, %select_n3A_69 : vector<16xi1>, vector<16xf32>
    %select_n3A_71 = arith.select %gt3A_68, %broadcast_in_dim3A_66, %select_n3A_62 : vector<16xi1>, vector<16xi32>
    %select_n3A_72 = arith.select %gt3A_67, %select_n3A_64, %select_n3A_71 : vector<16xi1>, vector<16xi32>
    %select_n3A_73 = arith.select %gt3A_67, %get3A_29, %select_n3A_63 : vector<16xi1>, vector<16xf32>
    %select_n3A_74 = arith.select %gt3A_67, %broadcast_in_dim3A_66, %select_n3A_64 : vector<16xi1>, vector<16xi32>
    %broadcast_in_dim3A_75 = arith.constant 4 : i32
    %broadcast_in_dim3A_76 = vector.broadcast %broadcast_in_dim3A_75 : i32 to vector<16xi32>
    %gt3A_77 = arith.cmpf ogt, %get3A_32, %select_n3A_73 : vector<16xf32>
    %gt3A_78 = arith.cmpf ogt, %get3A_32, %select_n3A_70 : vector<16xf32>
    %select_n3A_79 = arith.select %gt3A_78, %get3A_32, %select_n3A_70 : vector<16xi1>, vector<16xf32>
    %select_n3A_80 = arith.select %gt3A_77, %select_n3A_73, %select_n3A_79 : vector<16xi1>, vector<16xf32>
    %select_n3A_81 = arith.select %gt3A_78, %broadcast_in_dim3A_76, %select_n3A_72 : vector<16xi1>, vector<16xi32>
    %select_n3A_82 = arith.select %gt3A_77, %select_n3A_74, %select_n3A_81 : vector<16xi1>, vector<16xi32>
    %select_n3A_83 = arith.select %gt3A_77, %get3A_32, %select_n3A_73 : vector<16xi1>, vector<16xf32>
    %select_n3A_84 = arith.select %gt3A_77, %broadcast_in_dim3A_76, %select_n3A_74 : vector<16xi1>, vector<16xi32>
    %broadcast_in_dim3A_85 = arith.constant 5 : i32
    %broadcast_in_dim3A_86 = vector.broadcast %broadcast_in_dim3A_85 : i32 to vector<16xi32>
    %gt3A_87 = arith.cmpf ogt, %get3A_35, %select_n3A_83 : vector<16xf32>
    %gt3A_88 = arith.cmpf ogt, %get3A_35, %select_n3A_80 : vector<16xf32>
    %select_n3A_89 = arith.select %gt3A_88, %get3A_35, %select_n3A_80 : vector<16xi1>, vector<16xf32>
    %select_n3A_90 = arith.select %gt3A_87, %select_n3A_83, %select_n3A_89 : vector<16xi1>, vector<16xf32>
    %select_n3A_91 = arith.select %gt3A_88, %broadcast_in_dim3A_86, %select_n3A_82 : vector<16xi1>, vector<16xi32>
    %select_n3A_92 = arith.select %gt3A_87, %select_n3A_84, %select_n3A_91 : vector<16xi1>, vector<16xi32>
    %select_n3A_93 = arith.select %gt3A_87, %get3A_35, %select_n3A_83 : vector<16xi1>, vector<16xf32>
    %select_n3A_94 = arith.select %gt3A_87, %broadcast_in_dim3A_86, %select_n3A_84 : vector<16xi1>, vector<16xi32>
    %broadcast_in_dim3A_95 = arith.constant 6 : i32
    %broadcast_in_dim3A_96 = vector.broadcast %broadcast_in_dim3A_95 : i32 to vector<16xi32>
    %gt3A_97 = arith.cmpf ogt, %get3A_38, %select_n3A_93 : vector<16xf32>
    %gt3A_98 = arith.cmpf ogt, %get3A_38, %select_n3A_90 : vector<16xf32>
    %select_n3A_99 = arith.select %gt3A_98, %get3A_38, %select_n3A_90 : vector<16xi1>, vector<16xf32>
    %select_n3A_100 = arith.select %gt3A_97, %select_n3A_93, %select_n3A_99 : vector<16xi1>, vector<16xf32>
    %select_n3A_101 = arith.select %gt3A_98, %broadcast_in_dim3A_96, %select_n3A_92 : vector<16xi1>, vector<16xi32>
    %select_n3A_102 = arith.select %gt3A_97, %select_n3A_94, %select_n3A_101 : vector<16xi1>, vector<16xi32>
    %select_n3A_103 = arith.select %gt3A_97, %get3A_38, %select_n3A_93 : vector<16xi1>, vector<16xf32>
    %select_n3A_104 = arith.select %gt3A_97, %broadcast_in_dim3A_96, %select_n3A_94 : vector<16xi1>, vector<16xi32>
    %broadcast_in_dim3A_105 = arith.constant 7 : i32
    %broadcast_in_dim3A_106 = vector.broadcast %broadcast_in_dim3A_105 : i32 to vector<16xi32>
    %gt3A_107 = arith.cmpf ogt, %get3A_41, %select_n3A_103 : vector<16xf32>
    %gt3A_108 = arith.cmpf ogt, %get3A_41, %select_n3A_100 : vector<16xf32>
    %select_n3A_109 = arith.select %gt3A_108, %get3A_41, %select_n3A_100 : vector<16xi1>, vector<16xf32>
    %select_n3A_110 = arith.select %gt3A_107, %select_n3A_103, %select_n3A_109 : vector<16xi1>, vector<16xf32>
    %select_n3A_111 = arith.select %gt3A_108, %broadcast_in_dim3A_106, %select_n3A_102 : vector<16xi1>, vector<16xi32>
    %select_n3A_112 = arith.select %gt3A_107, %select_n3A_104, %select_n3A_111 : vector<16xi1>, vector<16xi32>
    %select_n3A_113 = arith.select %gt3A_107, %get3A_41, %select_n3A_103 : vector<16xi1>, vector<16xf32>
    %select_n3A_114 = arith.select %gt3A_107, %broadcast_in_dim3A_106, %select_n3A_104 : vector<16xi1>, vector<16xi32>
    %sub3A = arith.subf %select_n3A_110, %select_n3A_113 : vector<16xf32>
    %exp3A = math.exp %sub3A : vector<16xf32>
    %add3A_115 = arith.constant 1.000000e+00 : f32
    %add3A_116 = vector.broadcast %add3A_115 : f32 to vector<16xf32>
    %add3A_117 = arith.addf %add3A_116, %exp3A : vector<16xf32>
    %div3A = arith.constant 2.000000e+00 : f32
    %div3A_118 = vector.broadcast %div3A : f32 to vector<16xf32>
    %div3A_119 = arith.divf %div3A_118, %add3A_117 : vector<16xf32>
    %sub3A_120 = arith.constant 2.000000e+00 : f32
    %sub3A_121 = vector.broadcast %sub3A_120 : f32 to vector<16xf32>
    %sub3A_122 = arith.subf %sub3A_121, %div3A_119 : vector<16xf32>
    %broadcast_in_dim3A_123 = arith.constant 0.000000e+00 : f32
    %broadcast_in_dim3A_124 = vector.broadcast %broadcast_in_dim3A_123 : f32 to vector<16xf32>
    %broadcast_in_dim3A_125 = arith.constant 0 : i32
    %broadcast_in_dim3A_126 = vector.broadcast %broadcast_in_dim3A_125 : i32 to vector<16xi32>
    %eq3A = arith.cmpi eq, %select_n3A_114, %broadcast_in_dim3A_126 : vector<16xi32>
    %select_n3A_127 = arith.select %eq3A, %div3A_119, %broadcast_in_dim3A_124 : vector<16xi1>, vector<16xf32>
    %eq3A_128 = arith.cmpi eq, %select_n3A_112, %broadcast_in_dim3A_126 : vector<16xi32>
    %select_n3A_129 = arith.select %eq3A_128, %sub3A_122, %broadcast_in_dim3A_124 : vector<16xi1>, vector<16xf32>
    %add3A_130 = arith.addf %select_n3A_127, %select_n3A_129 : vector<16xf32>
    %swap3A = arith.constant 0 : index
    %swap3A_131 = tpu.vector_load %arg5[%swap3A] {strides = array<i32>} : memref<1024xf32, #tpu.memory_space<vmem>>, vector<16xf32>,
    %swap3A_132 = vector.shape_cast %swap3A_131 : vector<16xf32> to vector<16xf32>
    %swap3A_133 = vector.shape_cast %add3A_130 : vector<16xf32> to vector<16xf32>
    tpu.vector_store %arg5[%swap3A], %swap3A_133 {strides = array<i32>} : memref<1024xf32, #tpu.memory_space<vmem>>, vector<16xf32>,
    %broadcast_in_dim3A_134 = arith.constant 1 : i32
    %broadcast_in_dim3A_135 = vector.broadcast %broadcast_in_dim3A_134 : i32 to vector<16xi32>
    %eq3A_136 = arith.cmpi eq, %select_n3A_114, %broadcast_in_dim3A_135 : vector<16xi32>
    %select_n3A_137 = arith.select %eq3A_136, %div3A_119, %broadcast_in_dim3A_124 : vector<16xi1>, vector<16xf32>
    %eq3A_138 = arith.cmpi eq, %select_n3A_112, %broadcast_in_dim3A_135 : vector<16xi32>
    %select_n3A_139 = arith.select %eq3A_138, %sub3A_122, %broadcast_in_dim3A_124 : vector<16xi1>, vector<16xf32>
    %add3A_140 = arith.addf %select_n3A_137, %select_n3A_139 : vector<16xf32>
    %swap3A_141 = arith.constant 128 : index
    %swap3A_142 = tpu.vector_load %arg5[%swap3A_141] {strides = array<i32>} : memref<1024xf32, #tpu.memory_space<vmem>>, vector<16xf32>,
    %swap3A_143 = vector.shape_cast %swap3A_142 : vector<16xf32> to vector<16xf32>
    %swap3A_144 = vector.shape_cast %add3A_140 : vector<16xf32> to vector<16xf32>
    tpu.vector_store %arg5[%swap3A_141], %swap3A_144 {strides = array<i32>} : memref<1024xf32, #tpu.memory_space<vmem>>, vector<16xf32>,
    %broadcast_in_dim3A_145 = arith.constant 2 : i32
    %broadcast_in_dim3A_146 = vector.broadcast %broadcast_in_dim3A_145 : i32 to vector<16xi32>
    %eq3A_147 = arith.cmpi eq, %select_n3A_114, %broadcast_in_dim3A_146 : vector<16xi32>
    %select_n3A_148 = arith.select %eq3A_147, %div3A_119, %broadcast_in_dim3A_124 : vector<16xi1>, vector<16xf32>
    %eq3A_149 = arith.cmpi eq, %select_n3A_112, %broadcast_in_dim3A_146 : vector<16xi32>
    %select_n3A_150 = arith.select %eq3A_149, %sub3A_122, %broadcast_in_dim3A_124 : vector<16xi1>, vector<16xf32>
    %add3A_151 = arith.addf %select_n3A_148, %select_n3A_150 : vector<16xf32>
    %swap3A_152 = arith.constant 256 : index
    %swap3A_153 = tpu.vector_load %arg5[%swap3A_152] {strides = array<i32>} : memref<1024xf32, #tpu.memory_space<vmem>>, vector<16xf32>,
    %swap3A_154 = vector.shape_cast %swap3A_153 : vector<16xf32> to vector<16xf32>
    %swap3A_155 = vector.shape_cast %add3A_151 : vector<16xf32> to vector<16xf32>
    tpu.vector_store %arg5[%swap3A_152], %swap3A_155 {strides = array<i32>} : memref<1024xf32, #tpu.memory_space<vmem>>, vector<16xf32>,
    %broadcast_in_dim3A_156 = arith.constant 3 : i32
    %broadcast_in_dim3A_157 = vector.broadcast %broadcast_in_dim3A_156 : i32 to vector<16xi32>
    %eq3A_158 = arith.cmpi eq, %select_n3A_114, %broadcast_in_dim3A_157 : vector<16xi32>
    %select_n3A_159 = arith.select %eq3A_158, %div3A_119, %broadcast_in_dim3A_124 : vector<16xi1>, vector<16xf32>
    %eq3A_160 = arith.cmpi eq, %select_n3A_112, %broadcast_in_dim3A_157 : vector<16xi32>
    %select_n3A_161 = arith.select %eq3A_160, %sub3A_122, %broadcast_in_dim3A_124 : vector<16xi1>, vector<16xf32>
    %add3A_162 = arith.addf %select_n3A_159, %select_n3A_161 : vector<16xf32>
    %swap3A_163 = arith.constant 384 : index
    %swap3A_164 = tpu.vector_load %arg5[%swap3A_163] {strides = array<i32>} : memref<1024xf32, #tpu.memory_space<vmem>>, vector<16xf32>,
    %swap3A_165 = vector.shape_cast %swap3A_164 : vector<16xf32> to vector<16xf32>
    %swap3A_166 = vector.shape_cast %add3A_162 : vector<16xf32> to vector<16xf32>
    tpu.vector_store %arg5[%swap3A_163], %swap3A_166 {strides = array<i32>} : memref<1024xf32, #tpu.memory_space<vmem>>, vector<16xf32>,
    %broadcast_in_dim3A_167 = arith.constant 4 : i32
    %broadcast_in_dim3A_168 = vector.broadcast %broadcast_in_dim3A_167 : i32 to vector<16xi32>
    %eq3A_169 = arith.cmpi eq, %select_n3A_114, %broadcast_in_dim3A_168 : vector<16xi32>
    %select_n3A_170 = arith.select %eq3A_169, %div3A_119, %broadcast_in_dim3A_124 : vector<16xi1>, vector<16xf32>
    %eq3A_171 = arith.cmpi eq, %select_n3A_112, %broadcast_in_dim3A_168 : vector<16xi32>
    %select_n3A_172 = arith.select %eq3A_171, %sub3A_122, %broadcast_in_dim3A_124 : vector<16xi1>, vector<16xf32>
    %add3A_173 = arith.addf %select_n3A_170, %select_n3A_172 : vector<16xf32>
    %swap3A_174 = arith.constant 512 : index
    %swap3A_175 = tpu.vector_load %arg5[%swap3A_174] {strides = array<i32>} : memref<1024xf32, #tpu.memory_space<vmem>>, vector<16xf32>,
    %swap3A_176 = vector.shape_cast %swap3A_175 : vector<16xf32> to vector<16xf32>
    %swap3A_177 = vector.shape_cast %add3A_173 : vector<16xf32> to vector<16xf32>
    tpu.vector_store %arg5[%swap3A_174], %swap3A_177 {strides = array<i32>} : memref<1024xf32, #tpu.memory_space<vmem>>, vector<16xf32>,
    %broadcast_in_dim3A_178 = arith.constant 5 : i32
    %broadcast_in_dim3A_179 = vector.broadcast %broadcast_in_dim3A_178 : i32 to vector<16xi32>
    %eq3A_180 = arith.cmpi eq, %select_n3A_114, %broadcast_in_dim3A_179 : vector<16xi32>
    %select_n3A_181 = arith.select %eq3A_180, %div3A_119, %broadcast_in_dim3A_124 : vector<16xi1>, vector<16xf32>
    %eq3A_182 = arith.cmpi eq, %select_n3A_112, %broadcast_in_dim3A_179 : vector<16xi32>
    %select_n3A_183 = arith.select %eq3A_182, %sub3A_122, %broadcast_in_dim3A_124 : vector<16xi1>, vector<16xf32>
    %add3A_184 = arith.addf %select_n3A_181, %select_n3A_183 : vector<16xf32>
    %swap3A_185 = arith.constant 640 : index
    %swap3A_186 = tpu.vector_load %arg5[%swap3A_185] {strides = array<i32>} : memref<1024xf32, #tpu.memory_space<vmem>>, vector<16xf32>,
    %swap3A_187 = vector.shape_cast %swap3A_186 : vector<16xf32> to vector<16xf32>
    %swap3A_188 = vector.shape_cast %add3A_184 : vector<16xf32> to vector<16xf32>
    tpu.vector_store %arg5[%swap3A_185], %swap3A_188 {strides = array<i32>} : memref<1024xf32, #tpu.memory_space<vmem>>, vector<16xf32>,
    %broadcast_in_dim3A_189 = arith.constant 6 : i32
    %broadcast_in_dim3A_190 = vector.broadcast %broadcast_in_dim3A_189 : i32 to vector<16xi32>
    %eq3A_191 = arith.cmpi eq, %select_n3A_114, %broadcast_in_dim3A_190 : vector<16xi32>
    %select_n3A_192 = arith.select %eq3A_191, %div3A_119, %broadcast_in_dim3A_124 : vector<16xi1>, vector<16xf32>
    %eq3A_193 = arith.cmpi eq, %select_n3A_112, %broadcast_in_dim3A_190 : vector<16xi32>
    %select_n3A_194 = arith.select %eq3A_193, %sub3A_122, %broadcast_in_dim3A_124 : vector<16xi1>, vector<16xf32>
    %add3A_195 = arith.addf %select_n3A_192, %select_n3A_194 : vector<16xf32>
    %swap3A_196 = arith.constant 768 : index
    %swap3A_197 = tpu.vector_load %arg5[%swap3A_196] {strides = array<i32>} : memref<1024xf32, #tpu.memory_space<vmem>>, vector<16xf32>,
    %swap3A_198 = vector.shape_cast %swap3A_197 : vector<16xf32> to vector<16xf32>
    %swap3A_199 = vector.shape_cast %add3A_195 : vector<16xf32> to vector<16xf32>
    tpu.vector_store %arg5[%swap3A_196], %swap3A_199 {strides = array<i32>} : memref<1024xf32, #tpu.memory_space<vmem>>, vector<16xf32>,
    %broadcast_in_dim3A_200 = arith.constant 7 : i32
    %broadcast_in_dim3A_201 = vector.broadcast %broadcast_in_dim3A_200 : i32 to vector<16xi32>
    %eq3A_202 = arith.cmpi eq, %select_n3A_114, %broadcast_in_dim3A_201 : vector<16xi32>
    %select_n3A_203 = arith.select %eq3A_202, %div3A_119, %broadcast_in_dim3A_124 : vector<16xi1>, vector<16xf32>
    %eq3A_204 = arith.cmpi eq, %select_n3A_112, %broadcast_in_dim3A_201 : vector<16xi32>
    %select_n3A_205 = arith.select %eq3A_204, %sub3A_122, %broadcast_in_dim3A_124 : vector<16xi1>, vector<16xf32>
    %add3A_206 = arith.addf %select_n3A_203, %select_n3A_205 : vector<16xf32>
    %swap3A_207 = arith.constant 896 : index
    %swap3A_208 = tpu.vector_load %arg5[%swap3A_207] {strides = array<i32>} : memref<1024xf32, #tpu.memory_space<vmem>>, vector<16xf32>,
    %swap3A_209 = vector.shape_cast %swap3A_208 : vector<16xf32> to vector<16xf32>
    %swap3A_210 = vector.shape_cast %add3A_206 : vector<16xf32> to vector<16xf32>
    tpu.vector_store %arg5[%swap3A_207], %swap3A_210 {strides = array<i32>} : memref<1024xf32, #tpu.memory_space<vmem>>, vector<16xf32>,
    %get3A_211 = arith.constant 16 : index
    %get3A_212 = tpu.vector_load %arg4[%get3A_211] {strides = array<i32>} : memref<1024xf32, #tpu.memory_space<vmem>>, vector<16xf32>,
    %get3A_213 = vector.shape_cast %get3A_212 : vector<16xf32> to vector<16xf32>
    %get3A_214 = arith.constant 144 : index
    %get3A_215 = tpu.vector_load %arg4[%get3A_214] {strides = array<i32>} : memref<1024xf32, #tpu.memory_space<vmem>>, vector<16xf32>,
    %get3A_216 = vector.shape_cast %get3A_215 : vector<16xf32> to vector<16xf32>
    %get3A_217 = arith.constant 272 : index
    %get3A_218 = tpu.vector_load %arg4[%get3A_217] {strides = array<i32>} : memref<1024xf32, #tpu.memory_space<vmem>>, vector<16xf32>,
    %get3A_219 = vector.shape_cast %get3A_218 : vector<16xf32> to vector<16xf32>
    %get3A_220 = arith.constant 400 : index
    %get3A_221 = tpu.vector_load %arg4[%get3A_220] {strides = array<i32>} : memref<1024xf32, #tpu.memory_space<vmem>>, vector<16xf32>,
    %get3A_222 = vector.shape_cast %get3A_221 : vector<16xf32> to vector<16xf32>
    %get3A_223 = arith.constant 528 : index
    %get3A_224 = tpu.vector_load %arg4[%get3A_223] {strides = array<i32>} : memref<1024xf32, #tpu.memory_space<vmem>>, vector<16xf32>,
    %get3A_225 = vector.shape_cast %get3A_224 : vector<16xf32> to vector<16xf32>
    %get3A_226 = arith.constant 656 : index
    %get3A_227 = tpu.vector_load %arg4[%get3A_226] {strides = array<i32>} : memref<1024xf32, #tpu.memory_space<vmem>>, vector<16xf32>,
    %get3A_228 = vector.shape_cast %get3A_227 : vector<16xf32> to vector<16xf32>
    %get3A_229 = arith.constant 784 : index
    %get3A_230 = tpu.vector_load %arg4[%get3A_229] {strides = array<i32>} : memref<1024xf32, #tpu.memory_space<vmem>>, vector<16xf32>,
    %get3A_231 = vector.shape_cast %get3A_230 : vector<16xf32> to vector<16xf32>
    %get3A_232 = arith.constant 912 : index
    %get3A_233 = tpu.vector_load %arg4[%get3A_232] {strides = array<i32>} : memref<1024xf32, #tpu.memory_space<vmem>>, vector<16xf32>,
    %get3A_234 = vector.shape_cast %get3A_233 : vector<16xf32> to vector<16xf32>
    %broadcast_in_dim3A_235 = arith.constant 0 : i32
    %broadcast_in_dim3A_236 = vector.broadcast %broadcast_in_dim3A_235 : i32 to vector<16xi32>
    %broadcast_in_dim3A_237 = arith.constant -3.000000e+38 : f32
    %broadcast_in_dim3A_238 = vector.broadcast %broadcast_in_dim3A_237 : f32 to vector<16xf32>
    %broadcast_in_dim3A_239 = arith.constant -1 : i32
    %broadcast_in_dim3A_240 = vector.broadcast %broadcast_in_dim3A_239 : i32 to vector<16xi32>
    %broadcast_in_dim3A_241 = arith.constant 1 : i32
    %broadcast_in_dim3A_242 = vector.broadcast %broadcast_in_dim3A_241 : i32 to vector<16xi32>
    %gt3A_243 = arith.cmpf ogt, %get3A_216, %get3A_213 : vector<16xf32>
    %gt3A_244 = arith.cmpf ogt, %get3A_216, %broadcast_in_dim3A_238 : vector<16xf32>
    %select_n3A_245 = arith.select %gt3A_244, %get3A_216, %broadcast_in_dim3A_238 : vector<16xi1>, vector<16xf32>
    %select_n3A_246 = arith.select %gt3A_243, %get3A_213, %select_n3A_245 : vector<16xi1>, vector<16xf32>
    %select_n3A_247 = arith.select %gt3A_244, %broadcast_in_dim3A_242, %broadcast_in_dim3A_240 : vector<16xi1>, vector<16xi32>
    %select_n3A_248 = arith.select %gt3A_243, %broadcast_in_dim3A_236, %select_n3A_247 : vector<16xi1>, vector<16xi32>
    %select_n3A_249 = arith.select %gt3A_243, %get3A_216, %get3A_213 : vector<16xi1>, vector<16xf32>
    %select_n3A_250 = arith.select %gt3A_243, %broadcast_in_dim3A_242, %broadcast_in_dim3A_236 : vector<16xi1>, vector<16xi32>
    %broadcast_in_dim3A_251 = arith.constant 2 : i32
    %broadcast_in_dim3A_252 = vector.broadcast %broadcast_in_dim3A_251 : i32 to vector<16xi32>
    %gt3A_253 = arith.cmpf ogt, %get3A_219, %select_n3A_249 : vector<16xf32>
    %gt3A_254 = arith.cmpf ogt, %get3A_219, %select_n3A_246 : vector<16xf32>
    %select_n3A_255 = arith.select %gt3A_254, %get3A_219, %select_n3A_246 : vector<16xi1>, vector<16xf32>
    %select_n3A_256 = arith.select %gt3A_253, %select_n3A_249, %select_n3A_255 : vector<16xi1>, vector<16xf32>
    %select_n3A_257 = arith.select %gt3A_254, %broadcast_in_dim3A_252, %select_n3A_248 : vector<16xi1>, vector<16xi32>
    %select_n3A_258 = arith.select %gt3A_253, %select_n3A_250, %select_n3A_257 : vector<16xi1>, vector<16xi32>
    %select_n3A_259 = arith.select %gt3A_253, %get3A_219, %select_n3A_249 : vector<16xi1>, vector<16xf32>
    %select_n3A_260 = arith.select %gt3A_253, %broadcast_in_dim3A_252, %select_n3A_250 : vector<16xi1>, vector<16xi32>
    %broadcast_in_dim3A_261 = arith.constant 3 : i32
    %broadcast_in_dim3A_262 = vector.broadcast %broadcast_in_dim3A_261 : i32 to vector<16xi32>
    %gt3A_263 = arith.cmpf ogt, %get3A_222, %select_n3A_259 : vector<16xf32>
    %gt3A_264 = arith.cmpf ogt, %get3A_222, %select_n3A_256 : vector<16xf32>
    %select_n3A_265 = arith.select %gt3A_264, %get3A_222, %select_n3A_256 : vector<16xi1>, vector<16xf32>
    %select_n3A_266 = arith.select %gt3A_263, %select_n3A_259, %select_n3A_265 : vector<16xi1>, vector<16xf32>
    %select_n3A_267 = arith.select %gt3A_264, %broadcast_in_dim3A_262, %select_n3A_258 : vector<16xi1>, vector<16xi32>
    %select_n3A_268 = arith.select %gt3A_263, %select_n3A_260, %select_n3A_267 : vector<16xi1>, vector<16xi32>
    %select_n3A_269 = arith.select %gt3A_263, %get3A_222, %select_n3A_259 : vector<16xi1>, vector<16xf32>
    %select_n3A_270 = arith.select %gt3A_263, %broadcast_in_dim3A_262, %select_n3A_260 : vector<16xi1>, vector<16xi32>
    %broadcast_in_dim3A_271 = arith.constant 4 : i32
    %broadcast_in_dim3A_272 = vector.broadcast %broadcast_in_dim3A_271 : i32 to vector<16xi32>
    %gt3A_273 = arith.cmpf ogt, %get3A_225, %select_n3A_269 : vector<16xf32>
    %gt3A_274 = arith.cmpf ogt, %get3A_225, %select_n3A_266 : vector<16xf32>
    %select_n3A_275 = arith.select %gt3A_274, %get3A_225, %select_n3A_266 : vector<16xi1>, vector<16xf32>
    %select_n3A_276 = arith.select %gt3A_273, %select_n3A_269, %select_n3A_275 : vector<16xi1>, vector<16xf32>
    %select_n3A_277 = arith.select %gt3A_274, %broadcast_in_dim3A_272, %select_n3A_268 : vector<16xi1>, vector<16xi32>
    %select_n3A_278 = arith.select %gt3A_273, %select_n3A_270, %select_n3A_277 : vector<16xi1>, vector<16xi32>
    %select_n3A_279 = arith.select %gt3A_273, %get3A_225, %select_n3A_269 : vector<16xi1>, vector<16xf32>
    %select_n3A_280 = arith.select %gt3A_273, %broadcast_in_dim3A_272, %select_n3A_270 : vector<16xi1>, vector<16xi32>
    %broadcast_in_dim3A_281 = arith.constant 5 : i32
    %broadcast_in_dim3A_282 = vector.broadcast %broadcast_in_dim3A_281 : i32 to vector<16xi32>
    %gt3A_283 = arith.cmpf ogt, %get3A_228, %select_n3A_279 : vector<16xf32>
    %gt3A_284 = arith.cmpf ogt, %get3A_228, %select_n3A_276 : vector<16xf32>
    %select_n3A_285 = arith.select %gt3A_284, %get3A_228, %select_n3A_276 : vector<16xi1>, vector<16xf32>
    %select_n3A_286 = arith.select %gt3A_283, %select_n3A_279, %select_n3A_285 : vector<16xi1>, vector<16xf32>
    %select_n3A_287 = arith.select %gt3A_284, %broadcast_in_dim3A_282, %select_n3A_278 : vector<16xi1>, vector<16xi32>
    %select_n3A_288 = arith.select %gt3A_283, %select_n3A_280, %select_n3A_287 : vector<16xi1>, vector<16xi32>
    %select_n3A_289 = arith.select %gt3A_283, %get3A_228, %select_n3A_279 : vector<16xi1>, vector<16xf32>
    %select_n3A_290 = arith.select %gt3A_283, %broadcast_in_dim3A_282, %select_n3A_280 : vector<16xi1>, vector<16xi32>
    %broadcast_in_dim3A_291 = arith.constant 6 : i32
    %broadcast_in_dim3A_292 = vector.broadcast %broadcast_in_dim3A_291 : i32 to vector<16xi32>
    %gt3A_293 = arith.cmpf ogt, %get3A_231, %select_n3A_289 : vector<16xf32>
    %gt3A_294 = arith.cmpf ogt, %get3A_231, %select_n3A_286 : vector<16xf32>
    %select_n3A_295 = arith.select %gt3A_294, %get3A_231, %select_n3A_286 : vector<16xi1>, vector<16xf32>
    %select_n3A_296 = arith.select %gt3A_293, %select_n3A_289, %select_n3A_295 : vector<16xi1>, vector<16xf32>
    %select_n3A_297 = arith.select %gt3A_294, %broadcast_in_dim3A_292, %select_n3A_288 : vector<16xi1>, vector<16xi32>
    %select_n3A_298 = arith.select %gt3A_293, %select_n3A_290, %select_n3A_297 : vector<16xi1>, vector<16xi32>
    %select_n3A_299 = arith.select %gt3A_293, %get3A_231, %select_n3A_289 : vector<16xi1>, vector<16xf32>
    %select_n3A_300 = arith.select %gt3A_293, %broadcast_in_dim3A_292, %select_n3A_290 : vector<16xi1>, vector<16xi32>
    %broadcast_in_dim3A_301 = arith.constant 7 : i32
    %broadcast_in_dim3A_302 = vector.broadcast %broadcast_in_dim3A_301 : i32 to vector<16xi32>
    %gt3A_303 = arith.cmpf ogt, %get3A_234, %select_n3A_299 : vector<16xf32>
    %gt3A_304 = arith.cmpf ogt, %get3A_234, %select_n3A_296 : vector<16xf32>
    %select_n3A_305 = arith.select %gt3A_304, %get3A_234, %select_n3A_296 : vector<16xi1>, vector<16xf32>
    %select_n3A_306 = arith.select %gt3A_303, %select_n3A_299, %select_n3A_305 : vector<16xi1>, vector<16xf32>
    %select_n3A_307 = arith.select %gt3A_304, %broadcast_in_dim3A_302, %select_n3A_298 : vector<16xi1>, vector<16xi32>
    %select_n3A_308 = arith.select %gt3A_303, %select_n3A_300, %select_n3A_307 : vector<16xi1>, vector<16xi32>
    %select_n3A_309 = arith.select %gt3A_303, %get3A_234, %select_n3A_299 : vector<16xi1>, vector<16xf32>
    %select_n3A_310 = arith.select %gt3A_303, %broadcast_in_dim3A_302, %select_n3A_300 : vector<16xi1>, vector<16xi32>
    %sub3A_311 = arith.subf %select_n3A_306, %select_n3A_309 : vector<16xf32>
    %exp3A_312 = math.exp %sub3A_311 : vector<16xf32>
    %add3A_313 = arith.constant 1.000000e+00 : f32
    %add3A_314 = vector.broadcast %add3A_313 : f32 to vector<16xf32>
    %add3A_315 = arith.addf %add3A_314, %exp3A_312 : vector<16xf32>
    %div3A_316 = arith.constant 2.000000e+00 : f32
    %div3A_317 = vector.broadcast %div3A_316 : f32 to vector<16xf32>
    %div3A_318 = arith.divf %div3A_317, %add3A_315 : vector<16xf32>
    %sub3A_319 = arith.constant 2.000000e+00 : f32
    %sub3A_320 = vector.broadcast %sub3A_319 : f32 to vector<16xf32>
    %sub3A_321 = arith.subf %sub3A_320, %div3A_318 : vector<16xf32>
    %broadcast_in_dim3A_322 = arith.constant 0.000000e+00 : f32
    %broadcast_in_dim3A_323 = vector.broadcast %broadcast_in_dim3A_322 : f32 to vector<16xf32>
    %broadcast_in_dim3A_324 = arith.constant 0 : i32
    %broadcast_in_dim3A_325 = vector.broadcast %broadcast_in_dim3A_324 : i32 to vector<16xi32>
    %eq3A_326 = arith.cmpi eq, %select_n3A_310, %broadcast_in_dim3A_325 : vector<16xi32>
    %select_n3A_327 = arith.select %eq3A_326, %div3A_318, %broadcast_in_dim3A_323 : vector<16xi1>, vector<16xf32>
    %eq3A_328 = arith.cmpi eq, %select_n3A_308, %broadcast_in_dim3A_325 : vector<16xi32>
    %select_n3A_329 = arith.select %eq3A_328, %sub3A_321, %broadcast_in_dim3A_323 : vector<16xi1>, vector<16xf32>
    %add3A_330 = arith.addf %select_n3A_327, %select_n3A_329 : vector<16xf32>
    %swap3A_331 = arith.constant 16 : index
    %swap3A_332 = tpu.vector_load %arg5[%swap3A_331] {strides = array<i32>} : memref<1024xf32, #tpu.memory_space<vmem>>, vector<16xf32>,
    %swap3A_333 = vector.shape_cast %swap3A_332 : vector<16xf32> to vector<16xf32>
    %swap3A_334 = vector.shape_cast %add3A_330 : vector<16xf32> to vector<16xf32>
    tpu.vector_store %arg5[%swap3A_331], %swap3A_334 {strides = array<i32>} : memref<1024xf32, #tpu.memory_space<vmem>>, vector<16xf32>,
    %broadcast_in_dim3A_335 = arith.constant 1 : i32
    %broadcast_in_dim3A_336 = vector.broadcast %broadcast_in_dim3A_335 : i32 to vector<16xi32>
    %eq3A_337 = arith.cmpi eq, %select_n3A_310, %broadcast_in_dim3A_336 : vector<16xi32>
    %select_n3A_338 = arith.select %eq3A_337, %div3A_318, %broadcast_in_dim3A_323 : vector<16xi1>, vector<16xf32>
    %eq3A_339 = arith.cmpi eq, %select_n3A_308, %broadcast_in_dim3A_336 : vector<16xi32>
    %select_n3A_340 = arith.select %eq3A_339, %sub3A_321, %broadcast_in_dim3A_323 : vector<16xi1>, vector<16xf32>
    %add3A_341 = arith.addf %select_n3A_338, %select_n3A_340 : vector<16xf32>
    %swap3A_342 = arith.constant 144 : index
    %swap3A_343 = tpu.vector_load %arg5[%swap3A_342] {strides = array<i32>} : memref<1024xf32, #tpu.memory_space<vmem>>, vector<16xf32>,
    %swap3A_344 = vector.shape_cast %swap3A_343 : vector<16xf32> to vector<16xf32>
    %swap3A_345 = vector.shape_cast %add3A_341 : vector<16xf32> to vector<16xf32>
    tpu.vector_store %arg5[%swap3A_342], %swap3A_345 {strides = array<i32>} : memref<1024xf32, #tpu.memory_space<vmem>>, vector<16xf32>,
    %broadcast_in_dim3A_346 = arith.constant 2 : i32
    %broadcast_in_dim3A_347 = vector.broadcast %broadcast_in_dim3A_346 : i32 to vector<16xi32>
    %eq3A_348 = arith.cmpi eq, %select_n3A_310, %broadcast_in_dim3A_347 : vector<16xi32>
    %select_n3A_349 = arith.select %eq3A_348, %div3A_318, %broadcast_in_dim3A_323 : vector<16xi1>, vector<16xf32>
    %eq3A_350 = arith.cmpi eq, %select_n3A_308, %broadcast_in_dim3A_347 : vector<16xi32>
    %select_n3A_351 = arith.select %eq3A_350, %sub3A_321, %broadcast_in_dim3A_323 : vector<16xi1>, vector<16xf32>
    %add3A_352 = arith.addf %select_n3A_349, %select_n3A_351 : vector<16xf32>
    %swap3A_353 = arith.constant 272 : index
    %swap3A_354 = tpu.vector_load %arg5[%swap3A_353] {strides = array<i32>} : memref<1024xf32, #tpu.memory_space<vmem>>, vector<16xf32>,
    %swap3A_355 = vector.shape_cast %swap3A_354 : vector<16xf32> to vector<16xf32>
    %swap3A_356 = vector.shape_cast %add3A_352 : vector<16xf32> to vector<16xf32>
    tpu.vector_store %arg5[%swap3A_353], %swap3A_356 {strides = array<i32>} : memref<1024xf32, #tpu.memory_space<vmem>>, vector<16xf32>,
    %broadcast_in_dim3A_357 = arith.constant 3 : i32
    %broadcast_in_dim3A_358 = vector.broadcast %broadcast_in_dim3A_357 : i32 to vector<16xi32>
    %eq3A_359 = arith.cmpi eq, %select_n3A_310, %broadcast_in_dim3A_358 : vector<16xi32>
    %select_n3A_360 = arith.select %eq3A_359, %div3A_318, %broadcast_in_dim3A_323 : vector<16xi1>, vector<16xf32>
    %eq3A_361 = arith.cmpi eq, %select_n3A_308, %broadcast_in_dim3A_358 : vector<16xi32>
    %select_n3A_362 = arith.select %eq3A_361, %sub3A_321, %broadcast_in_dim3A_323 : vector<16xi1>, vector<16xf32>
    %add3A_363 = arith.addf %select_n3A_360, %select_n3A_362 : vector<16xf32>
    %swap3A_364 = arith.constant 400 : index
    %swap3A_365 = tpu.vector_load %arg5[%swap3A_364] {strides = array<i32>} : memref<1024xf32, #tpu.memory_space<vmem>>, vector<16xf32>,
    %swap3A_366 = vector.shape_cast %swap3A_365 : vector<16xf32> to vector<16xf32>
    %swap3A_367 = vector.shape_cast %add3A_363 : vector<16xf32> to vector<16xf32>
    tpu.vector_store %arg5[%swap3A_364], %swap3A_367 {strides = array<i32>} : memref<1024xf32, #tpu.memory_space<vmem>>, vector<16xf32>,
    %broadcast_in_dim3A_368 = arith.constant 4 : i32
    %broadcast_in_dim3A_369 = vector.broadcast %broadcast_in_dim3A_368 : i32 to vector<16xi32>
    %eq3A_370 = arith.cmpi eq, %select_n3A_310, %broadcast_in_dim3A_369 : vector<16xi32>
    %select_n3A_371 = arith.select %eq3A_370, %div3A_318, %broadcast_in_dim3A_323 : vector<16xi1>, vector<16xf32>
    %eq3A_372 = arith.cmpi eq, %select_n3A_308, %broadcast_in_dim3A_369 : vector<16xi32>
    %select_n3A_373 = arith.select %eq3A_372, %sub3A_321, %broadcast_in_dim3A_323 : vector<16xi1>, vector<16xf32>
    %add3A_374 = arith.addf %select_n3A_371, %select_n3A_373 : vector<16xf32>
    %swap3A_375 = arith.constant 528 : index
    %swap3A_376 = tpu.vector_load %arg5[%swap3A_375] {strides = array<i32>} : memref<1024xf32, #tpu.memory_space<vmem>>, vector<16xf32>,
    %swap3A_377 = vector.shape_cast %swap3A_376 : vector<16xf32> to vector<16xf32>
    %swap3A_378 = vector.shape_cast %add3A_374 : vector<16xf32> to vector<16xf32>
    tpu.vector_store %arg5[%swap3A_375], %swap3A_378 {strides = array<i32>} : memref<1024xf32, #tpu.memory_space<vmem>>, vector<16xf32>,
    %broadcast_in_dim3A_379 = arith.constant 5 : i32
    %broadcast_in_dim3A_380 = vector.broadcast %broadcast_in_dim3A_379 : i32 to vector<16xi32>
    %eq3A_381 = arith.cmpi eq, %select_n3A_310, %broadcast_in_dim3A_380 : vector<16xi32>
    %select_n3A_382 = arith.select %eq3A_381, %div3A_318, %broadcast_in_dim3A_323 : vector<16xi1>, vector<16xf32>
    %eq3A_383 = arith.cmpi eq, %select_n3A_308, %broadcast_in_dim3A_380 : vector<16xi32>
    %select_n3A_384 = arith.select %eq3A_383, %sub3A_321, %broadcast_in_dim3A_323 : vector<16xi1>, vector<16xf32>
    %add3A_385 = arith.addf %select_n3A_382, %select_n3A_384 : vector<16xf32>
    %swap3A_386 = arith.constant 656 : index
    %swap3A_387 = tpu.vector_load %arg5[%swap3A_386] {strides = array<i32>} : memref<1024xf32, #tpu.memory_space<vmem>>, vector<16xf32>,
    %swap3A_388 = vector.shape_cast %swap3A_387 : vector<16xf32> to vector<16xf32>
    %swap3A_389 = vector.shape_cast %add3A_385 : vector<16xf32> to vector<16xf32>
    tpu.vector_store %arg5[%swap3A_386], %swap3A_389 {strides = array<i32>} : memref<1024xf32, #tpu.memory_space<vmem>>, vector<16xf32>,
    %broadcast_in_dim3A_390 = arith.constant 6 : i32
    %broadcast_in_dim3A_391 = vector.broadcast %broadcast_in_dim3A_390 : i32 to vector<16xi32>
    %eq3A_392 = arith.cmpi eq, %select_n3A_310, %broadcast_in_dim3A_391 : vector<16xi32>
    %select_n3A_393 = arith.select %eq3A_392, %div3A_318, %broadcast_in_dim3A_323 : vector<16xi1>, vector<16xf32>
    %eq3A_394 = arith.cmpi eq, %select_n3A_308, %broadcast_in_dim3A_391 : vector<16xi32>
    %select_n3A_395 = arith.select %eq3A_394, %sub3A_321, %broadcast_in_dim3A_323 : vector<16xi1>, vector<16xf32>
    %add3A_396 = arith.addf %select_n3A_393, %select_n3A_395 : vector<16xf32>
    %swap3A_397 = arith.constant 784 : index
    %swap3A_398 = tpu.vector_load %arg5[%swap3A_397] {strides = array<i32>} : memref<1024xf32, #tpu.memory_space<vmem>>, vector<16xf32>,
    %swap3A_399 = vector.shape_cast %swap3A_398 : vector<16xf32> to vector<16xf32>
    %swap3A_400 = vector.shape_cast %add3A_396 : vector<16xf32> to vector<16xf32>
    tpu.vector_store %arg5[%swap3A_397], %swap3A_400 {strides = array<i32>} : memref<1024xf32, #tpu.memory_space<vmem>>, vector<16xf32>,
    %broadcast_in_dim3A_401 = arith.constant 7 : i32
    %broadcast_in_dim3A_402 = vector.broadcast %broadcast_in_dim3A_401 : i32 to vector<16xi32>
    %eq3A_403 = arith.cmpi eq, %select_n3A_310, %broadcast_in_dim3A_402 : vector<16xi32>
    %select_n3A_404 = arith.select %eq3A_403, %div3A_318, %broadcast_in_dim3A_323 : vector<16xi1>, vector<16xf32>
    %eq3A_405 = arith.cmpi eq, %select_n3A_308, %broadcast_in_dim3A_402 : vector<16xi32>
    %select_n3A_406 = arith.select %eq3A_405, %sub3A_321, %broadcast_in_dim3A_323 : vector<16xi1>, vector<16xf32>
    %add3A_407 = arith.addf %select_n3A_404, %select_n3A_406 : vector<16xf32>
    %swap3A_408 = arith.constant 912 : index
    %swap3A_409 = tpu.vector_load %arg5[%swap3A_408] {strides = array<i32>} : memref<1024xf32, #tpu.memory_space<vmem>>, vector<16xf32>,
    %swap3A_410 = vector.shape_cast %swap3A_409 : vector<16xf32> to vector<16xf32>
    %swap3A_411 = vector.shape_cast %add3A_407 : vector<16xf32> to vector<16xf32>
    tpu.vector_store %arg5[%swap3A_408], %swap3A_411 {strides = array<i32>} : memref<1024xf32, #tpu.memory_space<vmem>>, vector<16xf32>,
    %get3A_412 = arith.constant 32 : index
    %get3A_413 = tpu.vector_load %arg4[%get3A_412] {strides = array<i32>} : memref<1024xf32, #tpu.memory_space<vmem>>, vector<16xf32>,
    %get3A_414 = vector.shape_cast %get3A_413 : vector<16xf32> to vector<16xf32>
    %get3A_415 = arith.constant 160 : index
    %get3A_416 = tpu.vector_load %arg4[%get3A_415] {strides = array<i32>} : memref<1024xf32, #tpu.memory_space<vmem>>, vector<16xf32>,
    %get3A_417 = vector.shape_cast %get3A_416 : vector<16xf32> to vector<16xf32>
    %get3A_418 = arith.constant 288 : index
    %get3A_419 = tpu.vector_load %arg4[%get3A_418] {strides = array<i32>} : memref<1024xf32, #tpu.memory_space<vmem>>, vector<16xf32>,
    %get3A_420 = vector.shape_cast %get3A_419 : vector<16xf32> to vector<16xf32>
    %get3A_421 = arith.constant 416 : index
    %get3A_422 = tpu.vector_load %arg4[%get3A_421] {strides = array<i32>} : memref<1024xf32, #tpu.memory_space<vmem>>, vector<16xf32>,
    %get3A_423 = vector.shape_cast %get3A_422 : vector<16xf32> to vector<16xf32>
    %get3A_424 = arith.constant 544 : index
    %get3A_425 = tpu.vector_load %arg4[%get3A_424] {strides = array<i32>} : memref<1024xf32, #tpu.memory_space<vmem>>, vector<16xf32>,
    %get3A_426 = vector.shape_cast %get3A_425 : vector<16xf32> to vector<16xf32>
    %get3A_427 = arith.constant 672 : index
    %get3A_428 = tpu.vector_load %arg4[%get3A_427] {strides = array<i32>} : memref<1024xf32, #tpu.memory_space<vmem>>, vector<16xf32>,
    %get3A_429 = vector.shape_cast %get3A_428 : vector<16xf32> to vector<16xf32>
    %get3A_430 = arith.constant 800 : index
    %get3A_431 = tpu.vector_load %arg4[%get3A_430] {strides = array<i32>} : memref<1024xf32, #tpu.memory_space<vmem>>, vector<16xf32>,
    %get3A_432 = vector.shape_cast %get3A_431 : vector<16xf32> to vector<16xf32>
    %get3A_433 = arith.constant 928 : index
    %get3A_434 = tpu.vector_load %arg4[%get3A_433] {strides = array<i32>} : memref<1024xf32, #tpu.memory_space<vmem>>, vector<16xf32>,
    %get3A_435 = vector.shape_cast %get3A_434 : vector<16xf32> to vector<16xf32>
    %broadcast_in_dim3A_436 = arith.constant 0 : i32
    %broadcast_in_dim3A_437 = vector.broadcast %broadcast_in_dim3A_436 : i32 to vector<16xi32>
    %broadcast_in_dim3A_438 = arith.constant -3.000000e+38 : f32
    %broadcast_in_dim3A_439 = vector.broadcast %broadcast_in_dim3A_438 : f32 to vector<16xf32>
    %broadcast_in_dim3A_440 = arith.constant -1 : i32
    %broadcast_in_dim3A_441 = vector.broadcast %broadcast_in_dim3A_440 : i32 to vector<16xi32>
    %broadcast_in_dim3A_442 = arith.constant 1 : i32
    %broadcast_in_dim3A_443 = vector.broadcast %broadcast_in_dim3A_442 : i32 to vector<16xi32>
    %gt3A_444 = arith.cmpf ogt, %get3A_417, %get3A_414 : vector<16xf32>
    %gt3A_445 = arith.cmpf ogt, %get3A_417, %broadcast_in_dim3A_439 : vector<16xf32>
    %select_n3A_446 = arith.select %gt3A_445, %get3A_417, %broadcast_in_dim3A_439 : vector<16xi1>, vector<16xf32>
    %select_n3A_447 = arith.select %gt3A_444, %get3A_414, %select_n3A_446 : vector<16xi1>, vector<16xf32>
    %select_n3A_448 = arith.select %gt3A_445, %broadcast_in_dim3A_443, %broadcast_in_dim3A_441 : vector<16xi1>, vector<16xi32>
    %select_n3A_449 = arith.select %gt3A_444, %broadcast_in_dim3A_437, %select_n3A_448 : vector<16xi1>, vector<16xi32>
    %select_n3A_450 = arith.select %gt3A_444, %get3A_417, %get3A_414 : vector<16xi1>, vector<16xf32>
    %select_n3A_451 = arith.select %gt3A_444, %broadcast_in_dim3A_443, %broadcast_in_dim3A_437 : vector<16xi1>, vector<16xi32>
    %broadcast_in_dim3A_452 = arith.constant 2 : i32
    %broadcast_in_dim3A_453 = vector.broadcast %broadcast_in_dim3A_452 : i32 to vector<16xi32>
    %gt3A_454 = arith.cmpf ogt, %get3A_420, %select_n3A_450 : vector<16xf32>
    %gt3A_455 = arith.cmpf ogt, %get3A_420, %select_n3A_447 : vector<16xf32>
    %select_n3A_456 = arith.select %gt3A_455, %get3A_420, %select_n3A_447 : vector<16xi1>, vector<16xf32>
    %select_n3A_457 = arith.select %gt3A_454, %select_n3A_450, %select_n3A_456 : vector<16xi1>, vector<16xf32>
    %select_n3A_458 = arith.select %gt3A_455, %broadcast_in_dim3A_453, %select_n3A_449 : vector<16xi1>, vector<16xi32>
    %select_n3A_459 = arith.select %gt3A_454, %select_n3A_451, %select_n3A_458 : vector<16xi1>, vector<16xi32>
    %select_n3A_460 = arith.select %gt3A_454, %get3A_420, %select_n3A_450 : vector<16xi1>, vector<16xf32>
    %select_n3A_461 = arith.select %gt3A_454, %broadcast_in_dim3A_453, %select_n3A_451 : vector<16xi1>, vector<16xi32>
    %broadcast_in_dim3A_462 = arith.constant 3 : i32
    %broadcast_in_dim3A_463 = vector.broadcast %broadcast_in_dim3A_462 : i32 to vector<16xi32>
    %gt3A_464 = arith.cmpf ogt, %get3A_423, %select_n3A_460 : vector<16xf32>
    %gt3A_465 = arith.cmpf ogt, %get3A_423, %select_n3A_457 : vector<16xf32>
    %select_n3A_466 = arith.select %gt3A_465, %get3A_423, %select_n3A_457 : vector<16xi1>, vector<16xf32>
    %select_n3A_467 = arith.select %gt3A_464, %select_n3A_460, %select_n3A_466 : vector<16xi1>, vector<16xf32>
    %select_n3A_468 = arith.select %gt3A_465, %broadcast_in_dim3A_463, %select_n3A_459 : vector<16xi1>, vector<16xi32>
    %select_n3A_469 = arith.select %gt3A_464, %select_n3A_461, %select_n3A_468 : vector<16xi1>, vector<16xi32>
    %select_n3A_470 = arith.select %gt3A_464, %get3A_423, %select_n3A_460 : vector<16xi1>, vector<16xf32>
    %select_n3A_471 = arith.select %gt3A_464, %broadcast_in_dim3A_463, %select_n3A_461 : vector<16xi1>, vector<16xi32>
    %broadcast_in_dim3A_472 = arith.constant 4 : i32
    %broadcast_in_dim3A_473 = vector.broadcast %broadcast_in_dim3A_472 : i32 to vector<16xi32>
    %gt3A_474 = arith.cmpf ogt, %get3A_426, %select_n3A_470 : vector<16xf32>
    %gt3A_475 = arith.cmpf ogt, %get3A_426, %select_n3A_467 : vector<16xf32>
    %select_n3A_476 = arith.select %gt3A_475, %get3A_426, %select_n3A_467 : vector<16xi1>, vector<16xf32>
    %select_n3A_477 = arith.select %gt3A_474, %select_n3A_470, %select_n3A_476 : vector<16xi1>, vector<16xf32>
    %select_n3A_478 = arith.select %gt3A_475, %broadcast_in_dim3A_473, %select_n3A_469 : vector<16xi1>, vector<16xi32>
    %select_n3A_479 = arith.select %gt3A_474, %select_n3A_471, %select_n3A_478 : vector<16xi1>, vector<16xi32>
    %select_n3A_480 = arith.select %gt3A_474, %get3A_426, %select_n3A_470 : vector<16xi1>, vector<16xf32>
    %select_n3A_481 = arith.select %gt3A_474, %broadcast_in_dim3A_473, %select_n3A_471 : vector<16xi1>, vector<16xi32>
    %broadcast_in_dim3A_482 = arith.constant 5 : i32
    %broadcast_in_dim3A_483 = vector.broadcast %broadcast_in_dim3A_482 : i32 to vector<16xi32>
    %gt3A_484 = arith.cmpf ogt, %get3A_429, %select_n3A_480 : vector<16xf32>
    %gt3A_485 = arith.cmpf ogt, %get3A_429, %select_n3A_477 : vector<16xf32>
    %select_n3A_486 = arith.select %gt3A_485, %get3A_429, %select_n3A_477 : vector<16xi1>, vector<16xf32>
    %select_n3A_487 = arith.select %gt3A_484, %select_n3A_480, %select_n3A_486 : vector<16xi1>, vector<16xf32>
    %select_n3A_488 = arith.select %gt3A_485, %broadcast_in_dim3A_483, %select_n3A_479 : vector<16xi1>, vector<16xi32>
    %select_n3A_489 = arith.select %gt3A_484, %select_n3A_481, %select_n3A_488 : vector<16xi1>, vector<16xi32>
    %select_n3A_490 = arith.select %gt3A_484, %get3A_429, %select_n3A_480 : vector<16xi1>, vector<16xf32>
    %select_n3A_491 = arith.select %gt3A_484, %broadcast_in_dim3A_483, %select_n3A_481 : vector<16xi1>, vector<16xi32>
    %broadcast_in_dim3A_492 = arith.constant 6 : i32
    %broadcast_in_dim3A_493 = vector.broadcast %broadcast_in_dim3A_492 : i32 to vector<16xi32>
    %gt3A_494 = arith.cmpf ogt, %get3A_432, %select_n3A_490 : vector<16xf32>
    %gt3A_495 = arith.cmpf ogt, %get3A_432, %select_n3A_487 : vector<16xf32>
    %select_n3A_496 = arith.select %gt3A_495, %get3A_432, %select_n3A_487 : vector<16xi1>, vector<16xf32>
    %select_n3A_497 = arith.select %gt3A_494, %select_n3A_490, %select_n3A_496 : vector<16xi1>, vector<16xf32>
    %select_n3A_498 = arith.select %gt3A_495, %broadcast_in_dim3A_493, %select_n3A_489 : vector<16xi1>, vector<16xi32>
    %select_n3A_499 = arith.select %gt3A_494, %select_n3A_491, %select_n3A_498 : vector<16xi1>, vector<16xi32>
    %select_n3A_500 = arith.select %gt3A_494, %get3A_432, %select_n3A_490 : vector<16xi1>, vector<16xf32>
    %select_n3A_501 = arith.select %gt3A_494, %broadcast_in_dim3A_493, %select_n3A_491 : vector<16xi1>, vector<16xi32>
    %broadcast_in_dim3A_502 = arith.constant 7 : i32
    %broadcast_in_dim3A_503 = vector.broadcast %broadcast_in_dim3A_502 : i32 to vector<16xi32>
    %gt3A_504 = arith.cmpf ogt, %get3A_435, %select_n3A_500 : vector<16xf32>
    %gt3A_505 = arith.cmpf ogt, %get3A_435, %select_n3A_497 : vector<16xf32>
    %select_n3A_506 = arith.select %gt3A_505, %get3A_435, %select_n3A_497 : vector<16xi1>, vector<16xf32>
    %select_n3A_507 = arith.select %gt3A_504, %select_n3A_500, %select_n3A_506 : vector<16xi1>, vector<16xf32>
    %select_n3A_508 = arith.select %gt3A_505, %broadcast_in_dim3A_503, %select_n3A_499 : vector<16xi1>, vector<16xi32>
    %select_n3A_509 = arith.select %gt3A_504, %select_n3A_501, %select_n3A_508 : vector<16xi1>, vector<16xi32>
    %select_n3A_510 = arith.select %gt3A_504, %get3A_435, %select_n3A_500 : vector<16xi1>, vector<16xf32>
    %select_n3A_511 = arith.select %gt3A_504, %broadcast_in_dim3A_503, %select_n3A_501 : vector<16xi1>, vector<16xi32>
    %sub3A_512 = arith.subf %select_n3A_507, %select_n3A_510 : vector<16xf32>
    %exp3A_513 = math.exp %sub3A_512 : vector<16xf32>
    %add3A_514 = arith.constant 1.000000e+00 : f32
    %add3A_515 = vector.broadcast %add3A_514 : f32 to vector<16xf32>
    %add3A_516 = arith.addf %add3A_515, %exp3A_513 : vector<16xf32>
    %div3A_517 = arith.constant 2.000000e+00 : f32
    %div3A_518 = vector.broadcast %div3A_517 : f32 to vector<16xf32>
    %div3A_519 = arith.divf %div3A_518, %add3A_516 : vector<16xf32>
    %sub3A_520 = arith.constant 2.000000e+00 : f32
    %sub3A_521 = vector.broadcast %sub3A_520 : f32 to vector<16xf32>
    %sub3A_522 = arith.subf %sub3A_521, %div3A_519 : vector<16xf32>
    %broadcast_in_dim3A_523 = arith.constant 0.000000e+00 : f32
    %broadcast_in_dim3A_524 = vector.broadcast %broadcast_in_dim3A_523 : f32 to vector<16xf32>
    %broadcast_in_dim3A_525 = arith.constant 0 : i32
    %broadcast_in_dim3A_526 = vector.broadcast %broadcast_in_dim3A_525 : i32 to vector<16xi32>
    %eq3A_527 = arith.cmpi eq, %select_n3A_511, %broadcast_in_dim3A_526 : vector<16xi32>
    %select_n3A_528 = arith.select %eq3A_527, %div3A_519, %broadcast_in_dim3A_524 : vector<16xi1>, vector<16xf32>
    %eq3A_529 = arith.cmpi eq, %select_n3A_509, %broadcast_in_dim3A_526 : vector<16xi32>
    %select_n3A_530 = arith.select %eq3A_529, %sub3A_522, %broadcast_in_dim3A_524 : vector<16xi1>, vector<16xf32>
    %add3A_531 = arith.addf %select_n3A_528, %select_n3A_530 : vector<16xf32>
    %swap3A_532 = arith.constant 32 : index
    %swap3A_533 = tpu.vector_load %arg5[%swap3A_532] {strides = array<i32>} : memref<1024xf32, #tpu.memory_space<vmem>>, vector<16xf32>,
    %swap3A_534 = vector.shape_cast %swap3A_533 : vector<16xf32> to vector<16xf32>
    %swap3A_535 = vector.shape_cast %add3A_531 : vector<16xf32> to vector<16xf32>
    tpu.vector_store %arg5[%swap3A_532], %swap3A_535 {strides = array<i32>} : memref<1024xf32, #tpu.memory_space<vmem>>, vector<16xf32>,
    %broadcast_in_dim3A_536 = arith.constant 1 : i32
    %broadcast_in_dim3A_537 = vector.broadcast %broadcast_in_dim3A_536 : i32 to vector<16xi32>
    %eq3A_538 = arith.cmpi eq, %select_n3A_511, %broadcast_in_dim3A_537 : vector<16xi32>
    %select_n3A_539 = arith.select %eq3A_538, %div3A_519, %broadcast_in_dim3A_524 : vector<16xi1>, vector<16xf32>
    %eq3A_540 = arith.cmpi eq, %select_n3A_509, %broadcast_in_dim3A_537 : vector<16xi32>
    %select_n3A_541 = arith.select %eq3A_540, %sub3A_522, %broadcast_in_dim3A_524 : vector<16xi1>, vector<16xf32>
    %add3A_542 = arith.addf %select_n3A_539, %select_n3A_541 : vector<16xf32>
    %swap3A_543 = arith.constant 160 : index
    %swap3A_544 = tpu.vector_load %arg5[%swap3A_543] {strides = array<i32>} : memref<1024xf32, #tpu.memory_space<vmem>>, vector<16xf32>,
    %swap3A_545 = vector.shape_cast %swap3A_544 : vector<16xf32> to vector<16xf32>
    %swap3A_546 = vector.shape_cast %add3A_542 : vector<16xf32> to vector<16xf32>
    tpu.vector_store %arg5[%swap3A_543], %swap3A_546 {strides = array<i32>} : memref<1024xf32, #tpu.memory_space<vmem>>, vector<16xf32>,
    %broadcast_in_dim3A_547 = arith.constant 2 : i32
    %broadcast_in_dim3A_548 = vector.broadcast %broadcast_in_dim3A_547 : i32 to vector<16xi32>
    %eq3A_549 = arith.cmpi eq, %select_n3A_511, %broadcast_in_dim3A_548 : vector<16xi32>
    %select_n3A_550 = arith.select %eq3A_549, %div3A_519, %broadcast_in_dim3A_524 : vector<16xi1>, vector<16xf32>
    %eq3A_551 = arith.cmpi eq, %select_n3A_509, %broadcast_in_dim3A_548 : vector<16xi32>
    %select_n3A_552 = arith.select %eq3A_551, %sub3A_522, %broadcast_in_dim3A_524 : vector<16xi1>, vector<16xf32>
    %add3A_553 = arith.addf %select_n3A_550, %select_n3A_552 : vector<16xf32>
    %swap3A_554 = arith.constant 288 : index
    %swap3A_555 = tpu.vector_load %arg5[%swap3A_554] {strides = array<i32>} : memref<1024xf32, #tpu.memory_space<vmem>>, vector<16xf32>,
    %swap3A_556 = vector.shape_cast %swap3A_555 : vector<16xf32> to vector<16xf32>
    %swap3A_557 = vector.shape_cast %add3A_553 : vector<16xf32> to vector<16xf32>
    tpu.vector_store %arg5[%swap3A_554], %swap3A_557 {strides = array<i32>} : memref<1024xf32, #tpu.memory_space<vmem>>, vector<16xf32>,
    %broadcast_in_dim3A_558 = arith.constant 3 : i32
    %broadcast_in_dim3A_559 = vector.broadcast %broadcast_in_dim3A_558 : i32 to vector<16xi32>
    %eq3A_560 = arith.cmpi eq, %select_n3A_511, %broadcast_in_dim3A_559 : vector<16xi32>
    %select_n3A_561 = arith.select %eq3A_560, %div3A_519, %broadcast_in_dim3A_524 : vector<16xi1>, vector<16xf32>
    %eq3A_562 = arith.cmpi eq, %select_n3A_509, %broadcast_in_dim3A_559 : vector<16xi32>
    %select_n3A_563 = arith.select %eq3A_562, %sub3A_522, %broadcast_in_dim3A_524 : vector<16xi1>, vector<16xf32>
    %add3A_564 = arith.addf %select_n3A_561, %select_n3A_563 : vector<16xf32>
    %swap3A_565 = arith.constant 416 : index
    %swap3A_566 = tpu.vector_load %arg5[%swap3A_565] {strides = array<i32>} : memref<1024xf32, #tpu.memory_space<vmem>>, vector<16xf32>,
    %swap3A_567 = vector.shape_cast %swap3A_566 : vector<16xf32> to vector<16xf32>
    %swap3A_568 = vector.shape_cast %add3A_564 : vector<16xf32> to vector<16xf32>
    tpu.vector_store %arg5[%swap3A_565], %swap3A_568 {strides = array<i32>} : memref<1024xf32, #tpu.memory_space<vmem>>, vector<16xf32>,
    %broadcast_in_dim3A_569 = arith.constant 4 : i32
    %broadcast_in_dim3A_570 = vector.broadcast %broadcast_in_dim3A_569 : i32 to vector<16xi32>
    %eq3A_571 = arith.cmpi eq, %select_n3A_511, %broadcast_in_dim3A_570 : vector<16xi32>
    %select_n3A_572 = arith.select %eq3A_571, %div3A_519, %broadcast_in_dim3A_524 : vector<16xi1>, vector<16xf32>
    %eq3A_573 = arith.cmpi eq, %select_n3A_509, %broadcast_in_dim3A_570 : vector<16xi32>
    %select_n3A_574 = arith.select %eq3A_573, %sub3A_522, %broadcast_in_dim3A_524 : vector<16xi1>, vector<16xf32>
    %add3A_575 = arith.addf %select_n3A_572, %select_n3A_574 : vector<16xf32>
    %swap3A_576 = arith.constant 544 : index
    %swap3A_577 = tpu.vector_load %arg5[%swap3A_576] {strides = array<i32>} : memref<1024xf32, #tpu.memory_space<vmem>>, vector<16xf32>,
    %swap3A_578 = vector.shape_cast %swap3A_577 : vector<16xf32> to vector<16xf32>
    %swap3A_579 = vector.shape_cast %add3A_575 : vector<16xf32> to vector<16xf32>
    tpu.vector_store %arg5[%swap3A_576], %swap3A_579 {strides = array<i32>} : memref<1024xf32, #tpu.memory_space<vmem>>, vector<16xf32>,
    %broadcast_in_dim3A_580 = arith.constant 5 : i32
    %broadcast_in_dim3A_581 = vector.broadcast %broadcast_in_dim3A_580 : i32 to vector<16xi32>
    %eq3A_582 = arith.cmpi eq, %select_n3A_511, %broadcast_in_dim3A_581 : vector<16xi32>
    %select_n3A_583 = arith.select %eq3A_582, %div3A_519, %broadcast_in_dim3A_524 : vector<16xi1>, vector<16xf32>
    %eq3A_584 = arith.cmpi eq, %select_n3A_509, %broadcast_in_dim3A_581 : vector<16xi32>
    %select_n3A_585 = arith.select %eq3A_584, %sub3A_522, %broadcast_in_dim3A_524 : vector<16xi1>, vector<16xf32>
    %add3A_586 = arith.addf %select_n3A_583, %select_n3A_585 : vector<16xf32>
    %swap3A_587 = arith.constant 672 : index
    %swap3A_588 = tpu.vector_load %arg5[%swap3A_587] {strides = array<i32>} : memref<1024xf32, #tpu.memory_space<vmem>>, vector<16xf32>,
    %swap3A_589 = vector.shape_cast %swap3A_588 : vector<16xf32> to vector<16xf32>
    %swap3A_590 = vector.shape_cast %add3A_586 : vector<16xf32> to vector<16xf32>
    tpu.vector_store %arg5[%swap3A_587], %swap3A_590 {strides = array<i32>} : memref<1024xf32, #tpu.memory_space<vmem>>, vector<16xf32>,
    %broadcast_in_dim3A_591 = arith.constant 6 : i32
    %broadcast_in_dim3A_592 = vector.broadcast %broadcast_in_dim3A_591 : i32 to vector<16xi32>
    %eq3A_593 = arith.cmpi eq, %select_n3A_511, %broadcast_in_dim3A_592 : vector<16xi32>
    %select_n3A_594 = arith.select %eq3A_593, %div3A_519, %broadcast_in_dim3A_524 : vector<16xi1>, vector<16xf32>
    %eq3A_595 = arith.cmpi eq, %select_n3A_509, %broadcast_in_dim3A_592 : vector<16xi32>
    %select_n3A_596 = arith.select %eq3A_595, %sub3A_522, %broadcast_in_dim3A_524 : vector<16xi1>, vector<16xf32>
    %add3A_597 = arith.addf %select_n3A_594, %select_n3A_596 : vector<16xf32>
    %swap3A_598 = arith.constant 800 : index
    %swap3A_599 = tpu.vector_load %arg5[%swap3A_598] {strides = array<i32>} : memref<1024xf32, #tpu.memory_space<vmem>>, vector<16xf32>,
    %swap3A_600 = vector.shape_cast %swap3A_599 : vector<16xf32> to vector<16xf32>
    %swap3A_601 = vector.shape_cast %add3A_597 : vector<16xf32> to vector<16xf32>
    tpu.vector_store %arg5[%swap3A_598], %swap3A_601 {strides = array<i32>} : memref<1024xf32, #tpu.memory_space<vmem>>, vector<16xf32>,
    %broadcast_in_dim3A_602 = arith.constant 7 : i32
    %broadcast_in_dim3A_603 = vector.broadcast %broadcast_in_dim3A_602 : i32 to vector<16xi32>
    %eq3A_604 = arith.cmpi eq, %select_n3A_511, %broadcast_in_dim3A_603 : vector<16xi32>
    %select_n3A_605 = arith.select %eq3A_604, %div3A_519, %broadcast_in_dim3A_524 : vector<16xi1>, vector<16xf32>
    %eq3A_606 = arith.cmpi eq, %select_n3A_509, %broadcast_in_dim3A_603 : vector<16xi32>
    %select_n3A_607 = arith.select %eq3A_606, %sub3A_522, %broadcast_in_dim3A_524 : vector<16xi1>, vector<16xf32>
    %add3A_608 = arith.addf %select_n3A_605, %select_n3A_607 : vector<16xf32>
    %swap3A_609 = arith.constant 928 : index
    %swap3A_610 = tpu.vector_load %arg5[%swap3A_609] {strides = array<i32>} : memref<1024xf32, #tpu.memory_space<vmem>>, vector<16xf32>,
    %swap3A_611 = vector.shape_cast %swap3A_610 : vector<16xf32> to vector<16xf32>
    %swap3A_612 = vector.shape_cast %add3A_608 : vector<16xf32> to vector<16xf32>
    tpu.vector_store %arg5[%swap3A_609], %swap3A_612 {strides = array<i32>} : memref<1024xf32, #tpu.memory_space<vmem>>, vector<16xf32>,
    %get3A_613 = arith.constant 48 : index
    %get3A_614 = tpu.vector_load %arg4[%get3A_613] {strides = array<i32>} : memref<1024xf32, #tpu.memory_space<vmem>>, vector<16xf32>,
    %get3A_615 = vector.shape_cast %get3A_614 : vector<16xf32> to vector<16xf32>
    %get3A_616 = arith.constant 176 : index
    %get3A_617 = tpu.vector_load %arg4[%get3A_616] {strides = array<i32>} : memref<1024xf32, #tpu.memory_space<vmem>>, vector<16xf32>,
    %get3A_618 = vector.shape_cast %get3A_617 : vector<16xf32> to vector<16xf32>
    %get3A_619 = arith.constant 304 : index
    %get3A_620 = tpu.vector_load %arg4[%get3A_619] {strides = array<i32>} : memref<1024xf32, #tpu.memory_space<vmem>>, vector<16xf32>,
    %get3A_621 = vector.shape_cast %get3A_620 : vector<16xf32> to vector<16xf32>
    %get3A_622 = arith.constant 432 : index
    %get3A_623 = tpu.vector_load %arg4[%get3A_622] {strides = array<i32>} : memref<1024xf32, #tpu.memory_space<vmem>>, vector<16xf32>,
    %get3A_624 = vector.shape_cast %get3A_623 : vector<16xf32> to vector<16xf32>
    %get3A_625 = arith.constant 560 : index
    %get3A_626 = tpu.vector_load %arg4[%get3A_625] {strides = array<i32>} : memref<1024xf32, #tpu.memory_space<vmem>>, vector<16xf32>,
    %get3A_627 = vector.shape_cast %get3A_626 : vector<16xf32> to vector<16xf32>
    %get3A_628 = arith.constant 688 : index
    %get3A_629 = tpu.vector_load %arg4[%get3A_628] {strides = array<i32>} : memref<1024xf32, #tpu.memory_space<vmem>>, vector<16xf32>,
    %get3A_630 = vector.shape_cast %get3A_629 : vector<16xf32> to vector<16xf32>
    %get3A_631 = arith.constant 816 : index
    %get3A_632 = tpu.vector_load %arg4[%get3A_631] {strides = array<i32>} : memref<1024xf32, #tpu.memory_space<vmem>>, vector<16xf32>,
    %get3A_633 = vector.shape_cast %get3A_632 : vector<16xf32> to vector<16xf32>
    %get3A_634 = arith.constant 944 : index
    %get3A_635 = tpu.vector_load %arg4[%get3A_634] {strides = array<i32>} : memref<1024xf32, #tpu.memory_space<vmem>>, vector<16xf32>,
    %get3A_636 = vector.shape_cast %get3A_635 : vector<16xf32> to vector<16xf32>
    %broadcast_in_dim3A_637 = arith.constant 0 : i32
    %broadcast_in_dim3A_638 = vector.broadcast %broadcast_in_dim3A_637 : i32 to vector<16xi32>
    %broadcast_in_dim3A_639 = arith.constant -3.000000e+38 : f32
    %broadcast_in_dim3A_640 = vector.broadcast %broadcast_in_dim3A_639 : f32 to vector<16xf32>
    %broadcast_in_dim3A_641 = arith.constant -1 : i32
    %broadcast_in_dim3A_642 = vector.broadcast %broadcast_in_dim3A_641 : i32 to vector<16xi32>
    %broadcast_in_dim3A_643 = arith.constant 1 : i32
    %broadcast_in_dim3A_644 = vector.broadcast %broadcast_in_dim3A_643 : i32 to vector<16xi32>
    %gt3A_645 = arith.cmpf ogt, %get3A_618, %get3A_615 : vector<16xf32>
    %gt3A_646 = arith.cmpf ogt, %get3A_618, %broadcast_in_dim3A_640 : vector<16xf32>
    %select_n3A_647 = arith.select %gt3A_646, %get3A_618, %broadcast_in_dim3A_640 : vector<16xi1>, vector<16xf32>
    %select_n3A_648 = arith.select %gt3A_645, %get3A_615, %select_n3A_647 : vector<16xi1>, vector<16xf32>
    %select_n3A_649 = arith.select %gt3A_646, %broadcast_in_dim3A_644, %broadcast_in_dim3A_642 : vector<16xi1>, vector<16xi32>
    %select_n3A_650 = arith.select %gt3A_645, %broadcast_in_dim3A_638, %select_n3A_649 : vector<16xi1>, vector<16xi32>
    %select_n3A_651 = arith.select %gt3A_645, %get3A_618, %get3A_615 : vector<16xi1>, vector<16xf32>
    %select_n3A_652 = arith.select %gt3A_645, %broadcast_in_dim3A_644, %broadcast_in_dim3A_638 : vector<16xi1>, vector<16xi32>
    %broadcast_in_dim3A_653 = arith.constant 2 : i32
    %broadcast_in_dim3A_654 = vector.broadcast %broadcast_in_dim3A_653 : i32 to vector<16xi32>
    %gt3A_655 = arith.cmpf ogt, %get3A_621, %select_n3A_651 : vector<16xf32>
    %gt3A_656 = arith.cmpf ogt, %get3A_621, %select_n3A_648 : vector<16xf32>
    %select_n3A_657 = arith.select %gt3A_656, %get3A_621, %select_n3A_648 : vector<16xi1>, vector<16xf32>
    %select_n3A_658 = arith.select %gt3A_655, %select_n3A_651, %select_n3A_657 : vector<16xi1>, vector<16xf32>
    %select_n3A_659 = arith.select %gt3A_656, %broadcast_in_dim3A_654, %select_n3A_650 : vector<16xi1>, vector<16xi32>
    %select_n3A_660 = arith.select %gt3A_655, %select_n3A_652, %select_n3A_659 : vector<16xi1>, vector<16xi32>
    %select_n3A_661 = arith.select %gt3A_655, %get3A_621, %select_n3A_651 : vector<16xi1>, vector<16xf32>
    %select_n3A_662 = arith.select %gt3A_655, %broadcast_in_dim3A_654, %select_n3A_652 : vector<16xi1>, vector<16xi32>
    %broadcast_in_dim3A_663 = arith.constant 3 : i32
    %broadcast_in_dim3A_664 = vector.broadcast %broadcast_in_dim3A_663 : i32 to vector<16xi32>
    %gt3A_665 = arith.cmpf ogt, %get3A_624, %select_n3A_661 : vector<16xf32>
    %gt3A_666 = arith.cmpf ogt, %get3A_624, %select_n3A_658 : vector<16xf32>
    %select_n3A_667 = arith.select %gt3A_666, %get3A_624, %select_n3A_658 : vector<16xi1>, vector<16xf32>
    %select_n3A_668 = arith.select %gt3A_665, %select_n3A_661, %select_n3A_667 : vector<16xi1>, vector<16xf32>
    %select_n3A_669 = arith.select %gt3A_666, %broadcast_in_dim3A_664, %select_n3A_660 : vector<16xi1>, vector<16xi32>
    %select_n3A_670 = arith.select %gt3A_665, %select_n3A_662, %select_n3A_669 : vector<16xi1>, vector<16xi32>
    %select_n3A_671 = arith.select %gt3A_665, %get3A_624, %select_n3A_661 : vector<16xi1>, vector<16xf32>
    %select_n3A_672 = arith.select %gt3A_665, %broadcast_in_dim3A_664, %select_n3A_662 : vector<16xi1>, vector<16xi32>
    %broadcast_in_dim3A_673 = arith.constant 4 : i32
    %broadcast_in_dim3A_674 = vector.broadcast %broadcast_in_dim3A_673 : i32 to vector<16xi32>
    %gt3A_675 = arith.cmpf ogt, %get3A_627, %select_n3A_671 : vector<16xf32>
    %gt3A_676 = arith.cmpf ogt, %get3A_627, %select_n3A_668 : vector<16xf32>
    %select_n3A_677 = arith.select %gt3A_676, %get3A_627, %select_n3A_668 : vector<16xi1>, vector<16xf32>
    %select_n3A_678 = arith.select %gt3A_675, %select_n3A_671, %select_n3A_677 : vector<16xi1>, vector<16xf32>
    %select_n3A_679 = arith.select %gt3A_676, %broadcast_in_dim3A_674, %select_n3A_670 : vector<16xi1>, vector<16xi32>
    %select_n3A_680 = arith.select %gt3A_675, %select_n3A_672, %select_n3A_679 : vector<16xi1>, vector<16xi32>
    %select_n3A_681 = arith.select %gt3A_675, %get3A_627, %select_n3A_671 : vector<16xi1>, vector<16xf32>
    %select_n3A_682 = arith.select %gt3A_675, %broadcast_in_dim3A_674, %select_n3A_672 : vector<16xi1>, vector<16xi32>
    %broadcast_in_dim3A_683 = arith.constant 5 : i32
    %broadcast_in_dim3A_684 = vector.broadcast %broadcast_in_dim3A_683 : i32 to vector<16xi32>
    %gt3A_685 = arith.cmpf ogt, %get3A_630, %select_n3A_681 : vector<16xf32>
    %gt3A_686 = arith.cmpf ogt, %get3A_630, %select_n3A_678 : vector<16xf32>
    %select_n3A_687 = arith.select %gt3A_686, %get3A_630, %select_n3A_678 : vector<16xi1>, vector<16xf32>
    %select_n3A_688 = arith.select %gt3A_685, %select_n3A_681, %select_n3A_687 : vector<16xi1>, vector<16xf32>
    %select_n3A_689 = arith.select %gt3A_686, %broadcast_in_dim3A_684, %select_n3A_680 : vector<16xi1>, vector<16xi32>
    %select_n3A_690 = arith.select %gt3A_685, %select_n3A_682, %select_n3A_689 : vector<16xi1>, vector<16xi32>
    %select_n3A_691 = arith.select %gt3A_685, %get3A_630, %select_n3A_681 : vector<16xi1>, vector<16xf32>
    %select_n3A_692 = arith.select %gt3A_685, %broadcast_in_dim3A_684, %select_n3A_682 : vector<16xi1>, vector<16xi32>
    %broadcast_in_dim3A_693 = arith.constant 6 : i32
    %broadcast_in_dim3A_694 = vector.broadcast %broadcast_in_dim3A_693 : i32 to vector<16xi32>
    %gt3A_695 = arith.cmpf ogt, %get3A_633, %select_n3A_691 : vector<16xf32>
    %gt3A_696 = arith.cmpf ogt, %get3A_633, %select_n3A_688 : vector<16xf32>
    %select_n3A_697 = arith.select %gt3A_696, %get3A_633, %select_n3A_688 : vector<16xi1>, vector<16xf32>
    %select_n3A_698 = arith.select %gt3A_695, %select_n3A_691, %select_n3A_697 : vector<16xi1>, vector<16xf32>
    %select_n3A_699 = arith.select %gt3A_696, %broadcast_in_dim3A_694, %select_n3A_690 : vector<16xi1>, vector<16xi32>
    %select_n3A_700 = arith.select %gt3A_695, %select_n3A_692, %select_n3A_699 : vector<16xi1>, vector<16xi32>
    %select_n3A_701 = arith.select %gt3A_695, %get3A_633, %select_n3A_691 : vector<16xi1>, vector<16xf32>
    %select_n3A_702 = arith.select %gt3A_695, %broadcast_in_dim3A_694, %select_n3A_692 : vector<16xi1>, vector<16xi32>
    %broadcast_in_dim3A_703 = arith.constant 7 : i32
    %broadcast_in_dim3A_704 = vector.broadcast %broadcast_in_dim3A_703 : i32 to vector<16xi32>
    %gt3A_705 = arith.cmpf ogt, %get3A_636, %select_n3A_701 : vector<16xf32>
    %gt3A_706 = arith.cmpf ogt, %get3A_636, %select_n3A_698 : vector<16xf32>
    %select_n3A_707 = arith.select %gt3A_706, %get3A_636, %select_n3A_698 : vector<16xi1>, vector<16xf32>
    %select_n3A_708 = arith.select %gt3A_705, %select_n3A_701, %select_n3A_707 : vector<16xi1>, vector<16xf32>
    %select_n3A_709 = arith.select %gt3A_706, %broadcast_in_dim3A_704, %select_n3A_700 : vector<16xi1>, vector<16xi32>
    %select_n3A_710 = arith.select %gt3A_705, %select_n3A_702, %select_n3A_709 : vector<16xi1>, vector<16xi32>
    %select_n3A_711 = arith.select %gt3A_705, %get3A_636, %select_n3A_701 : vector<16xi1>, vector<16xf32>
    %select_n3A_712 = arith.select %gt3A_705, %broadcast_in_dim3A_704, %select_n3A_702 : vector<16xi1>, vector<16xi32>
    %sub3A_713 = arith.subf %select_n3A_708, %select_n3A_711 : vector<16xf32>
    %exp3A_714 = math.exp %sub3A_713 : vector<16xf32>
    %add3A_715 = arith.constant 1.000000e+00 : f32
    %add3A_716 = vector.broadcast %add3A_715 : f32 to vector<16xf32>
    %add3A_717 = arith.addf %add3A_716, %exp3A_714 : vector<16xf32>
    %div3A_718 = arith.constant 2.000000e+00 : f32
    %div3A_719 = vector.broadcast %div3A_718 : f32 to vector<16xf32>
    %div3A_720 = arith.divf %div3A_719, %add3A_717 : vector<16xf32>
    %sub3A_721 = arith.constant 2.000000e+00 : f32
    %sub3A_722 = vector.broadcast %sub3A_721 : f32 to vector<16xf32>
    %sub3A_723 = arith.subf %sub3A_722, %div3A_720 : vector<16xf32>
    %broadcast_in_dim3A_724 = arith.constant 0.000000e+00 : f32
    %broadcast_in_dim3A_725 = vector.broadcast %broadcast_in_dim3A_724 : f32 to vector<16xf32>
    %broadcast_in_dim3A_726 = arith.constant 0 : i32
    %broadcast_in_dim3A_727 = vector.broadcast %broadcast_in_dim3A_726 : i32 to vector<16xi32>
    %eq3A_728 = arith.cmpi eq, %select_n3A_712, %broadcast_in_dim3A_727 : vector<16xi32>
    %select_n3A_729 = arith.select %eq3A_728, %div3A_720, %broadcast_in_dim3A_725 : vector<16xi1>, vector<16xf32>
    %eq3A_730 = arith.cmpi eq, %select_n3A_710, %broadcast_in_dim3A_727 : vector<16xi32>
    %select_n3A_731 = arith.select %eq3A_730, %sub3A_723, %broadcast_in_dim3A_725 : vector<16xi1>, vector<16xf32>
    %add3A_732 = arith.addf %select_n3A_729, %select_n3A_731 : vector<16xf32>
    %swap3A_733 = arith.constant 48 : index
    %swap3A_734 = tpu.vector_load %arg5[%swap3A_733] {strides = array<i32>} : memref<1024xf32, #tpu.memory_space<vmem>>, vector<16xf32>,
    %swap3A_735 = vector.shape_cast %swap3A_734 : vector<16xf32> to vector<16xf32>
    %swap3A_736 = vector.shape_cast %add3A_732 : vector<16xf32> to vector<16xf32>
    tpu.vector_store %arg5[%swap3A_733], %swap3A_736 {strides = array<i32>} : memref<1024xf32, #tpu.memory_space<vmem>>, vector<16xf32>,
    %broadcast_in_dim3A_737 = arith.constant 1 : i32
    %broadcast_in_dim3A_738 = vector.broadcast %broadcast_in_dim3A_737 : i32 to vector<16xi32>
    %eq3A_739 = arith.cmpi eq, %select_n3A_712, %broadcast_in_dim3A_738 : vector<16xi32>
    %select_n3A_740 = arith.select %eq3A_739, %div3A_720, %broadcast_in_dim3A_725 : vector<16xi1>, vector<16xf32>
    %eq3A_741 = arith.cmpi eq, %select_n3A_710, %broadcast_in_dim3A_738 : vector<16xi32>
    %select_n3A_742 = arith.select %eq3A_741, %sub3A_723, %broadcast_in_dim3A_725 : vector<16xi1>, vector<16xf32>
    %add3A_743 = arith.addf %select_n3A_740, %select_n3A_742 : vector<16xf32>
    %swap3A_744 = arith.constant 176 : index
    %swap3A_745 = tpu.vector_load %arg5[%swap3A_744] {strides = array<i32>} : memref<1024xf32, #tpu.memory_space<vmem>>, vector<16xf32>,
    %swap3A_746 = vector.shape_cast %swap3A_745 : vector<16xf32> to vector<16xf32>
    %swap3A_747 = vector.shape_cast %add3A_743 : vector<16xf32> to vector<16xf32>
    tpu.vector_store %arg5[%swap3A_744], %swap3A_747 {strides = array<i32>} : memref<1024xf32, #tpu.memory_space<vmem>>, vector<16xf32>,
    %broadcast_in_dim3A_748 = arith.constant 2 : i32
    %broadcast_in_dim3A_749 = vector.broadcast %broadcast_in_dim3A_748 : i32 to vector<16xi32>
    %eq3A_750 = arith.cmpi eq, %select_n3A_712, %broadcast_in_dim3A_749 : vector<16xi32>
    %select_n3A_751 = arith.select %eq3A_750, %div3A_720, %broadcast_in_dim3A_725 : vector<16xi1>, vector<16xf32>
    %eq3A_752 = arith.cmpi eq, %select_n3A_710, %broadcast_in_dim3A_749 : vector<16xi32>
    %select_n3A_753 = arith.select %eq3A_752, %sub3A_723, %broadcast_in_dim3A_725 : vector<16xi1>, vector<16xf32>
    %add3A_754 = arith.addf %select_n3A_751, %select_n3A_753 : vector<16xf32>
    %swap3A_755 = arith.constant 304 : index
    %swap3A_756 = tpu.vector_load %arg5[%swap3A_755] {strides = array<i32>} : memref<1024xf32, #tpu.memory_space<vmem>>, vector<16xf32>,
    %swap3A_757 = vector.shape_cast %swap3A_756 : vector<16xf32> to vector<16xf32>
    %swap3A_758 = vector.shape_cast %add3A_754 : vector<16xf32> to vector<16xf32>
    tpu.vector_store %arg5[%swap3A_755], %swap3A_758 {strides = array<i32>} : memref<1024xf32, #tpu.memory_space<vmem>>, vector<16xf32>,
    %broadcast_in_dim3A_759 = arith.constant 3 : i32
    %broadcast_in_dim3A_760 = vector.broadcast %broadcast_in_dim3A_759 : i32 to vector<16xi32>
    %eq3A_761 = arith.cmpi eq, %select_n3A_712, %broadcast_in_dim3A_760 : vector<16xi32>
    %select_n3A_762 = arith.select %eq3A_761, %div3A_720, %broadcast_in_dim3A_725 : vector<16xi1>, vector<16xf32>
    %eq3A_763 = arith.cmpi eq, %select_n3A_710, %broadcast_in_dim3A_760 : vector<16xi32>
    %select_n3A_764 = arith.select %eq3A_763, %sub3A_723, %broadcast_in_dim3A_725 : vector<16xi1>, vector<16xf32>
    %add3A_765 = arith.addf %select_n3A_762, %select_n3A_764 : vector<16xf32>
    %swap3A_766 = arith.constant 432 : index
    %swap3A_767 = tpu.vector_load %arg5[%swap3A_766] {strides = array<i32>} : memref<1024xf32, #tpu.memory_space<vmem>>, vector<16xf32>,
    %swap3A_768 = vector.shape_cast %swap3A_767 : vector<16xf32> to vector<16xf32>
    %swap3A_769 = vector.shape_cast %add3A_765 : vector<16xf32> to vector<16xf32>
    tpu.vector_store %arg5[%swap3A_766], %swap3A_769 {strides = array<i32>} : memref<1024xf32, #tpu.memory_space<vmem>>, vector<16xf32>,
    %broadcast_in_dim3A_770 = arith.constant 4 : i32
    %broadcast_in_dim3A_771 = vector.broadcast %broadcast_in_dim3A_770 : i32 to vector<16xi32>
    %eq3A_772 = arith.cmpi eq, %select_n3A_712, %broadcast_in_dim3A_771 : vector<16xi32>
    %select_n3A_773 = arith.select %eq3A_772, %div3A_720, %broadcast_in_dim3A_725 : vector<16xi1>, vector<16xf32>
    %eq3A_774 = arith.cmpi eq, %select_n3A_710, %broadcast_in_dim3A_771 : vector<16xi32>
    %select_n3A_775 = arith.select %eq3A_774, %sub3A_723, %broadcast_in_dim3A_725 : vector<16xi1>, vector<16xf32>
    %add3A_776 = arith.addf %select_n3A_773, %select_n3A_775 : vector<16xf32>
    %swap3A_777 = arith.constant 560 : index
    %swap3A_778 = tpu.vector_load %arg5[%swap3A_777] {strides = array<i32>} : memref<1024xf32, #tpu.memory_space<vmem>>, vector<16xf32>,
    %swap3A_779 = vector.shape_cast %swap3A_778 : vector<16xf32> to vector<16xf32>
    %swap3A_780 = vector.shape_cast %add3A_776 : vector<16xf32> to vector<16xf32>
    tpu.vector_store %arg5[%swap3A_777], %swap3A_780 {strides = array<i32>} : memref<1024xf32, #tpu.memory_space<vmem>>, vector<16xf32>,
    %broadcast_in_dim3A_781 = arith.constant 5 : i32
    %broadcast_in_dim3A_782 = vector.broadcast %broadcast_in_dim3A_781 : i32 to vector<16xi32>
    %eq3A_783 = arith.cmpi eq, %select_n3A_712, %broadcast_in_dim3A_782 : vector<16xi32>
    %select_n3A_784 = arith.select %eq3A_783, %div3A_720, %broadcast_in_dim3A_725 : vector<16xi1>, vector<16xf32>
    %eq3A_785 = arith.cmpi eq, %select_n3A_710, %broadcast_in_dim3A_782 : vector<16xi32>
    %select_n3A_786 = arith.select %eq3A_785, %sub3A_723, %broadcast_in_dim3A_725 : vector<16xi1>, vector<16xf32>
    %add3A_787 = arith.addf %select_n3A_784, %select_n3A_786 : vector<16xf32>
    %swap3A_788 = arith.constant 688 : index
    %swap3A_789 = tpu.vector_load %arg5[%swap3A_788] {strides = array<i32>} : memref<1024xf32, #tpu.memory_space<vmem>>, vector<16xf32>,
    %swap3A_790 = vector.shape_cast %swap3A_789 : vector<16xf32> to vector<16xf32>
    %swap3A_791 = vector.shape_cast %add3A_787 : vector<16xf32> to vector<16xf32>
    tpu.vector_store %arg5[%swap3A_788], %swap3A_791 {strides = array<i32>} : memref<1024xf32, #tpu.memory_space<vmem>>, vector<16xf32>,
    %broadcast_in_dim3A_792 = arith.constant 6 : i32
    %broadcast_in_dim3A_793 = vector.broadcast %broadcast_in_dim3A_792 : i32 to vector<16xi32>
    %eq3A_794 = arith.cmpi eq, %select_n3A_712, %broadcast_in_dim3A_793 : vector<16xi32>
    %select_n3A_795 = arith.select %eq3A_794, %div3A_720, %broadcast_in_dim3A_725 : vector<16xi1>, vector<16xf32>
    %eq3A_796 = arith.cmpi eq, %select_n3A_710, %broadcast_in_dim3A_793 : vector<16xi32>
    %select_n3A_797 = arith.select %eq3A_796, %sub3A_723, %broadcast_in_dim3A_725 : vector<16xi1>, vector<16xf32>
    %add3A_798 = arith.addf %select_n3A_795, %select_n3A_797 : vector<16xf32>
    %swap3A_799 = arith.constant 816 : index
    %swap3A_800 = tpu.vector_load %arg5[%swap3A_799] {strides = array<i32>} : memref<1024xf32, #tpu.memory_space<vmem>>, vector<16xf32>,
    %swap3A_801 = vector.shape_cast %swap3A_800 : vector<16xf32> to vector<16xf32>
    %swap3A_802 = vector.shape_cast %add3A_798 : vector<16xf32> to vector<16xf32>
    tpu.vector_store %arg5[%swap3A_799], %swap3A_802 {strides = array<i32>} : memref<1024xf32, #tpu.memory_space<vmem>>, vector<16xf32>,
    %broadcast_in_dim3A_803 = arith.constant 7 : i32
    %broadcast_in_dim3A_804 = vector.broadcast %broadcast_in_dim3A_803 : i32 to vector<16xi32>
    %eq3A_805 = arith.cmpi eq, %select_n3A_712, %broadcast_in_dim3A_804 : vector<16xi32>
    %select_n3A_806 = arith.select %eq3A_805, %div3A_720, %broadcast_in_dim3A_725 : vector<16xi1>, vector<16xf32>
    %eq3A_807 = arith.cmpi eq, %select_n3A_710, %broadcast_in_dim3A_804 : vector<16xi32>
    %select_n3A_808 = arith.select %eq3A_807, %sub3A_723, %broadcast_in_dim3A_725 : vector<16xi1>, vector<16xf32>
    %add3A_809 = arith.addf %select_n3A_806, %select_n3A_808 : vector<16xf32>
    %swap3A_810 = arith.constant 944 : index
    %swap3A_811 = tpu.vector_load %arg5[%swap3A_810] {strides = array<i32>} : memref<1024xf32, #tpu.memory_space<vmem>>, vector<16xf32>,
    %swap3A_812 = vector.shape_cast %swap3A_811 : vector<16xf32> to vector<16xf32>
    %swap3A_813 = vector.shape_cast %add3A_809 : vector<16xf32> to vector<16xf32>
    tpu.vector_store %arg5[%swap3A_810], %swap3A_813 {strides = array<i32>} : memref<1024xf32, #tpu.memory_space<vmem>>, vector<16xf32>,
    %get3A_814 = arith.constant 64 : index
    %get3A_815 = tpu.vector_load %arg4[%get3A_814] {strides = array<i32>} : memref<1024xf32, #tpu.memory_space<vmem>>, vector<16xf32>,
    %get3A_816 = vector.shape_cast %get3A_815 : vector<16xf32> to vector<16xf32>
    %get3A_817 = arith.constant 192 : index
    %get3A_818 = tpu.vector_load %arg4[%get3A_817] {strides = array<i32>} : memref<1024xf32, #tpu.memory_space<vmem>>, vector<16xf32>,
    %get3A_819 = vector.shape_cast %get3A_818 : vector<16xf32> to vector<16xf32>
    %get3A_820 = arith.constant 320 : index
    %get3A_821 = tpu.vector_load %arg4[%get3A_820] {strides = array<i32>} : memref<1024xf32, #tpu.memory_space<vmem>>, vector<16xf32>,
    %get3A_822 = vector.shape_cast %get3A_821 : vector<16xf32> to vector<16xf32>
    %get3A_823 = arith.constant 448 : index
    %get3A_824 = tpu.vector_load %arg4[%get3A_823] {strides = array<i32>} : memref<1024xf32, #tpu.memory_space<vmem>>, vector<16xf32>,
    %get3A_825 = vector.shape_cast %get3A_824 : vector<16xf32> to vector<16xf32>
    %get3A_826 = arith.constant 576 : index
    %get3A_827 = tpu.vector_load %arg4[%get3A_826] {strides = array<i32>} : memref<1024xf32, #tpu.memory_space<vmem>>, vector<16xf32>,
    %get3A_828 = vector.shape_cast %get3A_827 : vector<16xf32> to vector<16xf32>
    %get3A_829 = arith.constant 704 : index
    %get3A_830 = tpu.vector_load %arg4[%get3A_829] {strides = array<i32>} : memref<1024xf32, #tpu.memory_space<vmem>>, vector<16xf32>,
    %get3A_831 = vector.shape_cast %get3A_830 : vector<16xf32> to vector<16xf32>
    %get3A_832 = arith.constant 832 : index
    %get3A_833 = tpu.vector_load %arg4[%get3A_832] {strides = array<i32>} : memref<1024xf32, #tpu.memory_space<vmem>>, vector<16xf32>,
    %get3A_834 = vector.shape_cast %get3A_833 : vector<16xf32> to vector<16xf32>
    %get3A_835 = arith.constant 960 : index
    %get3A_836 = tpu.vector_load %arg4[%get3A_835] {strides = array<i32>} : memref<1024xf32, #tpu.memory_space<vmem>>, vector<16xf32>,
    %get3A_837 = vector.shape_cast %get3A_836 : vector<16xf32> to vector<16xf32>
    %broadcast_in_dim3A_838 = arith.constant 0 : i32
    %broadcast_in_dim3A_839 = vector.broadcast %broadcast_in_dim3A_838 : i32 to vector<16xi32>
    %broadcast_in_dim3A_840 = arith.constant -3.000000e+38 : f32
    %broadcast_in_dim3A_841 = vector.broadcast %broadcast_in_dim3A_840 : f32 to vector<16xf32>
    %broadcast_in_dim3A_842 = arith.constant -1 : i32
    %broadcast_in_dim3A_843 = vector.broadcast %broadcast_in_dim3A_842 : i32 to vector<16xi32>
    %broadcast_in_dim3A_844 = arith.constant 1 : i32
    %broadcast_in_dim3A_845 = vector.broadcast %broadcast_in_dim3A_844 : i32 to vector<16xi32>
    %gt3A_846 = arith.cmpf ogt, %get3A_819, %get3A_816 : vector<16xf32>
    %gt3A_847 = arith.cmpf ogt, %get3A_819, %broadcast_in_dim3A_841 : vector<16xf32>
    %select_n3A_848 = arith.select %gt3A_847, %get3A_819, %broadcast_in_dim3A_841 : vector<16xi1>, vector<16xf32>
    %select_n3A_849 = arith.select %gt3A_846, %get3A_816, %select_n3A_848 : vector<16xi1>, vector<16xf32>
    %select_n3A_850 = arith.select %gt3A_847, %broadcast_in_dim3A_845, %broadcast_in_dim3A_843 : vector<16xi1>, vector<16xi32>
    %select_n3A_851 = arith.select %gt3A_846, %broadcast_in_dim3A_839, %select_n3A_850 : vector<16xi1>, vector<16xi32>
    %select_n3A_852 = arith.select %gt3A_846, %get3A_819, %get3A_816 : vector<16xi1>, vector<16xf32>
    %select_n3A_853 = arith.select %gt3A_846, %broadcast_in_dim3A_845, %broadcast_in_dim3A_839 : vector<16xi1>, vector<16xi32>
    %broadcast_in_dim3A_854 = arith.constant 2 : i32
    %broadcast_in_dim3A_855 = vector.broadcast %broadcast_in_dim3A_854 : i32 to vector<16xi32>
    %gt3A_856 = arith.cmpf ogt, %get3A_822, %select_n3A_852 : vector<16xf32>
    %gt3A_857 = arith.cmpf ogt, %get3A_822, %select_n3A_849 : vector<16xf32>
    %select_n3A_858 = arith.select %gt3A_857, %get3A_822, %select_n3A_849 : vector<16xi1>, vector<16xf32>
    %select_n3A_859 = arith.select %gt3A_856, %select_n3A_852, %select_n3A_858 : vector<16xi1>, vector<16xf32>
    %select_n3A_860 = arith.select %gt3A_857, %broadcast_in_dim3A_855, %select_n3A_851 : vector<16xi1>, vector<16xi32>
    %select_n3A_861 = arith.select %gt3A_856, %select_n3A_853, %select_n3A_860 : vector<16xi1>, vector<16xi32>
    %select_n3A_862 = arith.select %gt3A_856, %get3A_822, %select_n3A_852 : vector<16xi1>, vector<16xf32>
    %select_n3A_863 = arith.select %gt3A_856, %broadcast_in_dim3A_855, %select_n3A_853 : vector<16xi1>, vector<16xi32>
    %broadcast_in_dim3A_864 = arith.constant 3 : i32
    %broadcast_in_dim3A_865 = vector.broadcast %broadcast_in_dim3A_864 : i32 to vector<16xi32>
    %gt3A_866 = arith.cmpf ogt, %get3A_825, %select_n3A_862 : vector<16xf32>
    %gt3A_867 = arith.cmpf ogt, %get3A_825, %select_n3A_859 : vector<16xf32>
    %select_n3A_868 = arith.select %gt3A_867, %get3A_825, %select_n3A_859 : vector<16xi1>, vector<16xf32>
    %select_n3A_869 = arith.select %gt3A_866, %select_n3A_862, %select_n3A_868 : vector<16xi1>, vector<16xf32>
    %select_n3A_870 = arith.select %gt3A_867, %broadcast_in_dim3A_865, %select_n3A_861 : vector<16xi1>, vector<16xi32>
    %select_n3A_871 = arith.select %gt3A_866, %select_n3A_863, %select_n3A_870 : vector<16xi1>, vector<16xi32>
    %select_n3A_872 = arith.select %gt3A_866, %get3A_825, %select_n3A_862 : vector<16xi1>, vector<16xf32>
    %select_n3A_873 = arith.select %gt3A_866, %broadcast_in_dim3A_865, %select_n3A_863 : vector<16xi1>, vector<16xi32>
    %broadcast_in_dim3A_874 = arith.constant 4 : i32
    %broadcast_in_dim3A_875 = vector.broadcast %broadcast_in_dim3A_874 : i32 to vector<16xi32>
    %gt3A_876 = arith.cmpf ogt, %get3A_828, %select_n3A_872 : vector<16xf32>
    %gt3A_877 = arith.cmpf ogt, %get3A_828, %select_n3A_869 : vector<16xf32>
    %select_n3A_878 = arith.select %gt3A_877, %get3A_828, %select_n3A_869 : vector<16xi1>, vector<16xf32>
    %select_n3A_879 = arith.select %gt3A_876, %select_n3A_872, %select_n3A_878 : vector<16xi1>, vector<16xf32>
    %select_n3A_880 = arith.select %gt3A_877, %broadcast_in_dim3A_875, %select_n3A_871 : vector<16xi1>, vector<16xi32>
    %select_n3A_881 = arith.select %gt3A_876, %select_n3A_873, %select_n3A_880 : vector<16xi1>, vector<16xi32>
    %select_n3A_882 = arith.select %gt3A_876, %get3A_828, %select_n3A_872 : vector<16xi1>, vector<16xf32>
    %select_n3A_883 = arith.select %gt3A_876, %broadcast_in_dim3A_875, %select_n3A_873 : vector<16xi1>, vector<16xi32>
    %broadcast_in_dim3A_884 = arith.constant 5 : i32
    %broadcast_in_dim3A_885 = vector.broadcast %broadcast_in_dim3A_884 : i32 to vector<16xi32>
    %gt3A_886 = arith.cmpf ogt, %get3A_831, %select_n3A_882 : vector<16xf32>
    %gt3A_887 = arith.cmpf ogt, %get3A_831, %select_n3A_879 : vector<16xf32>
    %select_n3A_888 = arith.select %gt3A_887, %get3A_831, %select_n3A_879 : vector<16xi1>, vector<16xf32>
    %select_n3A_889 = arith.select %gt3A_886, %select_n3A_882, %select_n3A_888 : vector<16xi1>, vector<16xf32>
    %select_n3A_890 = arith.select %gt3A_887, %broadcast_in_dim3A_885, %select_n3A_881 : vector<16xi1>, vector<16xi32>
    %select_n3A_891 = arith.select %gt3A_886, %select_n3A_883, %select_n3A_890 : vector<16xi1>, vector<16xi32>
    %select_n3A_892 = arith.select %gt3A_886, %get3A_831, %select_n3A_882 : vector<16xi1>, vector<16xf32>
    %select_n3A_893 = arith.select %gt3A_886, %broadcast_in_dim3A_885, %select_n3A_883 : vector<16xi1>, vector<16xi32>
    %broadcast_in_dim3A_894 = arith.constant 6 : i32
    %broadcast_in_dim3A_895 = vector.broadcast %broadcast_in_dim3A_894 : i32 to vector<16xi32>
    %gt3A_896 = arith.cmpf ogt, %get3A_834, %select_n3A_892 : vector<16xf32>
    %gt3A_897 = arith.cmpf ogt, %get3A_834, %select_n3A_889 : vector<16xf32>
    %select_n3A_898 = arith.select %gt3A_897, %get3A_834, %select_n3A_889 : vector<16xi1>, vector<16xf32>
    %select_n3A_899 = arith.select %gt3A_896, %select_n3A_892, %select_n3A_898 : vector<16xi1>, vector<16xf32>
    %select_n3A_900 = arith.select %gt3A_897, %broadcast_in_dim3A_895, %select_n3A_891 : vector<16xi1>, vector<16xi32>
    %select_n3A_901 = arith.select %gt3A_896, %select_n3A_893, %select_n3A_900 : vector<16xi1>, vector<16xi32>
    %select_n3A_902 = arith.select %gt3A_896, %get3A_834, %select_n3A_892 : vector<16xi1>, vector<16xf32>
    %select_n3A_903 = arith.select %gt3A_896, %broadcast_in_dim3A_895, %select_n3A_893 : vector<16xi1>, vector<16xi32>
    %broadcast_in_dim3A_904 = arith.constant 7 : i32
    %broadcast_in_dim3A_905 = vector.broadcast %broadcast_in_dim3A_904 : i32 to vector<16xi32>
    %gt3A_906 = arith.cmpf ogt, %get3A_837, %select_n3A_902 : vector<16xf32>
    %gt3A_907 = arith.cmpf ogt, %get3A_837, %select_n3A_899 : vector<16xf32>
    %select_n3A_908 = arith.select %gt3A_907, %get3A_837, %select_n3A_899 : vector<16xi1>, vector<16xf32>
    %select_n3A_909 = arith.select %gt3A_906, %select_n3A_902, %select_n3A_908 : vector<16xi1>, vector<16xf32>
    %select_n3A_910 = arith.select %gt3A_907, %broadcast_in_dim3A_905, %select_n3A_901 : vector<16xi1>, vector<16xi32>
    %select_n3A_911 = arith.select %gt3A_906, %select_n3A_903, %select_n3A_910 : vector<16xi1>, vector<16xi32>
    %select_n3A_912 = arith.select %gt3A_906, %get3A_837, %select_n3A_902 : vector<16xi1>, vector<16xf32>
    %select_n3A_913 = arith.select %gt3A_906, %broadcast_in_dim3A_905, %select_n3A_903 : vector<16xi1>, vector<16xi32>
    %sub3A_914 = arith.subf %select_n3A_909, %select_n3A_912 : vector<16xf32>
    %exp3A_915 = math.exp %sub3A_914 : vector<16xf32>
    %add3A_916 = arith.constant 1.000000e+00 : f32
    %add3A_917 = vector.broadcast %add3A_916 : f32 to vector<16xf32>
    %add3A_918 = arith.addf %add3A_917, %exp3A_915 : vector<16xf32>
    %div3A_919 = arith.constant 2.000000e+00 : f32
    %div3A_920 = vector.broadcast %div3A_919 : f32 to vector<16xf32>
    %div3A_921 = arith.divf %div3A_920, %add3A_918 : vector<16xf32>
    %sub3A_922 = arith.constant 2.000000e+00 : f32
    %sub3A_923 = vector.broadcast %sub3A_922 : f32 to vector<16xf32>
    %sub3A_924 = arith.subf %sub3A_923, %div3A_921 : vector<16xf32>
    %broadcast_in_dim3A_925 = arith.constant 0.000000e+00 : f32
    %broadcast_in_dim3A_926 = vector.broadcast %broadcast_in_dim3A_925 : f32 to vector<16xf32>
    %broadcast_in_dim3A_927 = arith.constant 0 : i32
    %broadcast_in_dim3A_928 = vector.broadcast %broadcast_in_dim3A_927 : i32 to vector<16xi32>
    %eq3A_929 = arith.cmpi eq, %select_n3A_913, %broadcast_in_dim3A_928 : vector<16xi32>
    %select_n3A_930 = arith.select %eq3A_929, %div3A_921, %broadcast_in_dim3A_926 : vector<16xi1>, vector<16xf32>
    %eq3A_931 = arith.cmpi eq, %select_n3A_911, %broadcast_in_dim3A_928 : vector<16xi32>
    %select_n3A_932 = arith.select %eq3A_931, %sub3A_924, %broadcast_in_dim3A_926 : vector<16xi1>, vector<16xf32>
    %add3A_933 = arith.addf %select_n3A_930, %select_n3A_932 : vector<16xf32>
    %swap3A_934 = arith.constant 64 : index
    %swap3A_935 = tpu.vector_load %arg5[%swap3A_934] {strides = array<i32>} : memref<1024xf32, #tpu.memory_space<vmem>>, vector<16xf32>,
    %swap3A_936 = vector.shape_cast %swap3A_935 : vector<16xf32> to vector<16xf32>
    %swap3A_937 = vector.shape_cast %add3A_933 : vector<16xf32> to vector<16xf32>
    tpu.vector_store %arg5[%swap3A_934], %swap3A_937 {strides = array<i32>} : memref<1024xf32, #tpu.memory_space<vmem>>, vector<16xf32>,
    %broadcast_in_dim3A_938 = arith.constant 1 : i32
    %broadcast_in_dim3A_939 = vector.broadcast %broadcast_in_dim3A_938 : i32 to vector<16xi32>
    %eq3A_940 = arith.cmpi eq, %select_n3A_913, %broadcast_in_dim3A_939 : vector<16xi32>
    %select_n3A_941 = arith.select %eq3A_940, %div3A_921, %broadcast_in_dim3A_926 : vector<16xi1>, vector<16xf32>
    %eq3A_942 = arith.cmpi eq, %select_n3A_911, %broadcast_in_dim3A_939 : vector<16xi32>
    %select_n3A_943 = arith.select %eq3A_942, %sub3A_924, %broadcast_in_dim3A_926 : vector<16xi1>, vector<16xf32>
    %add3A_944 = arith.addf %select_n3A_941, %select_n3A_943 : vector<16xf32>
    %swap3A_945 = arith.constant 192 : index
    %swap3A_946 = tpu.vector_load %arg5[%swap3A_945] {strides = array<i32>} : memref<1024xf32, #tpu.memory_space<vmem>>, vector<16xf32>,
    %swap3A_947 = vector.shape_cast %swap3A_946 : vector<16xf32> to vector<16xf32>
    %swap3A_948 = vector.shape_cast %add3A_944 : vector<16xf32> to vector<16xf32>
    tpu.vector_store %arg5[%swap3A_945], %swap3A_948 {strides = array<i32>} : memref<1024xf32, #tpu.memory_space<vmem>>, vector<16xf32>,
    %broadcast_in_dim3A_949 = arith.constant 2 : i32
    %broadcast_in_dim3A_950 = vector.broadcast %broadcast_in_dim3A_949 : i32 to vector<16xi32>
    %eq3A_951 = arith.cmpi eq, %select_n3A_913, %broadcast_in_dim3A_950 : vector<16xi32>
    %select_n3A_952 = arith.select %eq3A_951, %div3A_921, %broadcast_in_dim3A_926 : vector<16xi1>, vector<16xf32>
    %eq3A_953 = arith.cmpi eq, %select_n3A_911, %broadcast_in_dim3A_950 : vector<16xi32>
    %select_n3A_954 = arith.select %eq3A_953, %sub3A_924, %broadcast_in_dim3A_926 : vector<16xi1>, vector<16xf32>
    %add3A_955 = arith.addf %select_n3A_952, %select_n3A_954 : vector<16xf32>
    %swap3A_956 = arith.constant 320 : index
    %swap3A_957 = tpu.vector_load %arg5[%swap3A_956] {strides = array<i32>} : memref<1024xf32, #tpu.memory_space<vmem>>, vector<16xf32>,
    %swap3A_958 = vector.shape_cast %swap3A_957 : vector<16xf32> to vector<16xf32>
    %swap3A_959 = vector.shape_cast %add3A_955 : vector<16xf32> to vector<16xf32>
    tpu.vector_store %arg5[%swap3A_956], %swap3A_959 {strides = array<i32>} : memref<1024xf32, #tpu.memory_space<vmem>>, vector<16xf32>,
    %broadcast_in_dim3A_960 = arith.constant 3 : i32
    %broadcast_in_dim3A_961 = vector.broadcast %broadcast_in_dim3A_960 : i32 to vector<16xi32>
    %eq3A_962 = arith.cmpi eq, %select_n3A_913, %broadcast_in_dim3A_961 : vector<16xi32>
    %select_n3A_963 = arith.select %eq3A_962, %div3A_921, %broadcast_in_dim3A_926 : vector<16xi1>, vector<16xf32>
    %eq3A_964 = arith.cmpi eq, %select_n3A_911, %broadcast_in_dim3A_961 : vector<16xi32>
    %select_n3A_965 = arith.select %eq3A_964, %sub3A_924, %broadcast_in_dim3A_926 : vector<16xi1>, vector<16xf32>
    %add3A_966 = arith.addf %select_n3A_963, %select_n3A_965 : vector<16xf32>
    %swap3A_967 = arith.constant 448 : index
    %swap3A_968 = tpu.vector_load %arg5[%swap3A_967] {strides = array<i32>} : memref<1024xf32, #tpu.memory_space<vmem>>, vector<16xf32>,
    %swap3A_969 = vector.shape_cast %swap3A_968 : vector<16xf32> to vector<16xf32>
    %swap3A_970 = vector.shape_cast %add3A_966 : vector<16xf32> to vector<16xf32>
    tpu.vector_store %arg5[%swap3A_967], %swap3A_970 {strides = array<i32>} : memref<1024xf32, #tpu.memory_space<vmem>>, vector<16xf32>,
    %broadcast_in_dim3A_971 = arith.constant 4 : i32
    %broadcast_in_dim3A_972 = vector.broadcast %broadcast_in_dim3A_971 : i32 to vector<16xi32>
    %eq3A_973 = arith.cmpi eq, %select_n3A_913, %broadcast_in_dim3A_972 : vector<16xi32>
    %select_n3A_974 = arith.select %eq3A_973, %div3A_921, %broadcast_in_dim3A_926 : vector<16xi1>, vector<16xf32>
    %eq3A_975 = arith.cmpi eq, %select_n3A_911, %broadcast_in_dim3A_972 : vector<16xi32>
    %select_n3A_976 = arith.select %eq3A_975, %sub3A_924, %broadcast_in_dim3A_926 : vector<16xi1>, vector<16xf32>
    %add3A_977 = arith.addf %select_n3A_974, %select_n3A_976 : vector<16xf32>
    %swap3A_978 = arith.constant 576 : index
    %swap3A_979 = tpu.vector_load %arg5[%swap3A_978] {strides = array<i32>} : memref<1024xf32, #tpu.memory_space<vmem>>, vector<16xf32>,
    %swap3A_980 = vector.shape_cast %swap3A_979 : vector<16xf32> to vector<16xf32>
    %swap3A_981 = vector.shape_cast %add3A_977 : vector<16xf32> to vector<16xf32>
    tpu.vector_store %arg5[%swap3A_978], %swap3A_981 {strides = array<i32>} : memref<1024xf32, #tpu.memory_space<vmem>>, vector<16xf32>,
    %broadcast_in_dim3A_982 = arith.constant 5 : i32
    %broadcast_in_dim3A_983 = vector.broadcast %broadcast_in_dim3A_982 : i32 to vector<16xi32>
    %eq3A_984 = arith.cmpi eq, %select_n3A_913, %broadcast_in_dim3A_983 : vector<16xi32>
    %select_n3A_985 = arith.select %eq3A_984, %div3A_921, %broadcast_in_dim3A_926 : vector<16xi1>, vector<16xf32>
    %eq3A_986 = arith.cmpi eq, %select_n3A_911, %broadcast_in_dim3A_983 : vector<16xi32>
    %select_n3A_987 = arith.select %eq3A_986, %sub3A_924, %broadcast_in_dim3A_926 : vector<16xi1>, vector<16xf32>
    %add3A_988 = arith.addf %select_n3A_985, %select_n3A_987 : vector<16xf32>
    %swap3A_989 = arith.constant 704 : index
    %swap3A_990 = tpu.vector_load %arg5[%swap3A_989] {strides = array<i32>} : memref<1024xf32, #tpu.memory_space<vmem>>, vector<16xf32>,
    %swap3A_991 = vector.shape_cast %swap3A_990 : vector<16xf32> to vector<16xf32>
    %swap3A_992 = vector.shape_cast %add3A_988 : vector<16xf32> to vector<16xf32>
    tpu.vector_store %arg5[%swap3A_989], %swap3A_992 {strides = array<i32>} : memref<1024xf32, #tpu.memory_space<vmem>>, vector<16xf32>,
    %broadcast_in_dim3A_993 = arith.constant 6 : i32
    %broadcast_in_dim3A_994 = vector.broadcast %broadcast_in_dim3A_993 : i32 to vector<16xi32>
    %eq3A_995 = arith.cmpi eq, %select_n3A_913, %broadcast_in_dim3A_994 : vector<16xi32>
    %select_n3A_996 = arith.select %eq3A_995, %div3A_921, %broadcast_in_dim3A_926 : vector<16xi1>, vector<16xf32>
    %eq3A_997 = arith.cmpi eq, %select_n3A_911, %broadcast_in_dim3A_994 : vector<16xi32>
    %select_n3A_998 = arith.select %eq3A_997, %sub3A_924, %broadcast_in_dim3A_926 : vector<16xi1>, vector<16xf32>
    %add3A_999 = arith.addf %select_n3A_996, %select_n3A_998 : vector<16xf32>
    %swap3A_1000 = arith.constant 832 : index
    %swap3A_1001 = tpu.vector_load %arg5[%swap3A_1000] {strides = array<i32>} : memref<1024xf32, #tpu.memory_space<vmem>>, vector<16xf32>,
    %swap3A_1002 = vector.shape_cast %swap3A_1001 : vector<16xf32> to vector<16xf32>
    %swap3A_1003 = vector.shape_cast %add3A_999 : vector<16xf32> to vector<16xf32>
    tpu.vector_store %arg5[%swap3A_1000], %swap3A_1003 {strides = array<i32>} : memref<1024xf32, #tpu.memory_space<vmem>>, vector<16xf32>,
    %broadcast_in_dim3A_1004 = arith.constant 7 : i32
    %broadcast_in_dim3A_1005 = vector.broadcast %broadcast_in_dim3A_1004 : i32 to vector<16xi32>
    %eq3A_1006 = arith.cmpi eq, %select_n3A_913, %broadcast_in_dim3A_1005 : vector<16xi32>
    %select_n3A_1007 = arith.select %eq3A_1006, %div3A_921, %broadcast_in_dim3A_926 : vector<16xi1>, vector<16xf32>
    %eq3A_1008 = arith.cmpi eq, %select_n3A_911, %broadcast_in_dim3A_1005 : vector<16xi32>
    %select_n3A_1009 = arith.select %eq3A_1008, %sub3A_924, %broadcast_in_dim3A_926 : vector<16xi1>, vector<16xf32>
    %add3A_1010 = arith.addf %select_n3A_1007, %select_n3A_1009 : vector<16xf32>
    %swap3A_1011 = arith.constant 960 : index
    %swap3A_1012 = tpu.vector_load %arg5[%swap3A_1011] {strides = array<i32>} : memref<1024xf32, #tpu.memory_space<vmem>>, vector<16xf32>,
    %swap3A_1013 = vector.shape_cast %swap3A_1012 : vector<16xf32> to vector<16xf32>
    %swap3A_1014 = vector.shape_cast %add3A_1010 : vector<16xf32> to vector<16xf32>
    tpu.vector_store %arg5[%swap3A_1011], %swap3A_1014 {strides = array<i32>} : memref<1024xf32, #tpu.memory_space<vmem>>, vector<16xf32>,
    %get3A_1015 = arith.constant 80 : index
    %get3A_1016 = tpu.vector_load %arg4[%get3A_1015] {strides = array<i32>} : memref<1024xf32, #tpu.memory_space<vmem>>, vector<16xf32>,
    %get3A_1017 = vector.shape_cast %get3A_1016 : vector<16xf32> to vector<16xf32>
    %get3A_1018 = arith.constant 208 : index
    %get3A_1019 = tpu.vector_load %arg4[%get3A_1018] {strides = array<i32>} : memref<1024xf32, #tpu.memory_space<vmem>>, vector<16xf32>,
    %get3A_1020 = vector.shape_cast %get3A_1019 : vector<16xf32> to vector<16xf32>
    %get3A_1021 = arith.constant 336 : index
    %get3A_1022 = tpu.vector_load %arg4[%get3A_1021] {strides = array<i32>} : memref<1024xf32, #tpu.memory_space<vmem>>, vector<16xf32>,
    %get3A_1023 = vector.shape_cast %get3A_1022 : vector<16xf32> to vector<16xf32>
    %get3A_1024 = arith.constant 464 : index
    %get3A_1025 = tpu.vector_load %arg4[%get3A_1024] {strides = array<i32>} : memref<1024xf32, #tpu.memory_space<vmem>>, vector<16xf32>,
    %get3A_1026 = vector.shape_cast %get3A_1025 : vector<16xf32> to vector<16xf32>
    %get3A_1027 = arith.constant 592 : index
    %get3A_1028 = tpu.vector_load %arg4[%get3A_1027] {strides = array<i32>} : memref<1024xf32, #tpu.memory_space<vmem>>, vector<16xf32>,
    %get3A_1029 = vector.shape_cast %get3A_1028 : vector<16xf32> to vector<16xf32>
    %get3A_1030 = arith.constant 720 : index
    %get3A_1031 = tpu.vector_load %arg4[%get3A_1030] {strides = array<i32>} : memref<1024xf32, #tpu.memory_space<vmem>>, vector<16xf32>,
    %get3A_1032 = vector.shape_cast %get3A_1031 : vector<16xf32> to vector<16xf32>
    %get3A_1033 = arith.constant 848 : index
    %get3A_1034 = tpu.vector_load %arg4[%get3A_1033] {strides = array<i32>} : memref<1024xf32, #tpu.memory_space<vmem>>, vector<16xf32>,
    %get3A_1035 = vector.shape_cast %get3A_1034 : vector<16xf32> to vector<16xf32>
    %get3A_1036 = arith.constant 976 : index
    %get3A_1037 = tpu.vector_load %arg4[%get3A_1036] {strides = array<i32>} : memref<1024xf32, #tpu.memory_space<vmem>>, vector<16xf32>,
    %get3A_1038 = vector.shape_cast %get3A_1037 : vector<16xf32> to vector<16xf32>
    %broadcast_in_dim3A_1039 = arith.constant 0 : i32
    %broadcast_in_dim3A_1040 = vector.broadcast %broadcast_in_dim3A_1039 : i32 to vector<16xi32>
    %broadcast_in_dim3A_1041 = arith.constant -3.000000e+38 : f32
    %broadcast_in_dim3A_1042 = vector.broadcast %broadcast_in_dim3A_1041 : f32 to vector<16xf32>
    %broadcast_in_dim3A_1043 = arith.constant -1 : i32
    %broadcast_in_dim3A_1044 = vector.broadcast %broadcast_in_dim3A_1043 : i32 to vector<16xi32>
    %broadcast_in_dim3A_1045 = arith.constant 1 : i32
    %broadcast_in_dim3A_1046 = vector.broadcast %broadcast_in_dim3A_1045 : i32 to vector<16xi32>
    %gt3A_1047 = arith.cmpf ogt, %get3A_1020, %get3A_1017 : vector<16xf32>
    %gt3A_1048 = arith.cmpf ogt, %get3A_1020, %broadcast_in_dim3A_1042 : vector<16xf32>
    %select_n3A_1049 = arith.select %gt3A_1048, %get3A_1020, %broadcast_in_dim3A_1042 : vector<16xi1>, vector<16xf32>
    %select_n3A_1050 = arith.select %gt3A_1047, %get3A_1017, %select_n3A_1049 : vector<16xi1>, vector<16xf32>
    %select_n3A_1051 = arith.select %gt3A_1048, %broadcast_in_dim3A_1046, %broadcast_in_dim3A_1044 : vector<16xi1>, vector<16xi32>
    %select_n3A_1052 = arith.select %gt3A_1047, %broadcast_in_dim3A_1040, %select_n3A_1051 : vector<16xi1>, vector<16xi32>
    %select_n3A_1053 = arith.select %gt3A_1047, %get3A_1020, %get3A_1017 : vector<16xi1>, vector<16xf32>
    %select_n3A_1054 = arith.select %gt3A_1047, %broadcast_in_dim3A_1046, %broadcast_in_dim3A_1040 : vector<16xi1>, vector<16xi32>
    %broadcast_in_dim3A_1055 = arith.constant 2 : i32
    %broadcast_in_dim3A_1056 = vector.broadcast %broadcast_in_dim3A_1055 : i32 to vector<16xi32>
    %gt3A_1057 = arith.cmpf ogt, %get3A_1023, %select_n3A_1053 : vector<16xf32>
    %gt3A_1058 = arith.cmpf ogt, %get3A_1023, %select_n3A_1050 : vector<16xf32>
    %select_n3A_1059 = arith.select %gt3A_1058, %get3A_1023, %select_n3A_1050 : vector<16xi1>, vector<16xf32>
    %select_n3A_1060 = arith.select %gt3A_1057, %select_n3A_1053, %select_n3A_1059 : vector<16xi1>, vector<16xf32>
    %select_n3A_1061 = arith.select %gt3A_1058, %broadcast_in_dim3A_1056, %select_n3A_1052 : vector<16xi1>, vector<16xi32>
    %select_n3A_1062 = arith.select %gt3A_1057, %select_n3A_1054, %select_n3A_1061 : vector<16xi1>, vector<16xi32>
    %select_n3A_1063 = arith.select %gt3A_1057, %get3A_1023, %select_n3A_1053 : vector<16xi1>, vector<16xf32>
    %select_n3A_1064 = arith.select %gt3A_1057, %broadcast_in_dim3A_1056, %select_n3A_1054 : vector<16xi1>, vector<16xi32>
    %broadcast_in_dim3A_1065 = arith.constant 3 : i32
    %broadcast_in_dim3A_1066 = vector.broadcast %broadcast_in_dim3A_1065 : i32 to vector<16xi32>
    %gt3A_1067 = arith.cmpf ogt, %get3A_1026, %select_n3A_1063 : vector<16xf32>
    %gt3A_1068 = arith.cmpf ogt, %get3A_1026, %select_n3A_1060 : vector<16xf32>
    %select_n3A_1069 = arith.select %gt3A_1068, %get3A_1026, %select_n3A_1060 : vector<16xi1>, vector<16xf32>
    %select_n3A_1070 = arith.select %gt3A_1067, %select_n3A_1063, %select_n3A_1069 : vector<16xi1>, vector<16xf32>
    %select_n3A_1071 = arith.select %gt3A_1068, %broadcast_in_dim3A_1066, %select_n3A_1062 : vector<16xi1>, vector<16xi32>
    %select_n3A_1072 = arith.select %gt3A_1067, %select_n3A_1064, %select_n3A_1071 : vector<16xi1>, vector<16xi32>
    %select_n3A_1073 = arith.select %gt3A_1067, %get3A_1026, %select_n3A_1063 : vector<16xi1>, vector<16xf32>
    %select_n3A_1074 = arith.select %gt3A_1067, %broadcast_in_dim3A_1066, %select_n3A_1064 : vector<16xi1>, vector<16xi32>
    %broadcast_in_dim3A_1075 = arith.constant 4 : i32
    %broadcast_in_dim3A_1076 = vector.broadcast %broadcast_in_dim3A_1075 : i32 to vector<16xi32>
    %gt3A_1077 = arith.cmpf ogt, %get3A_1029, %select_n3A_1073 : vector<16xf32>
    %gt3A_1078 = arith.cmpf ogt, %get3A_1029, %select_n3A_1070 : vector<16xf32>
    %select_n3A_1079 = arith.select %gt3A_1078, %get3A_1029, %select_n3A_1070 : vector<16xi1>, vector<16xf32>
    %select_n3A_1080 = arith.select %gt3A_1077, %select_n3A_1073, %select_n3A_1079 : vector<16xi1>, vector<16xf32>
    %select_n3A_1081 = arith.select %gt3A_1078, %broadcast_in_dim3A_1076, %select_n3A_1072 : vector<16xi1>, vector<16xi32>
    %select_n3A_1082 = arith.select %gt3A_1077, %select_n3A_1074, %select_n3A_1081 : vector<16xi1>, vector<16xi32>
    %select_n3A_1083 = arith.select %gt3A_1077, %get3A_1029, %select_n3A_1073 : vector<16xi1>, vector<16xf32>
    %select_n3A_1084 = arith.select %gt3A_1077, %broadcast_in_dim3A_1076, %select_n3A_1074 : vector<16xi1>, vector<16xi32>
    %broadcast_in_dim3A_1085 = arith.constant 5 : i32
    %broadcast_in_dim3A_1086 = vector.broadcast %broadcast_in_dim3A_1085 : i32 to vector<16xi32>
    %gt3A_1087 = arith.cmpf ogt, %get3A_1032, %select_n3A_1083 : vector<16xf32>
    %gt3A_1088 = arith.cmpf ogt, %get3A_1032, %select_n3A_1080 : vector<16xf32>
    %select_n3A_1089 = arith.select %gt3A_1088, %get3A_1032, %select_n3A_1080 : vector<16xi1>, vector<16xf32>
    %select_n3A_1090 = arith.select %gt3A_1087, %select_n3A_1083, %select_n3A_1089 : vector<16xi1>, vector<16xf32>
    %select_n3A_1091 = arith.select %gt3A_1088, %broadcast_in_dim3A_1086, %select_n3A_1082 : vector<16xi1>, vector<16xi32>
    %select_n3A_1092 = arith.select %gt3A_1087, %select_n3A_1084, %select_n3A_1091 : vector<16xi1>, vector<16xi32>
    %select_n3A_1093 = arith.select %gt3A_1087, %get3A_1032, %select_n3A_1083 : vector<16xi1>, vector<16xf32>
    %select_n3A_1094 = arith.select %gt3A_1087, %broadcast_in_dim3A_1086, %select_n3A_1084 : vector<16xi1>, vector<16xi32>
    %broadcast_in_dim3A_1095 = arith.constant 6 : i32
    %broadcast_in_dim3A_1096 = vector.broadcast %broadcast_in_dim3A_1095 : i32 to vector<16xi32>
    %gt3A_1097 = arith.cmpf ogt, %get3A_1035, %select_n3A_1093 : vector<16xf32>
    %gt3A_1098 = arith.cmpf ogt, %get3A_1035, %select_n3A_1090 : vector<16xf32>
    %select_n3A_1099 = arith.select %gt3A_1098, %get3A_1035, %select_n3A_1090 : vector<16xi1>, vector<16xf32>
    %select_n3A_1100 = arith.select %gt3A_1097, %select_n3A_1093, %select_n3A_1099 : vector<16xi1>, vector<16xf32>
    %select_n3A_1101 = arith.select %gt3A_1098, %broadcast_in_dim3A_1096, %select_n3A_1092 : vector<16xi1>, vector<16xi32>
    %select_n3A_1102 = arith.select %gt3A_1097, %select_n3A_1094, %select_n3A_1101 : vector<16xi1>, vector<16xi32>
    %select_n3A_1103 = arith.select %gt3A_1097, %get3A_1035, %select_n3A_1093 : vector<16xi1>, vector<16xf32>
    %select_n3A_1104 = arith.select %gt3A_1097, %broadcast_in_dim3A_1096, %select_n3A_1094 : vector<16xi1>, vector<16xi32>
    %broadcast_in_dim3A_1105 = arith.constant 7 : i32
    %broadcast_in_dim3A_1106 = vector.broadcast %broadcast_in_dim3A_1105 : i32 to vector<16xi32>
    %gt3A_1107 = arith.cmpf ogt, %get3A_1038, %select_n3A_1103 : vector<16xf32>
    %gt3A_1108 = arith.cmpf ogt, %get3A_1038, %select_n3A_1100 : vector<16xf32>
    %select_n3A_1109 = arith.select %gt3A_1108, %get3A_1038, %select_n3A_1100 : vector<16xi1>, vector<16xf32>
    %select_n3A_1110 = arith.select %gt3A_1107, %select_n3A_1103, %select_n3A_1109 : vector<16xi1>, vector<16xf32>
    %select_n3A_1111 = arith.select %gt3A_1108, %broadcast_in_dim3A_1106, %select_n3A_1102 : vector<16xi1>, vector<16xi32>
    %select_n3A_1112 = arith.select %gt3A_1107, %select_n3A_1104, %select_n3A_1111 : vector<16xi1>, vector<16xi32>
    %select_n3A_1113 = arith.select %gt3A_1107, %get3A_1038, %select_n3A_1103 : vector<16xi1>, vector<16xf32>
    %select_n3A_1114 = arith.select %gt3A_1107, %broadcast_in_dim3A_1106, %select_n3A_1104 : vector<16xi1>, vector<16xi32>
    %sub3A_1115 = arith.subf %select_n3A_1110, %select_n3A_1113 : vector<16xf32>
    %exp3A_1116 = math.exp %sub3A_1115 : vector<16xf32>
    %add3A_1117 = arith.constant 1.000000e+00 : f32
    %add3A_1118 = vector.broadcast %add3A_1117 : f32 to vector<16xf32>
    %add3A_1119 = arith.addf %add3A_1118, %exp3A_1116 : vector<16xf32>
    %div3A_1120 = arith.constant 2.000000e+00 : f32
    %div3A_1121 = vector.broadcast %div3A_1120 : f32 to vector<16xf32>
    %div3A_1122 = arith.divf %div3A_1121, %add3A_1119 : vector<16xf32>
    %sub3A_1123 = arith.constant 2.000000e+00 : f32
    %sub3A_1124 = vector.broadcast %sub3A_1123 : f32 to vector<16xf32>
    %sub3A_1125 = arith.subf %sub3A_1124, %div3A_1122 : vector<16xf32>
    %broadcast_in_dim3A_1126 = arith.constant 0.000000e+00 : f32
    %broadcast_in_dim3A_1127 = vector.broadcast %broadcast_in_dim3A_1126 : f32 to vector<16xf32>
    %broadcast_in_dim3A_1128 = arith.constant 0 : i32
    %broadcast_in_dim3A_1129 = vector.broadcast %broadcast_in_dim3A_1128 : i32 to vector<16xi32>
    %eq3A_1130 = arith.cmpi eq, %select_n3A_1114, %broadcast_in_dim3A_1129 : vector<16xi32>
    %select_n3A_1131 = arith.select %eq3A_1130, %div3A_1122, %broadcast_in_dim3A_1127 : vector<16xi1>, vector<16xf32>
    %eq3A_1132 = arith.cmpi eq, %select_n3A_1112, %broadcast_in_dim3A_1129 : vector<16xi32>
    %select_n3A_1133 = arith.select %eq3A_1132, %sub3A_1125, %broadcast_in_dim3A_1127 : vector<16xi1>, vector<16xf32>
    %add3A_1134 = arith.addf %select_n3A_1131, %select_n3A_1133 : vector<16xf32>
    %swap3A_1135 = arith.constant 80 : index
    %swap3A_1136 = tpu.vector_load %arg5[%swap3A_1135] {strides = array<i32>} : memref<1024xf32, #tpu.memory_space<vmem>>, vector<16xf32>,
    %swap3A_1137 = vector.shape_cast %swap3A_1136 : vector<16xf32> to vector<16xf32>
    %swap3A_1138 = vector.shape_cast %add3A_1134 : vector<16xf32> to vector<16xf32>
    tpu.vector_store %arg5[%swap3A_1135], %swap3A_1138 {strides = array<i32>} : memref<1024xf32, #tpu.memory_space<vmem>>, vector<16xf32>,
    %broadcast_in_dim3A_1139 = arith.constant 1 : i32
    %broadcast_in_dim3A_1140 = vector.broadcast %broadcast_in_dim3A_1139 : i32 to vector<16xi32>
    %eq3A_1141 = arith.cmpi eq, %select_n3A_1114, %broadcast_in_dim3A_1140 : vector<16xi32>
    %select_n3A_1142 = arith.select %eq3A_1141, %div3A_1122, %broadcast_in_dim3A_1127 : vector<16xi1>, vector<16xf32>
    %eq3A_1143 = arith.cmpi eq, %select_n3A_1112, %broadcast_in_dim3A_1140 : vector<16xi32>
    %select_n3A_1144 = arith.select %eq3A_1143, %sub3A_1125, %broadcast_in_dim3A_1127 : vector<16xi1>, vector<16xf32>
    %add3A_1145 = arith.addf %select_n3A_1142, %select_n3A_1144 : vector<16xf32>
    %swap3A_1146 = arith.constant 208 : index
    %swap3A_1147 = tpu.vector_load %arg5[%swap3A_1146] {strides = array<i32>} : memref<1024xf32, #tpu.memory_space<vmem>>, vector<16xf32>,
    %swap3A_1148 = vector.shape_cast %swap3A_1147 : vector<16xf32> to vector<16xf32>
    %swap3A_1149 = vector.shape_cast %add3A_1145 : vector<16xf32> to vector<16xf32>
    tpu.vector_store %arg5[%swap3A_1146], %swap3A_1149 {strides = array<i32>} : memref<1024xf32, #tpu.memory_space<vmem>>, vector<16xf32>,
    %broadcast_in_dim3A_1150 = arith.constant 2 : i32
    %broadcast_in_dim3A_1151 = vector.broadcast %broadcast_in_dim3A_1150 : i32 to vector<16xi32>
    %eq3A_1152 = arith.cmpi eq, %select_n3A_1114, %broadcast_in_dim3A_1151 : vector<16xi32>
    %select_n3A_1153 = arith.select %eq3A_1152, %div3A_1122, %broadcast_in_dim3A_1127 : vector<16xi1>, vector<16xf32>
    %eq3A_1154 = arith.cmpi eq, %select_n3A_1112, %broadcast_in_dim3A_1151 : vector<16xi32>
    %select_n3A_1155 = arith.select %eq3A_1154, %sub3A_1125, %broadcast_in_dim3A_1127 : vector<16xi1>, vector<16xf32>
    %add3A_1156 = arith.addf %select_n3A_1153, %select_n3A_1155 : vector<16xf32>
    %swap3A_1157 = arith.constant 336 : index
    %swap3A_1158 = tpu.vector_load %arg5[%swap3A_1157] {strides = array<i32>} : memref<1024xf32, #tpu.memory_space<vmem>>, vector<16xf32>,
    %swap3A_1159 = vector.shape_cast %swap3A_1158 : vector<16xf32> to vector<16xf32>
    %swap3A_1160 = vector.shape_cast %add3A_1156 : vector<16xf32> to vector<16xf32>
    tpu.vector_store %arg5[%swap3A_1157], %swap3A_1160 {strides = array<i32>} : memref<1024xf32, #tpu.memory_space<vmem>>, vector<16xf32>,
    %broadcast_in_dim3A_1161 = arith.constant 3 : i32
    %broadcast_in_dim3A_1162 = vector.broadcast %broadcast_in_dim3A_1161 : i32 to vector<16xi32>
    %eq3A_1163 = arith.cmpi eq, %select_n3A_1114, %broadcast_in_dim3A_1162 : vector<16xi32>
    %select_n3A_1164 = arith.select %eq3A_1163, %div3A_1122, %broadcast_in_dim3A_1127 : vector<16xi1>, vector<16xf32>
    %eq3A_1165 = arith.cmpi eq, %select_n3A_1112, %broadcast_in_dim3A_1162 : vector<16xi32>
    %select_n3A_1166 = arith.select %eq3A_1165, %sub3A_1125, %broadcast_in_dim3A_1127 : vector<16xi1>, vector<16xf32>
    %add3A_1167 = arith.addf %select_n3A_1164, %select_n3A_1166 : vector<16xf32>
    %swap3A_1168 = arith.constant 464 : index
    %swap3A_1169 = tpu.vector_load %arg5[%swap3A_1168] {strides = array<i32>} : memref<1024xf32, #tpu.memory_space<vmem>>, vector<16xf32>,
    %swap3A_1170 = vector.shape_cast %swap3A_1169 : vector<16xf32> to vector<16xf32>
    %swap3A_1171 = vector.shape_cast %add3A_1167 : vector<16xf32> to vector<16xf32>
    tpu.vector_store %arg5[%swap3A_1168], %swap3A_1171 {strides = array<i32>} : memref<1024xf32, #tpu.memory_space<vmem>>, vector<16xf32>,
    %broadcast_in_dim3A_1172 = arith.constant 4 : i32
    %broadcast_in_dim3A_1173 = vector.broadcast %broadcast_in_dim3A_1172 : i32 to vector<16xi32>
    %eq3A_1174 = arith.cmpi eq, %select_n3A_1114, %broadcast_in_dim3A_1173 : vector<16xi32>
    %select_n3A_1175 = arith.select %eq3A_1174, %div3A_1122, %broadcast_in_dim3A_1127 : vector<16xi1>, vector<16xf32>
    %eq3A_1176 = arith.cmpi eq, %select_n3A_1112, %broadcast_in_dim3A_1173 : vector<16xi32>
    %select_n3A_1177 = arith.select %eq3A_1176, %sub3A_1125, %broadcast_in_dim3A_1127 : vector<16xi1>, vector<16xf32>
    %add3A_1178 = arith.addf %select_n3A_1175, %select_n3A_1177 : vector<16xf32>
    %swap3A_1179 = arith.constant 592 : index
    %swap3A_1180 = tpu.vector_load %arg5[%swap3A_1179] {strides = array<i32>} : memref<1024xf32, #tpu.memory_space<vmem>>, vector<16xf32>,
    %swap3A_1181 = vector.shape_cast %swap3A_1180 : vector<16xf32> to vector<16xf32>
    %swap3A_1182 = vector.shape_cast %add3A_1178 : vector<16xf32> to vector<16xf32>
    tpu.vector_store %arg5[%swap3A_1179], %swap3A_1182 {strides = array<i32>} : memref<1024xf32, #tpu.memory_space<vmem>>, vector<16xf32>,
    %broadcast_in_dim3A_1183 = arith.constant 5 : i32
    %broadcast_in_dim3A_1184 = vector.broadcast %broadcast_in_dim3A_1183 : i32 to vector<16xi32>
    %eq3A_1185 = arith.cmpi eq, %select_n3A_1114, %broadcast_in_dim3A_1184 : vector<16xi32>
    %select_n3A_1186 = arith.select %eq3A_1185, %div3A_1122, %broadcast_in_dim3A_1127 : vector<16xi1>, vector<16xf32>
    %eq3A_1187 = arith.cmpi eq, %select_n3A_1112, %broadcast_in_dim3A_1184 : vector<16xi32>
    %select_n3A_1188 = arith.select %eq3A_1187, %sub3A_1125, %broadcast_in_dim3A_1127 : vector<16xi1>, vector<16xf32>
    %add3A_1189 = arith.addf %select_n3A_1186, %select_n3A_1188 : vector<16xf32>
    %swap3A_1190 = arith.constant 720 : index
    %swap3A_1191 = tpu.vector_load %arg5[%swap3A_1190] {strides = array<i32>} : memref<1024xf32, #tpu.memory_space<vmem>>, vector<16xf32>,
    %swap3A_1192 = vector.shape_cast %swap3A_1191 : vector<16xf32> to vector<16xf32>
    %swap3A_1193 = vector.shape_cast %add3A_1189 : vector<16xf32> to vector<16xf32>
    tpu.vector_store %arg5[%swap3A_1190], %swap3A_1193 {strides = array<i32>} : memref<1024xf32, #tpu.memory_space<vmem>>, vector<16xf32>,
    %broadcast_in_dim3A_1194 = arith.constant 6 : i32
    %broadcast_in_dim3A_1195 = vector.broadcast %broadcast_in_dim3A_1194 : i32 to vector<16xi32>
    %eq3A_1196 = arith.cmpi eq, %select_n3A_1114, %broadcast_in_dim3A_1195 : vector<16xi32>
    %select_n3A_1197 = arith.select %eq3A_1196, %div3A_1122, %broadcast_in_dim3A_1127 : vector<16xi1>, vector<16xf32>
    %eq3A_1198 = arith.cmpi eq, %select_n3A_1112, %broadcast_in_dim3A_1195 : vector<16xi32>
    %select_n3A_1199 = arith.select %eq3A_1198, %sub3A_1125, %broadcast_in_dim3A_1127 : vector<16xi1>, vector<16xf32>
    %add3A_1200 = arith.addf %select_n3A_1197, %select_n3A_1199 : vector<16xf32>
    %swap3A_1201 = arith.constant 848 : index
    %swap3A_1202 = tpu.vector_load %arg5[%swap3A_1201] {strides = array<i32>} : memref<1024xf32, #tpu.memory_space<vmem>>, vector<16xf32>,
    %swap3A_1203 = vector.shape_cast %swap3A_1202 : vector<16xf32> to vector<16xf32>
    %swap3A_1204 = vector.shape_cast %add3A_1200 : vector<16xf32> to vector<16xf32>
    tpu.vector_store %arg5[%swap3A_1201], %swap3A_1204 {strides = array<i32>} : memref<1024xf32, #tpu.memory_space<vmem>>, vector<16xf32>,
    %broadcast_in_dim3A_1205 = arith.constant 7 : i32
    %broadcast_in_dim3A_1206 = vector.broadcast %broadcast_in_dim3A_1205 : i32 to vector<16xi32>
    %eq3A_1207 = arith.cmpi eq, %select_n3A_1114, %broadcast_in_dim3A_1206 : vector<16xi32>
    %select_n3A_1208 = arith.select %eq3A_1207, %div3A_1122, %broadcast_in_dim3A_1127 : vector<16xi1>, vector<16xf32>
    %eq3A_1209 = arith.cmpi eq, %select_n3A_1112, %broadcast_in_dim3A_1206 : vector<16xi32>
    %select_n3A_1210 = arith.select %eq3A_1209, %sub3A_1125, %broadcast_in_dim3A_1127 : vector<16xi1>, vector<16xf32>
    %add3A_1211 = arith.addf %select_n3A_1208, %select_n3A_1210 : vector<16xf32>
    %swap3A_1212 = arith.constant 976 : index
    %swap3A_1213 = tpu.vector_load %arg5[%swap3A_1212] {strides = array<i32>} : memref<1024xf32, #tpu.memory_space<vmem>>, vector<16xf32>,
    %swap3A_1214 = vector.shape_cast %swap3A_1213 : vector<16xf32> to vector<16xf32>
    %swap3A_1215 = vector.shape_cast %add3A_1211 : vector<16xf32> to vector<16xf32>
    tpu.vector_store %arg5[%swap3A_1212], %swap3A_1215 {strides = array<i32>} : memref<1024xf32, #tpu.memory_space<vmem>>, vector<16xf32>,
    %get3A_1216 = arith.constant 96 : index
    %get3A_1217 = tpu.vector_load %arg4[%get3A_1216] {strides = array<i32>} : memref<1024xf32, #tpu.memory_space<vmem>>, vector<16xf32>,
    %get3A_1218 = vector.shape_cast %get3A_1217 : vector<16xf32> to vector<16xf32>
    %get3A_1219 = arith.constant 224 : index
    %get3A_1220 = tpu.vector_load %arg4[%get3A_1219] {strides = array<i32>} : memref<1024xf32, #tpu.memory_space<vmem>>, vector<16xf32>,
    %get3A_1221 = vector.shape_cast %get3A_1220 : vector<16xf32> to vector<16xf32>
    %get3A_1222 = arith.constant 352 : index
    %get3A_1223 = tpu.vector_load %arg4[%get3A_1222] {strides = array<i32>} : memref<1024xf32, #tpu.memory_space<vmem>>, vector<16xf32>,
    %get3A_1224 = vector.shape_cast %get3A_1223 : vector<16xf32> to vector<16xf32>
    %get3A_1225 = arith.constant 480 : index
    %get3A_1226 = tpu.vector_load %arg4[%get3A_1225] {strides = array<i32>} : memref<1024xf32, #tpu.memory_space<vmem>>, vector<16xf32>,
    %get3A_1227 = vector.shape_cast %get3A_1226 : vector<16xf32> to vector<16xf32>
    %get3A_1228 = arith.constant 608 : index
    %get3A_1229 = tpu.vector_load %arg4[%get3A_1228] {strides = array<i32>} : memref<1024xf32, #tpu.memory_space<vmem>>, vector<16xf32>,
    %get3A_1230 = vector.shape_cast %get3A_1229 : vector<16xf32> to vector<16xf32>
    %get3A_1231 = arith.constant 736 : index
    %get3A_1232 = tpu.vector_load %arg4[%get3A_1231] {strides = array<i32>} : memref<1024xf32, #tpu.memory_space<vmem>>, vector<16xf32>,
    %get3A_1233 = vector.shape_cast %get3A_1232 : vector<16xf32> to vector<16xf32>
    %get3A_1234 = arith.constant 864 : index
    %get3A_1235 = tpu.vector_load %arg4[%get3A_1234] {strides = array<i32>} : memref<1024xf32, #tpu.memory_space<vmem>>, vector<16xf32>,
    %get3A_1236 = vector.shape_cast %get3A_1235 : vector<16xf32> to vector<16xf32>
    %get3A_1237 = arith.constant 992 : index
    %get3A_1238 = tpu.vector_load %arg4[%get3A_1237] {strides = array<i32>} : memref<1024xf32, #tpu.memory_space<vmem>>, vector<16xf32>,
    %get3A_1239 = vector.shape_cast %get3A_1238 : vector<16xf32> to vector<16xf32>
    %broadcast_in_dim3A_1240 = arith.constant 0 : i32
    %broadcast_in_dim3A_1241 = vector.broadcast %broadcast_in_dim3A_1240 : i32 to vector<16xi32>
    %broadcast_in_dim3A_1242 = arith.constant -3.000000e+38 : f32
    %broadcast_in_dim3A_1243 = vector.broadcast %broadcast_in_dim3A_1242 : f32 to vector<16xf32>
    %broadcast_in_dim3A_1244 = arith.constant -1 : i32
    %broadcast_in_dim3A_1245 = vector.broadcast %broadcast_in_dim3A_1244 : i32 to vector<16xi32>
    %broadcast_in_dim3A_1246 = arith.constant 1 : i32
    %broadcast_in_dim3A_1247 = vector.broadcast %broadcast_in_dim3A_1246 : i32 to vector<16xi32>
    %gt3A_1248 = arith.cmpf ogt, %get3A_1221, %get3A_1218 : vector<16xf32>
    %gt3A_1249 = arith.cmpf ogt, %get3A_1221, %broadcast_in_dim3A_1243 : vector<16xf32>
    %select_n3A_1250 = arith.select %gt3A_1249, %get3A_1221, %broadcast_in_dim3A_1243 : vector<16xi1>, vector<16xf32>
    %select_n3A_1251 = arith.select %gt3A_1248, %get3A_1218, %select_n3A_1250 : vector<16xi1>, vector<16xf32>
    %select_n3A_1252 = arith.select %gt3A_1249, %broadcast_in_dim3A_1247, %broadcast_in_dim3A_1245 : vector<16xi1>, vector<16xi32>
    %select_n3A_1253 = arith.select %gt3A_1248, %broadcast_in_dim3A_1241, %select_n3A_1252 : vector<16xi1>, vector<16xi32>
    %select_n3A_1254 = arith.select %gt3A_1248, %get3A_1221, %get3A_1218 : vector<16xi1>, vector<16xf32>
    %select_n3A_1255 = arith.select %gt3A_1248, %broadcast_in_dim3A_1247, %broadcast_in_dim3A_1241 : vector<16xi1>, vector<16xi32>
    %broadcast_in_dim3A_1256 = arith.constant 2 : i32
    %broadcast_in_dim3A_1257 = vector.broadcast %broadcast_in_dim3A_1256 : i32 to vector<16xi32>
    %gt3A_1258 = arith.cmpf ogt, %get3A_1224, %select_n3A_1254 : vector<16xf32>
    %gt3A_1259 = arith.cmpf ogt, %get3A_1224, %select_n3A_1251 : vector<16xf32>
    %select_n3A_1260 = arith.select %gt3A_1259, %get3A_1224, %select_n3A_1251 : vector<16xi1>, vector<16xf32>
    %select_n3A_1261 = arith.select %gt3A_1258, %select_n3A_1254, %select_n3A_1260 : vector<16xi1>, vector<16xf32>
    %select_n3A_1262 = arith.select %gt3A_1259, %broadcast_in_dim3A_1257, %select_n3A_1253 : vector<16xi1>, vector<16xi32>
    %select_n3A_1263 = arith.select %gt3A_1258, %select_n3A_1255, %select_n3A_1262 : vector<16xi1>, vector<16xi32>
    %select_n3A_1264 = arith.select %gt3A_1258, %get3A_1224, %select_n3A_1254 : vector<16xi1>, vector<16xf32>
    %select_n3A_1265 = arith.select %gt3A_1258, %broadcast_in_dim3A_1257, %select_n3A_1255 : vector<16xi1>, vector<16xi32>
    %broadcast_in_dim3A_1266 = arith.constant 3 : i32
    %broadcast_in_dim3A_1267 = vector.broadcast %broadcast_in_dim3A_1266 : i32 to vector<16xi32>
    %gt3A_1268 = arith.cmpf ogt, %get3A_1227, %select_n3A_1264 : vector<16xf32>
    %gt3A_1269 = arith.cmpf ogt, %get3A_1227, %select_n3A_1261 : vector<16xf32>
    %select_n3A_1270 = arith.select %gt3A_1269, %get3A_1227, %select_n3A_1261 : vector<16xi1>, vector<16xf32>
    %select_n3A_1271 = arith.select %gt3A_1268, %select_n3A_1264, %select_n3A_1270 : vector<16xi1>, vector<16xf32>
    %select_n3A_1272 = arith.select %gt3A_1269, %broadcast_in_dim3A_1267, %select_n3A_1263 : vector<16xi1>, vector<16xi32>
    %select_n3A_1273 = arith.select %gt3A_1268, %select_n3A_1265, %select_n3A_1272 : vector<16xi1>, vector<16xi32>
    %select_n3A_1274 = arith.select %gt3A_1268, %get3A_1227, %select_n3A_1264 : vector<16xi1>, vector<16xf32>
    %select_n3A_1275 = arith.select %gt3A_1268, %broadcast_in_dim3A_1267, %select_n3A_1265 : vector<16xi1>, vector<16xi32>
    %broadcast_in_dim3A_1276 = arith.constant 4 : i32
    %broadcast_in_dim3A_1277 = vector.broadcast %broadcast_in_dim3A_1276 : i32 to vector<16xi32>
    %gt3A_1278 = arith.cmpf ogt, %get3A_1230, %select_n3A_1274 : vector<16xf32>
    %gt3A_1279 = arith.cmpf ogt, %get3A_1230, %select_n3A_1271 : vector<16xf32>
    %select_n3A_1280 = arith.select %gt3A_1279, %get3A_1230, %select_n3A_1271 : vector<16xi1>, vector<16xf32>
    %select_n3A_1281 = arith.select %gt3A_1278, %select_n3A_1274, %select_n3A_1280 : vector<16xi1>, vector<16xf32>
    %select_n3A_1282 = arith.select %gt3A_1279, %broadcast_in_dim3A_1277, %select_n3A_1273 : vector<16xi1>, vector<16xi32>
    %select_n3A_1283 = arith.select %gt3A_1278, %select_n3A_1275, %select_n3A_1282 : vector<16xi1>, vector<16xi32>
    %select_n3A_1284 = arith.select %gt3A_1278, %get3A_1230, %select_n3A_1274 : vector<16xi1>, vector<16xf32>
    %select_n3A_1285 = arith.select %gt3A_1278, %broadcast_in_dim3A_1277, %select_n3A_1275 : vector<16xi1>, vector<16xi32>
    %broadcast_in_dim3A_1286 = arith.constant 5 : i32
    %broadcast_in_dim3A_1287 = vector.broadcast %broadcast_in_dim3A_1286 : i32 to vector<16xi32>
    %gt3A_1288 = arith.cmpf ogt, %get3A_1233, %select_n3A_1284 : vector<16xf32>
    %gt3A_1289 = arith.cmpf ogt, %get3A_1233, %select_n3A_1281 : vector<16xf32>
    %select_n3A_1290 = arith.select %gt3A_1289, %get3A_1233, %select_n3A_1281 : vector<16xi1>, vector<16xf32>
    %select_n3A_1291 = arith.select %gt3A_1288, %select_n3A_1284, %select_n3A_1290 : vector<16xi1>, vector<16xf32>
    %select_n3A_1292 = arith.select %gt3A_1289, %broadcast_in_dim3A_1287, %select_n3A_1283 : vector<16xi1>, vector<16xi32>
    %select_n3A_1293 = arith.select %gt3A_1288, %select_n3A_1285, %select_n3A_1292 : vector<16xi1>, vector<16xi32>
    %select_n3A_1294 = arith.select %gt3A_1288, %get3A_1233, %select_n3A_1284 : vector<16xi1>, vector<16xf32>
    %select_n3A_1295 = arith.select %gt3A_1288, %broadcast_in_dim3A_1287, %select_n3A_1285 : vector<16xi1>, vector<16xi32>
    %broadcast_in_dim3A_1296 = arith.constant 6 : i32
    %broadcast_in_dim3A_1297 = vector.broadcast %broadcast_in_dim3A_1296 : i32 to vector<16xi32>
    %gt3A_1298 = arith.cmpf ogt, %get3A_1236, %select_n3A_1294 : vector<16xf32>
    %gt3A_1299 = arith.cmpf ogt, %get3A_1236, %select_n3A_1291 : vector<16xf32>
    %select_n3A_1300 = arith.select %gt3A_1299, %get3A_1236, %select_n3A_1291 : vector<16xi1>, vector<16xf32>
    %select_n3A_1301 = arith.select %gt3A_1298, %select_n3A_1294, %select_n3A_1300 : vector<16xi1>, vector<16xf32>
    %select_n3A_1302 = arith.select %gt3A_1299, %broadcast_in_dim3A_1297, %select_n3A_1293 : vector<16xi1>, vector<16xi32>
    %select_n3A_1303 = arith.select %gt3A_1298, %select_n3A_1295, %select_n3A_1302 : vector<16xi1>, vector<16xi32>
    %select_n3A_1304 = arith.select %gt3A_1298, %get3A_1236, %select_n3A_1294 : vector<16xi1>, vector<16xf32>
    %select_n3A_1305 = arith.select %gt3A_1298, %broadcast_in_dim3A_1297, %select_n3A_1295 : vector<16xi1>, vector<16xi32>
    %broadcast_in_dim3A_1306 = arith.constant 7 : i32
    %broadcast_in_dim3A_1307 = vector.broadcast %broadcast_in_dim3A_1306 : i32 to vector<16xi32>
    %gt3A_1308 = arith.cmpf ogt, %get3A_1239, %select_n3A_1304 : vector<16xf32>
    %gt3A_1309 = arith.cmpf ogt, %get3A_1239, %select_n3A_1301 : vector<16xf32>
    %select_n3A_1310 = arith.select %gt3A_1309, %get3A_1239, %select_n3A_1301 : vector<16xi1>, vector<16xf32>
    %select_n3A_1311 = arith.select %gt3A_1308, %select_n3A_1304, %select_n3A_1310 : vector<16xi1>, vector<16xf32>
    %select_n3A_1312 = arith.select %gt3A_1309, %broadcast_in_dim3A_1307, %select_n3A_1303 : vector<16xi1>, vector<16xi32>
    %select_n3A_1313 = arith.select %gt3A_1308, %select_n3A_1305, %select_n3A_1312 : vector<16xi1>, vector<16xi32>
    %select_n3A_1314 = arith.select %gt3A_1308, %get3A_1239, %select_n3A_1304 : vector<16xi1>, vector<16xf32>
    %select_n3A_1315 = arith.select %gt3A_1308, %broadcast_in_dim3A_1307, %select_n3A_1305 : vector<16xi1>, vector<16xi32>
    %sub3A_1316 = arith.subf %select_n3A_1311, %select_n3A_1314 : vector<16xf32>
    %exp3A_1317 = math.exp %sub3A_1316 : vector<16xf32>
    %add3A_1318 = arith.constant 1.000000e+00 : f32
    %add3A_1319 = vector.broadcast %add3A_1318 : f32 to vector<16xf32>
    %add3A_1320 = arith.addf %add3A_1319, %exp3A_1317 : vector<16xf32>
    %div3A_1321 = arith.constant 2.000000e+00 : f32
    %div3A_1322 = vector.broadcast %div3A_1321 : f32 to vector<16xf32>
    %div3A_1323 = arith.divf %div3A_1322, %add3A_1320 : vector<16xf32>
    %sub3A_1324 = arith.constant 2.000000e+00 : f32
    %sub3A_1325 = vector.broadcast %sub3A_1324 : f32 to vector<16xf32>
    %sub3A_1326 = arith.subf %sub3A_1325, %div3A_1323 : vector<16xf32>
    %broadcast_in_dim3A_1327 = arith.constant 0.000000e+00 : f32
    %broadcast_in_dim3A_1328 = vector.broadcast %broadcast_in_dim3A_1327 : f32 to vector<16xf32>
    %broadcast_in_dim3A_1329 = arith.constant 0 : i32
    %broadcast_in_dim3A_1330 = vector.broadcast %broadcast_in_dim3A_1329 : i32 to vector<16xi32>
    %eq3A_1331 = arith.cmpi eq, %select_n3A_1315, %broadcast_in_dim3A_1330 : vector<16xi32>
    %select_n3A_1332 = arith.select %eq3A_1331, %div3A_1323, %broadcast_in_dim3A_1328 : vector<16xi1>, vector<16xf32>
    %eq3A_1333 = arith.cmpi eq, %select_n3A_1313, %broadcast_in_dim3A_1330 : vector<16xi32>
    %select_n3A_1334 = arith.select %eq3A_1333, %sub3A_1326, %broadcast_in_dim3A_1328 : vector<16xi1>, vector<16xf32>
    %add3A_1335 = arith.addf %select_n3A_1332, %select_n3A_1334 : vector<16xf32>
    %swap3A_1336 = arith.constant 96 : index
    %swap3A_1337 = tpu.vector_load %arg5[%swap3A_1336] {strides = array<i32>} : memref<1024xf32, #tpu.memory_space<vmem>>, vector<16xf32>,
    %swap3A_1338 = vector.shape_cast %swap3A_1337 : vector<16xf32> to vector<16xf32>
    %swap3A_1339 = vector.shape_cast %add3A_1335 : vector<16xf32> to vector<16xf32>
    tpu.vector_store %arg5[%swap3A_1336], %swap3A_1339 {strides = array<i32>} : memref<1024xf32, #tpu.memory_space<vmem>>, vector<16xf32>,
    %broadcast_in_dim3A_1340 = arith.constant 1 : i32
    %broadcast_in_dim3A_1341 = vector.broadcast %broadcast_in_dim3A_1340 : i32 to vector<16xi32>
    %eq3A_1342 = arith.cmpi eq, %select_n3A_1315, %broadcast_in_dim3A_1341 : vector<16xi32>
    %select_n3A_1343 = arith.select %eq3A_1342, %div3A_1323, %broadcast_in_dim3A_1328 : vector<16xi1>, vector<16xf32>
    %eq3A_1344 = arith.cmpi eq, %select_n3A_1313, %broadcast_in_dim3A_1341 : vector<16xi32>
    %select_n3A_1345 = arith.select %eq3A_1344, %sub3A_1326, %broadcast_in_dim3A_1328 : vector<16xi1>, vector<16xf32>
    %add3A_1346 = arith.addf %select_n3A_1343, %select_n3A_1345 : vector<16xf32>
    %swap3A_1347 = arith.constant 224 : index
    %swap3A_1348 = tpu.vector_load %arg5[%swap3A_1347] {strides = array<i32>} : memref<1024xf32, #tpu.memory_space<vmem>>, vector<16xf32>,
    %swap3A_1349 = vector.shape_cast %swap3A_1348 : vector<16xf32> to vector<16xf32>
    %swap3A_1350 = vector.shape_cast %add3A_1346 : vector<16xf32> to vector<16xf32>
    tpu.vector_store %arg5[%swap3A_1347], %swap3A_1350 {strides = array<i32>} : memref<1024xf32, #tpu.memory_space<vmem>>, vector<16xf32>,
    %broadcast_in_dim3A_1351 = arith.constant 2 : i32
    %broadcast_in_dim3A_1352 = vector.broadcast %broadcast_in_dim3A_1351 : i32 to vector<16xi32>
    %eq3A_1353 = arith.cmpi eq, %select_n3A_1315, %broadcast_in_dim3A_1352 : vector<16xi32>
    %select_n3A_1354 = arith.select %eq3A_1353, %div3A_1323, %broadcast_in_dim3A_1328 : vector<16xi1>, vector<16xf32>
    %eq3A_1355 = arith.cmpi eq, %select_n3A_1313, %broadcast_in_dim3A_1352 : vector<16xi32>
    %select_n3A_1356 = arith.select %eq3A_1355, %sub3A_1326, %broadcast_in_dim3A_1328 : vector<16xi1>, vector<16xf32>
    %add3A_1357 = arith.addf %select_n3A_1354, %select_n3A_1356 : vector<16xf32>
    %swap3A_1358 = arith.constant 352 : index
    %swap3A_1359 = tpu.vector_load %arg5[%swap3A_1358] {strides = array<i32>} : memref<1024xf32, #tpu.memory_space<vmem>>, vector<16xf32>,
    %swap3A_1360 = vector.shape_cast %swap3A_1359 : vector<16xf32> to vector<16xf32>
    %swap3A_1361 = vector.shape_cast %add3A_1357 : vector<16xf32> to vector<16xf32>
    tpu.vector_store %arg5[%swap3A_1358], %swap3A_1361 {strides = array<i32>} : memref<1024xf32, #tpu.memory_space<vmem>>, vector<16xf32>,
    %broadcast_in_dim3A_1362 = arith.constant 3 : i32
    %broadcast_in_dim3A_1363 = vector.broadcast %broadcast_in_dim3A_1362 : i32 to vector<16xi32>
    %eq3A_1364 = arith.cmpi eq, %select_n3A_1315, %broadcast_in_dim3A_1363 : vector<16xi32>
    %select_n3A_1365 = arith.select %eq3A_1364, %div3A_1323, %broadcast_in_dim3A_1328 : vector<16xi1>, vector<16xf32>
    %eq3A_1366 = arith.cmpi eq, %select_n3A_1313, %broadcast_in_dim3A_1363 : vector<16xi32>
    %select_n3A_1367 = arith.select %eq3A_1366, %sub3A_1326, %broadcast_in_dim3A_1328 : vector<16xi1>, vector<16xf32>
    %add3A_1368 = arith.addf %select_n3A_1365, %select_n3A_1367 : vector<16xf32>
    %swap3A_1369 = arith.constant 480 : index
    %swap3A_1370 = tpu.vector_load %arg5[%swap3A_1369] {strides = array<i32>} : memref<1024xf32, #tpu.memory_space<vmem>>, vector<16xf32>,
    %swap3A_1371 = vector.shape_cast %swap3A_1370 : vector<16xf32> to vector<16xf32>
    %swap3A_1372 = vector.shape_cast %add3A_1368 : vector<16xf32> to vector<16xf32>
    tpu.vector_store %arg5[%swap3A_1369], %swap3A_1372 {strides = array<i32>} : memref<1024xf32, #tpu.memory_space<vmem>>, vector<16xf32>,
    %broadcast_in_dim3A_1373 = arith.constant 4 : i32
    %broadcast_in_dim3A_1374 = vector.broadcast %broadcast_in_dim3A_1373 : i32 to vector<16xi32>
    %eq3A_1375 = arith.cmpi eq, %select_n3A_1315, %broadcast_in_dim3A_1374 : vector<16xi32>
    %select_n3A_1376 = arith.select %eq3A_1375, %div3A_1323, %broadcast_in_dim3A_1328 : vector<16xi1>, vector<16xf32>
    %eq3A_1377 = arith.cmpi eq, %select_n3A_1313, %broadcast_in_dim3A_1374 : vector<16xi32>
    %select_n3A_1378 = arith.select %eq3A_1377, %sub3A_1326, %broadcast_in_dim3A_1328 : vector<16xi1>, vector<16xf32>
    %add3A_1379 = arith.addf %select_n3A_1376, %select_n3A_1378 : vector<16xf32>
    %swap3A_1380 = arith.constant 608 : index
    %swap3A_1381 = tpu.vector_load %arg5[%swap3A_1380] {strides = array<i32>} : memref<1024xf32, #tpu.memory_space<vmem>>, vector<16xf32>,
    %swap3A_1382 = vector.shape_cast %swap3A_1381 : vector<16xf32> to vector<16xf32>
    %swap3A_1383 = vector.shape_cast %add3A_1379 : vector<16xf32> to vector<16xf32>
    tpu.vector_store %arg5[%swap3A_1380], %swap3A_1383 {strides = array<i32>} : memref<1024xf32, #tpu.memory_space<vmem>>, vector<16xf32>,
    %broadcast_in_dim3A_1384 = arith.constant 5 : i32
    %broadcast_in_dim3A_1385 = vector.broadcast %broadcast_in_dim3A_1384 : i32 to vector<16xi32>
    %eq3A_1386 = arith.cmpi eq, %select_n3A_1315, %broadcast_in_dim3A_1385 : vector<16xi32>
    %select_n3A_1387 = arith.select %eq3A_1386, %div3A_1323, %broadcast_in_dim3A_1328 : vector<16xi1>, vector<16xf32>
    %eq3A_1388 = arith.cmpi eq, %select_n3A_1313, %broadcast_in_dim3A_1385 : vector<16xi32>
    %select_n3A_1389 = arith.select %eq3A_1388, %sub3A_1326, %broadcast_in_dim3A_1328 : vector<16xi1>, vector<16xf32>
    %add3A_1390 = arith.addf %select_n3A_1387, %select_n3A_1389 : vector<16xf32>
    %swap3A_1391 = arith.constant 736 : index
    %swap3A_1392 = tpu.vector_load %arg5[%swap3A_1391] {strides = array<i32>} : memref<1024xf32, #tpu.memory_space<vmem>>, vector<16xf32>,
    %swap3A_1393 = vector.shape_cast %swap3A_1392 : vector<16xf32> to vector<16xf32>
    %swap3A_1394 = vector.shape_cast %add3A_1390 : vector<16xf32> to vector<16xf32>
    tpu.vector_store %arg5[%swap3A_1391], %swap3A_1394 {strides = array<i32>} : memref<1024xf32, #tpu.memory_space<vmem>>, vector<16xf32>,
    %broadcast_in_dim3A_1395 = arith.constant 6 : i32
    %broadcast_in_dim3A_1396 = vector.broadcast %broadcast_in_dim3A_1395 : i32 to vector<16xi32>
    %eq3A_1397 = arith.cmpi eq, %select_n3A_1315, %broadcast_in_dim3A_1396 : vector<16xi32>
    %select_n3A_1398 = arith.select %eq3A_1397, %div3A_1323, %broadcast_in_dim3A_1328 : vector<16xi1>, vector<16xf32>
    %eq3A_1399 = arith.cmpi eq, %select_n3A_1313, %broadcast_in_dim3A_1396 : vector<16xi32>
    %select_n3A_1400 = arith.select %eq3A_1399, %sub3A_1326, %broadcast_in_dim3A_1328 : vector<16xi1>, vector<16xf32>
    %add3A_1401 = arith.addf %select_n3A_1398, %select_n3A_1400 : vector<16xf32>
    %swap3A_1402 = arith.constant 864 : index
    %swap3A_1403 = tpu.vector_load %arg5[%swap3A_1402] {strides = array<i32>} : memref<1024xf32, #tpu.memory_space<vmem>>, vector<16xf32>,
    %swap3A_1404 = vector.shape_cast %swap3A_1403 : vector<16xf32> to vector<16xf32>
    %swap3A_1405 = vector.shape_cast %add3A_1401 : vector<16xf32> to vector<16xf32>
    tpu.vector_store %arg5[%swap3A_1402], %swap3A_1405 {strides = array<i32>} : memref<1024xf32, #tpu.memory_space<vmem>>, vector<16xf32>,
    %broadcast_in_dim3A_1406 = arith.constant 7 : i32
    %broadcast_in_dim3A_1407 = vector.broadcast %broadcast_in_dim3A_1406 : i32 to vector<16xi32>
    %eq3A_1408 = arith.cmpi eq, %select_n3A_1315, %broadcast_in_dim3A_1407 : vector<16xi32>
    %select_n3A_1409 = arith.select %eq3A_1408, %div3A_1323, %broadcast_in_dim3A_1328 : vector<16xi1>, vector<16xf32>
    %eq3A_1410 = arith.cmpi eq, %select_n3A_1313, %broadcast_in_dim3A_1407 : vector<16xi32>
    %select_n3A_1411 = arith.select %eq3A_1410, %sub3A_1326, %broadcast_in_dim3A_1328 : vector<16xi1>, vector<16xf32>
    %add3A_1412 = arith.addf %select_n3A_1409, %select_n3A_1411 : vector<16xf32>
    %swap3A_1413 = arith.constant 992 : index
    %swap3A_1414 = tpu.vector_load %arg5[%swap3A_1413] {strides = array<i32>} : memref<1024xf32, #tpu.memory_space<vmem>>, vector<16xf32>,
    %swap3A_1415 = vector.shape_cast %swap3A_1414 : vector<16xf32> to vector<16xf32>
    %swap3A_1416 = vector.shape_cast %add3A_1412 : vector<16xf32> to vector<16xf32>
    tpu.vector_store %arg5[%swap3A_1413], %swap3A_1416 {strides = array<i32>} : memref<1024xf32, #tpu.memory_space<vmem>>, vector<16xf32>,
    %get3A_1417 = arith.constant 112 : index
    %get3A_1418 = tpu.vector_load %arg4[%get3A_1417] {strides = array<i32>} : memref<1024xf32, #tpu.memory_space<vmem>>, vector<16xf32>,
    %get3A_1419 = vector.shape_cast %get3A_1418 : vector<16xf32> to vector<16xf32>
    %get3A_1420 = arith.constant 240 : index
    %get3A_1421 = tpu.vector_load %arg4[%get3A_1420] {strides = array<i32>} : memref<1024xf32, #tpu.memory_space<vmem>>, vector<16xf32>,
    %get3A_1422 = vector.shape_cast %get3A_1421 : vector<16xf32> to vector<16xf32>
    %get3A_1423 = arith.constant 368 : index
    %get3A_1424 = tpu.vector_load %arg4[%get3A_1423] {strides = array<i32>} : memref<1024xf32, #tpu.memory_space<vmem>>, vector<16xf32>,
    %get3A_1425 = vector.shape_cast %get3A_1424 : vector<16xf32> to vector<16xf32>
    %get3A_1426 = arith.constant 496 : index
    %get3A_1427 = tpu.vector_load %arg4[%get3A_1426] {strides = array<i32>} : memref<1024xf32, #tpu.memory_space<vmem>>, vector<16xf32>,
    %get3A_1428 = vector.shape_cast %get3A_1427 : vector<16xf32> to vector<16xf32>
    %get3A_1429 = arith.constant 624 : index
    %get3A_1430 = tpu.vector_load %arg4[%get3A_1429] {strides = array<i32>} : memref<1024xf32, #tpu.memory_space<vmem>>, vector<16xf32>,
    %get3A_1431 = vector.shape_cast %get3A_1430 : vector<16xf32> to vector<16xf32>
    %get3A_1432 = arith.constant 752 : index
    %get3A_1433 = tpu.vector_load %arg4[%get3A_1432] {strides = array<i32>} : memref<1024xf32, #tpu.memory_space<vmem>>, vector<16xf32>,
    %get3A_1434 = vector.shape_cast %get3A_1433 : vector<16xf32> to vector<16xf32>
    %get3A_1435 = arith.constant 880 : index
    %get3A_1436 = tpu.vector_load %arg4[%get3A_1435] {strides = array<i32>} : memref<1024xf32, #tpu.memory_space<vmem>>, vector<16xf32>,
    %get3A_1437 = vector.shape_cast %get3A_1436 : vector<16xf32> to vector<16xf32>
    %get3A_1438 = arith.constant 1008 : index
    %get3A_1439 = tpu.vector_load %arg4[%get3A_1438] {strides = array<i32>} : memref<1024xf32, #tpu.memory_space<vmem>>, vector<16xf32>,
    %get3A_1440 = vector.shape_cast %get3A_1439 : vector<16xf32> to vector<16xf32>
    %broadcast_in_dim3A_1441 = arith.constant 0 : i32
    %broadcast_in_dim3A_1442 = vector.broadcast %broadcast_in_dim3A_1441 : i32 to vector<16xi32>
    %broadcast_in_dim3A_1443 = arith.constant -3.000000e+38 : f32
    %broadcast_in_dim3A_1444 = vector.broadcast %broadcast_in_dim3A_1443 : f32 to vector<16xf32>
    %broadcast_in_dim3A_1445 = arith.constant -1 : i32
    %broadcast_in_dim3A_1446 = vector.broadcast %broadcast_in_dim3A_1445 : i32 to vector<16xi32>
    %broadcast_in_dim3A_1447 = arith.constant 1 : i32
    %broadcast_in_dim3A_1448 = vector.broadcast %broadcast_in_dim3A_1447 : i32 to vector<16xi32>
    %gt3A_1449 = arith.cmpf ogt, %get3A_1422, %get3A_1419 : vector<16xf32>
    %gt3A_1450 = arith.cmpf ogt, %get3A_1422, %broadcast_in_dim3A_1444 : vector<16xf32>
    %select_n3A_1451 = arith.select %gt3A_1450, %get3A_1422, %broadcast_in_dim3A_1444 : vector<16xi1>, vector<16xf32>
    %select_n3A_1452 = arith.select %gt3A_1449, %get3A_1419, %select_n3A_1451 : vector<16xi1>, vector<16xf32>
    %select_n3A_1453 = arith.select %gt3A_1450, %broadcast_in_dim3A_1448, %broadcast_in_dim3A_1446 : vector<16xi1>, vector<16xi32>
    %select_n3A_1454 = arith.select %gt3A_1449, %broadcast_in_dim3A_1442, %select_n3A_1453 : vector<16xi1>, vector<16xi32>
    %select_n3A_1455 = arith.select %gt3A_1449, %get3A_1422, %get3A_1419 : vector<16xi1>, vector<16xf32>
    %select_n3A_1456 = arith.select %gt3A_1449, %broadcast_in_dim3A_1448, %broadcast_in_dim3A_1442 : vector<16xi1>, vector<16xi32>
    %broadcast_in_dim3A_1457 = arith.constant 2 : i32
    %broadcast_in_dim3A_1458 = vector.broadcast %broadcast_in_dim3A_1457 : i32 to vector<16xi32>
    %gt3A_1459 = arith.cmpf ogt, %get3A_1425, %select_n3A_1455 : vector<16xf32>
    %gt3A_1460 = arith.cmpf ogt, %get3A_1425, %select_n3A_1452 : vector<16xf32>
    %select_n3A_1461 = arith.select %gt3A_1460, %get3A_1425, %select_n3A_1452 : vector<16xi1>, vector<16xf32>
    %select_n3A_1462 = arith.select %gt3A_1459, %select_n3A_1455, %select_n3A_1461 : vector<16xi1>, vector<16xf32>
    %select_n3A_1463 = arith.select %gt3A_1460, %broadcast_in_dim3A_1458, %select_n3A_1454 : vector<16xi1>, vector<16xi32>
    %select_n3A_1464 = arith.select %gt3A_1459, %select_n3A_1456, %select_n3A_1463 : vector<16xi1>, vector<16xi32>
    %select_n3A_1465 = arith.select %gt3A_1459, %get3A_1425, %select_n3A_1455 : vector<16xi1>, vector<16xf32>
    %select_n3A_1466 = arith.select %gt3A_1459, %broadcast_in_dim3A_1458, %select_n3A_1456 : vector<16xi1>, vector<16xi32>
    %broadcast_in_dim3A_1467 = arith.constant 3 : i32
    %broadcast_in_dim3A_1468 = vector.broadcast %broadcast_in_dim3A_1467 : i32 to vector<16xi32>
    %gt3A_1469 = arith.cmpf ogt, %get3A_1428, %select_n3A_1465 : vector<16xf32>
    %gt3A_1470 = arith.cmpf ogt, %get3A_1428, %select_n3A_1462 : vector<16xf32>
    %select_n3A_1471 = arith.select %gt3A_1470, %get3A_1428, %select_n3A_1462 : vector<16xi1>, vector<16xf32>
    %select_n3A_1472 = arith.select %gt3A_1469, %select_n3A_1465, %select_n3A_1471 : vector<16xi1>, vector<16xf32>
    %select_n3A_1473 = arith.select %gt3A_1470, %broadcast_in_dim3A_1468, %select_n3A_1464 : vector<16xi1>, vector<16xi32>
    %select_n3A_1474 = arith.select %gt3A_1469, %select_n3A_1466, %select_n3A_1473 : vector<16xi1>, vector<16xi32>
    %select_n3A_1475 = arith.select %gt3A_1469, %get3A_1428, %select_n3A_1465 : vector<16xi1>, vector<16xf32>
    %select_n3A_1476 = arith.select %gt3A_1469, %broadcast_in_dim3A_1468, %select_n3A_1466 : vector<16xi1>, vector<16xi32>
    %broadcast_in_dim3A_1477 = arith.constant 4 : i32
    %broadcast_in_dim3A_1478 = vector.broadcast %broadcast_in_dim3A_1477 : i32 to vector<16xi32>
    %gt3A_1479 = arith.cmpf ogt, %get3A_1431, %select_n3A_1475 : vector<16xf32>
    %gt3A_1480 = arith.cmpf ogt, %get3A_1431, %select_n3A_1472 : vector<16xf32>
    %select_n3A_1481 = arith.select %gt3A_1480, %get3A_1431, %select_n3A_1472 : vector<16xi1>, vector<16xf32>
    %select_n3A_1482 = arith.select %gt3A_1479, %select_n3A_1475, %select_n3A_1481 : vector<16xi1>, vector<16xf32>
    %select_n3A_1483 = arith.select %gt3A_1480, %broadcast_in_dim3A_1478, %select_n3A_1474 : vector<16xi1>, vector<16xi32>
    %select_n3A_1484 = arith.select %gt3A_1479, %select_n3A_1476, %select_n3A_1483 : vector<16xi1>, vector<16xi32>
    %select_n3A_1485 = arith.select %gt3A_1479, %get3A_1431, %select_n3A_1475 : vector<16xi1>, vector<16xf32>
    %select_n3A_1486 = arith.select %gt3A_1479, %broadcast_in_dim3A_1478, %select_n3A_1476 : vector<16xi1>, vector<16xi32>
    %broadcast_in_dim3A_1487 = arith.constant 5 : i32
    %broadcast_in_dim3A_1488 = vector.broadcast %broadcast_in_dim3A_1487 : i32 to vector<16xi32>
    %gt3A_1489 = arith.cmpf ogt, %get3A_1434, %select_n3A_1485 : vector<16xf32>
    %gt3A_1490 = arith.cmpf ogt, %get3A_1434, %select_n3A_1482 : vector<16xf32>
    %select_n3A_1491 = arith.select %gt3A_1490, %get3A_1434, %select_n3A_1482 : vector<16xi1>, vector<16xf32>
    %select_n3A_1492 = arith.select %gt3A_1489, %select_n3A_1485, %select_n3A_1491 : vector<16xi1>, vector<16xf32>
    %select_n3A_1493 = arith.select %gt3A_1490, %broadcast_in_dim3A_1488, %select_n3A_1484 : vector<16xi1>, vector<16xi32>
    %select_n3A_1494 = arith.select %gt3A_1489, %select_n3A_1486, %select_n3A_1493 : vector<16xi1>, vector<16xi32>
    %select_n3A_1495 = arith.select %gt3A_1489, %get3A_1434, %select_n3A_1485 : vector<16xi1>, vector<16xf32>
    %select_n3A_1496 = arith.select %gt3A_1489, %broadcast_in_dim3A_1488, %select_n3A_1486 : vector<16xi1>, vector<16xi32>
    %broadcast_in_dim3A_1497 = arith.constant 6 : i32
    %broadcast_in_dim3A_1498 = vector.broadcast %broadcast_in_dim3A_1497 : i32 to vector<16xi32>
    %gt3A_1499 = arith.cmpf ogt, %get3A_1437, %select_n3A_1495 : vector<16xf32>
    %gt3A_1500 = arith.cmpf ogt, %get3A_1437, %select_n3A_1492 : vector<16xf32>
    %select_n3A_1501 = arith.select %gt3A_1500, %get3A_1437, %select_n3A_1492 : vector<16xi1>, vector<16xf32>
    %select_n3A_1502 = arith.select %gt3A_1499, %select_n3A_1495, %select_n3A_1501 : vector<16xi1>, vector<16xf32>
    %select_n3A_1503 = arith.select %gt3A_1500, %broadcast_in_dim3A_1498, %select_n3A_1494 : vector<16xi1>, vector<16xi32>
    %select_n3A_1504 = arith.select %gt3A_1499, %select_n3A_1496, %select_n3A_1503 : vector<16xi1>, vector<16xi32>
    %select_n3A_1505 = arith.select %gt3A_1499, %get3A_1437, %select_n3A_1495 : vector<16xi1>, vector<16xf32>
    %select_n3A_1506 = arith.select %gt3A_1499, %broadcast_in_dim3A_1498, %select_n3A_1496 : vector<16xi1>, vector<16xi32>
    %broadcast_in_dim3A_1507 = arith.constant 7 : i32
    %broadcast_in_dim3A_1508 = vector.broadcast %broadcast_in_dim3A_1507 : i32 to vector<16xi32>
    %gt3A_1509 = arith.cmpf ogt, %get3A_1440, %select_n3A_1505 : vector<16xf32>
    %gt3A_1510 = arith.cmpf ogt, %get3A_1440, %select_n3A_1502 : vector<16xf32>
    %select_n3A_1511 = arith.select %gt3A_1510, %get3A_1440, %select_n3A_1502 : vector<16xi1>, vector<16xf32>
    %select_n3A_1512 = arith.select %gt3A_1509, %select_n3A_1505, %select_n3A_1511 : vector<16xi1>, vector<16xf32>
    %select_n3A_1513 = arith.select %gt3A_1510, %broadcast_in_dim3A_1508, %select_n3A_1504 : vector<16xi1>, vector<16xi32>
    %select_n3A_1514 = arith.select %gt3A_1509, %select_n3A_1506, %select_n3A_1513 : vector<16xi1>, vector<16xi32>
    %select_n3A_1515 = arith.select %gt3A_1509, %get3A_1440, %select_n3A_1505 : vector<16xi1>, vector<16xf32>
    %select_n3A_1516 = arith.select %gt3A_1509, %broadcast_in_dim3A_1508, %select_n3A_1506 : vector<16xi1>, vector<16xi32>
    %sub3A_1517 = arith.subf %select_n3A_1512, %select_n3A_1515 : vector<16xf32>
    %exp3A_1518 = math.exp %sub3A_1517 : vector<16xf32>
    %add3A_1519 = arith.constant 1.000000e+00 : f32
    %add3A_1520 = vector.broadcast %add3A_1519 : f32 to vector<16xf32>
    %add3A_1521 = arith.addf %add3A_1520, %exp3A_1518 : vector<16xf32>
    %div3A_1522 = arith.constant 2.000000e+00 : f32
    %div3A_1523 = vector.broadcast %div3A_1522 : f32 to vector<16xf32>
    %div3A_1524 = arith.divf %div3A_1523, %add3A_1521 : vector<16xf32>
    %sub3A_1525 = arith.constant 2.000000e+00 : f32
    %sub3A_1526 = vector.broadcast %sub3A_1525 : f32 to vector<16xf32>
    %sub3A_1527 = arith.subf %sub3A_1526, %div3A_1524 : vector<16xf32>
    %broadcast_in_dim3A_1528 = arith.constant 0.000000e+00 : f32
    %broadcast_in_dim3A_1529 = vector.broadcast %broadcast_in_dim3A_1528 : f32 to vector<16xf32>
    %broadcast_in_dim3A_1530 = arith.constant 0 : i32
    %broadcast_in_dim3A_1531 = vector.broadcast %broadcast_in_dim3A_1530 : i32 to vector<16xi32>
    %eq3A_1532 = arith.cmpi eq, %select_n3A_1516, %broadcast_in_dim3A_1531 : vector<16xi32>
    %select_n3A_1533 = arith.select %eq3A_1532, %div3A_1524, %broadcast_in_dim3A_1529 : vector<16xi1>, vector<16xf32>
    %eq3A_1534 = arith.cmpi eq, %select_n3A_1514, %broadcast_in_dim3A_1531 : vector<16xi32>
    %select_n3A_1535 = arith.select %eq3A_1534, %sub3A_1527, %broadcast_in_dim3A_1529 : vector<16xi1>, vector<16xf32>
    %add3A_1536 = arith.addf %select_n3A_1533, %select_n3A_1535 : vector<16xf32>
    %swap3A_1537 = arith.constant 112 : index
    %swap3A_1538 = tpu.vector_load %arg5[%swap3A_1537] {strides = array<i32>} : memref<1024xf32, #tpu.memory_space<vmem>>, vector<16xf32>,
    %swap3A_1539 = vector.shape_cast %swap3A_1538 : vector<16xf32> to vector<16xf32>
    %swap3A_1540 = vector.shape_cast %add3A_1536 : vector<16xf32> to vector<16xf32>
    tpu.vector_store %arg5[%swap3A_1537], %swap3A_1540 {strides = array<i32>} : memref<1024xf32, #tpu.memory_space<vmem>>, vector<16xf32>,
    %broadcast_in_dim3A_1541 = arith.constant 1 : i32
    %broadcast_in_dim3A_1542 = vector.broadcast %broadcast_in_dim3A_1541 : i32 to vector<16xi32>
    %eq3A_1543 = arith.cmpi eq, %select_n3A_1516, %broadcast_in_dim3A_1542 : vector<16xi32>
    %select_n3A_1544 = arith.select %eq3A_1543, %div3A_1524, %broadcast_in_dim3A_1529 : vector<16xi1>, vector<16xf32>
    %eq3A_1545 = arith.cmpi eq, %select_n3A_1514, %broadcast_in_dim3A_1542 : vector<16xi32>
    %select_n3A_1546 = arith.select %eq3A_1545, %sub3A_1527, %broadcast_in_dim3A_1529 : vector<16xi1>, vector<16xf32>
    %add3A_1547 = arith.addf %select_n3A_1544, %select_n3A_1546 : vector<16xf32>
    %swap3A_1548 = arith.constant 240 : index
    %swap3A_1549 = tpu.vector_load %arg5[%swap3A_1548] {strides = array<i32>} : memref<1024xf32, #tpu.memory_space<vmem>>, vector<16xf32>,
    %swap3A_1550 = vector.shape_cast %swap3A_1549 : vector<16xf32> to vector<16xf32>
    %swap3A_1551 = vector.shape_cast %add3A_1547 : vector<16xf32> to vector<16xf32>
    tpu.vector_store %arg5[%swap3A_1548], %swap3A_1551 {strides = array<i32>} : memref<1024xf32, #tpu.memory_space<vmem>>, vector<16xf32>,
    %broadcast_in_dim3A_1552 = arith.constant 2 : i32
    %broadcast_in_dim3A_1553 = vector.broadcast %broadcast_in_dim3A_1552 : i32 to vector<16xi32>
    %eq3A_1554 = arith.cmpi eq, %select_n3A_1516, %broadcast_in_dim3A_1553 : vector<16xi32>
    %select_n3A_1555 = arith.select %eq3A_1554, %div3A_1524, %broadcast_in_dim3A_1529 : vector<16xi1>, vector<16xf32>
    %eq3A_1556 = arith.cmpi eq, %select_n3A_1514, %broadcast_in_dim3A_1553 : vector<16xi32>
    %select_n3A_1557 = arith.select %eq3A_1556, %sub3A_1527, %broadcast_in_dim3A_1529 : vector<16xi1>, vector<16xf32>
    %add3A_1558 = arith.addf %select_n3A_1555, %select_n3A_1557 : vector<16xf32>
    %swap3A_1559 = arith.constant 368 : index
    %swap3A_1560 = tpu.vector_load %arg5[%swap3A_1559] {strides = array<i32>} : memref<1024xf32, #tpu.memory_space<vmem>>, vector<16xf32>,
    %swap3A_1561 = vector.shape_cast %swap3A_1560 : vector<16xf32> to vector<16xf32>
    %swap3A_1562 = vector.shape_cast %add3A_1558 : vector<16xf32> to vector<16xf32>
    tpu.vector_store %arg5[%swap3A_1559], %swap3A_1562 {strides = array<i32>} : memref<1024xf32, #tpu.memory_space<vmem>>, vector<16xf32>,
    %broadcast_in_dim3A_1563 = arith.constant 3 : i32
    %broadcast_in_dim3A_1564 = vector.broadcast %broadcast_in_dim3A_1563 : i32 to vector<16xi32>
    %eq3A_1565 = arith.cmpi eq, %select_n3A_1516, %broadcast_in_dim3A_1564 : vector<16xi32>
    %select_n3A_1566 = arith.select %eq3A_1565, %div3A_1524, %broadcast_in_dim3A_1529 : vector<16xi1>, vector<16xf32>
    %eq3A_1567 = arith.cmpi eq, %select_n3A_1514, %broadcast_in_dim3A_1564 : vector<16xi32>
    %select_n3A_1568 = arith.select %eq3A_1567, %sub3A_1527, %broadcast_in_dim3A_1529 : vector<16xi1>, vector<16xf32>
    %add3A_1569 = arith.addf %select_n3A_1566, %select_n3A_1568 : vector<16xf32>
    %swap3A_1570 = arith.constant 496 : index
    %swap3A_1571 = tpu.vector_load %arg5[%swap3A_1570] {strides = array<i32>} : memref<1024xf32, #tpu.memory_space<vmem>>, vector<16xf32>,
    %swap3A_1572 = vector.shape_cast %swap3A_1571 : vector<16xf32> to vector<16xf32>
    %swap3A_1573 = vector.shape_cast %add3A_1569 : vector<16xf32> to vector<16xf32>
    tpu.vector_store %arg5[%swap3A_1570], %swap3A_1573 {strides = array<i32>} : memref<1024xf32, #tpu.memory_space<vmem>>, vector<16xf32>,
    %broadcast_in_dim3A_1574 = arith.constant 4 : i32
    %broadcast_in_dim3A_1575 = vector.broadcast %broadcast_in_dim3A_1574 : i32 to vector<16xi32>
    %eq3A_1576 = arith.cmpi eq, %select_n3A_1516, %broadcast_in_dim3A_1575 : vector<16xi32>
    %select_n3A_1577 = arith.select %eq3A_1576, %div3A_1524, %broadcast_in_dim3A_1529 : vector<16xi1>, vector<16xf32>
    %eq3A_1578 = arith.cmpi eq, %select_n3A_1514, %broadcast_in_dim3A_1575 : vector<16xi32>
    %select_n3A_1579 = arith.select %eq3A_1578, %sub3A_1527, %broadcast_in_dim3A_1529 : vector<16xi1>, vector<16xf32>
    %add3A_1580 = arith.addf %select_n3A_1577, %select_n3A_1579 : vector<16xf32>
    %swap3A_1581 = arith.constant 624 : index
    %swap3A_1582 = tpu.vector_load %arg5[%swap3A_1581] {strides = array<i32>} : memref<1024xf32, #tpu.memory_space<vmem>>, vector<16xf32>,
    %swap3A_1583 = vector.shape_cast %swap3A_1582 : vector<16xf32> to vector<16xf32>
    %swap3A_1584 = vector.shape_cast %add3A_1580 : vector<16xf32> to vector<16xf32>
    tpu.vector_store %arg5[%swap3A_1581], %swap3A_1584 {strides = array<i32>} : memref<1024xf32, #tpu.memory_space<vmem>>, vector<16xf32>,
    %broadcast_in_dim3A_1585 = arith.constant 5 : i32
    %broadcast_in_dim3A_1586 = vector.broadcast %broadcast_in_dim3A_1585 : i32 to vector<16xi32>
    %eq3A_1587 = arith.cmpi eq, %select_n3A_1516, %broadcast_in_dim3A_1586 : vector<16xi32>
    %select_n3A_1588 = arith.select %eq3A_1587, %div3A_1524, %broadcast_in_dim3A_1529 : vector<16xi1>, vector<16xf32>
    %eq3A_1589 = arith.cmpi eq, %select_n3A_1514, %broadcast_in_dim3A_1586 : vector<16xi32>
    %select_n3A_1590 = arith.select %eq3A_1589, %sub3A_1527, %broadcast_in_dim3A_1529 : vector<16xi1>, vector<16xf32>
    %add3A_1591 = arith.addf %select_n3A_1588, %select_n3A_1590 : vector<16xf32>
    %swap3A_1592 = arith.constant 752 : index
    %swap3A_1593 = tpu.vector_load %arg5[%swap3A_1592] {strides = array<i32>} : memref<1024xf32, #tpu.memory_space<vmem>>, vector<16xf32>,
    %swap3A_1594 = vector.shape_cast %swap3A_1593 : vector<16xf32> to vector<16xf32>
    %swap3A_1595 = vector.shape_cast %add3A_1591 : vector<16xf32> to vector<16xf32>
    tpu.vector_store %arg5[%swap3A_1592], %swap3A_1595 {strides = array<i32>} : memref<1024xf32, #tpu.memory_space<vmem>>, vector<16xf32>,
    %broadcast_in_dim3A_1596 = arith.constant 6 : i32
    %broadcast_in_dim3A_1597 = vector.broadcast %broadcast_in_dim3A_1596 : i32 to vector<16xi32>
    %eq3A_1598 = arith.cmpi eq, %select_n3A_1516, %broadcast_in_dim3A_1597 : vector<16xi32>
    %select_n3A_1599 = arith.select %eq3A_1598, %div3A_1524, %broadcast_in_dim3A_1529 : vector<16xi1>, vector<16xf32>
    %eq3A_1600 = arith.cmpi eq, %select_n3A_1514, %broadcast_in_dim3A_1597 : vector<16xi32>
    %select_n3A_1601 = arith.select %eq3A_1600, %sub3A_1527, %broadcast_in_dim3A_1529 : vector<16xi1>, vector<16xf32>
    %add3A_1602 = arith.addf %select_n3A_1599, %select_n3A_1601 : vector<16xf32>
    %swap3A_1603 = arith.constant 880 : index
    %swap3A_1604 = tpu.vector_load %arg5[%swap3A_1603] {strides = array<i32>} : memref<1024xf32, #tpu.memory_space<vmem>>, vector<16xf32>,
    %swap3A_1605 = vector.shape_cast %swap3A_1604 : vector<16xf32> to vector<16xf32>
    %swap3A_1606 = vector.shape_cast %add3A_1602 : vector<16xf32> to vector<16xf32>
    tpu.vector_store %arg5[%swap3A_1603], %swap3A_1606 {strides = array<i32>} : memref<1024xf32, #tpu.memory_space<vmem>>, vector<16xf32>,
    %broadcast_in_dim3A_1607 = arith.constant 7 : i32
    %broadcast_in_dim3A_1608 = vector.broadcast %broadcast_in_dim3A_1607 : i32 to vector<16xi32>
    %eq3A_1609 = arith.cmpi eq, %select_n3A_1516, %broadcast_in_dim3A_1608 : vector<16xi32>
    %select_n3A_1610 = arith.select %eq3A_1609, %div3A_1524, %broadcast_in_dim3A_1529 : vector<16xi1>, vector<16xf32>
    %eq3A_1611 = arith.cmpi eq, %select_n3A_1514, %broadcast_in_dim3A_1608 : vector<16xi32>
    %select_n3A_1612 = arith.select %eq3A_1611, %sub3A_1527, %broadcast_in_dim3A_1529 : vector<16xi1>, vector<16xf32>
    %add3A_1613 = arith.addf %select_n3A_1610, %select_n3A_1612 : vector<16xf32>
    %swap3A_1614 = arith.constant 1008 : index
    %swap3A_1615 = tpu.vector_load %arg5[%swap3A_1614] {strides = array<i32>} : memref<1024xf32, #tpu.memory_space<vmem>>, vector<16xf32>,
    %swap3A_1616 = vector.shape_cast %swap3A_1615 : vector<16xf32> to vector<16xf32>
    %swap3A_1617 = vector.shape_cast %add3A_1613 : vector<16xf32> to vector<16xf32>
    tpu.vector_store %arg5[%swap3A_1614], %swap3A_1617 {strides = array<i32>} : memref<1024xf32, #tpu.memory_space<vmem>>, vector<16xf32>,
    %add3A_1618 = arith.constant 0 : i32
    %add3A_1619 = arith.addi %add3A_1618, %mul3A_2 : i32
    "tpu.region"() ({
      %run_scoped3A = tpu.sem_alloc : memref<!tpu.dma_semaphore, #tpu.memory_space<semaphore_mem>>
      %dma_start3A = arith.constant 0 : i32
      %dma_start3A_1634 = tpu.memref_slice %arg5[%dma_start3A] : memref<1024xf32, #tpu.memory_space<vmem>> -> memref<128xf32, #tpu.memory_space<vmem>>
      %dma_start3A_1635 = tpu.memref_slice %arg3[%add3A_1619] : memref<32768xf32, #tpu.memory_space<hbm>> -> memref<128xf32, #tpu.memory_space<hbm>>
      %dma_start3A_1636 = tpu.memref_slice %arg3[%add3A_1619] : memref<32768xf32, #tpu.memory_space<hbm>> -> memref<128xf32, #tpu.memory_space<hbm>>
      %dma_start3A_1637 = arith.constant 0 : i32
      %dma_start3A_1638 = tpu.memref_slice %arg5[%dma_start3A_1637] : memref<1024xf32, #tpu.memory_space<vmem>> -> memref<128xf32, #tpu.memory_space<vmem>>
      tpu.enqueue_dma source(%dma_start3A_1638 : memref<128xf32, #tpu.memory_space<vmem>>) target(%dma_start3A_1636 : memref<128xf32, #tpu.memory_space<hbm>>) target_semaphore(%run_scoped3A : memref<!tpu.dma_semaphore, #tpu.memory_space<semaphore_mem>>)
      %dma_wait3A = arith.constant 0 : i32
      %dma_wait3A_1639 = tpu.memref_slice %arg5[%dma_wait3A] : memref<1024xf32, #tpu.memory_space<vmem>> -> memref<128xf32, #tpu.memory_space<vmem>>
      %dma_wait3A_1640 = tpu.memref_slice %arg3[%add3A_1619] : memref<32768xf32, #tpu.memory_space<hbm>> -> memref<128xf32, #tpu.memory_space<hbm>>
      %dma_wait3A_1641 = tpu.memref_slice %arg3[%add3A_1619] : memref<32768xf32, #tpu.memory_space<hbm>> -> memref<128xf32, #tpu.memory_space<hbm>>
      %dma_wait3A_1642 = arith.constant 0 : i32
      %dma_wait3A_1643 = tpu.memref_slice %arg5[%dma_wait3A_1642] : memref<1024xf32, #tpu.memory_space<vmem>> -> memref<128xf32, #tpu.memory_space<vmem>>
      tpu.wait_dma2 semaphore(%run_scoped3A : memref<!tpu.dma_semaphore, #tpu.memory_space<semaphore_mem>>) src(%dma_wait3A_1643 : memref<128xf32, #tpu.memory_space<vmem>>) dst(%dma_wait3A_1641 : memref<128xf32, #tpu.memory_space<hbm>>)
      tpu.yield
    }) : () -> ()
    %add3A_1620 = arith.constant 4096 : i32
    %add3A_1621 = arith.addi %add3A_1620, %mul3A_2 : i32
    "tpu.region"() ({
      %run_scoped3A = tpu.sem_alloc : memref<!tpu.dma_semaphore, #tpu.memory_space<semaphore_mem>>
      %dma_start3A = arith.constant 128 : i32
      %dma_start3A_1634 = tpu.memref_slice %arg5[%dma_start3A] : memref<1024xf32, #tpu.memory_space<vmem>> -> memref<128xf32, #tpu.memory_space<vmem>>
      %dma_start3A_1635 = tpu.memref_slice %arg3[%add3A_1621] : memref<32768xf32, #tpu.memory_space<hbm>> -> memref<128xf32, #tpu.memory_space<hbm>>
      %dma_start3A_1636 = tpu.memref_slice %arg3[%add3A_1621] : memref<32768xf32, #tpu.memory_space<hbm>> -> memref<128xf32, #tpu.memory_space<hbm>>
      %dma_start3A_1637 = arith.constant 128 : i32
      %dma_start3A_1638 = tpu.memref_slice %arg5[%dma_start3A_1637] : memref<1024xf32, #tpu.memory_space<vmem>> -> memref<128xf32, #tpu.memory_space<vmem>>
      tpu.enqueue_dma source(%dma_start3A_1638 : memref<128xf32, #tpu.memory_space<vmem>>) target(%dma_start3A_1636 : memref<128xf32, #tpu.memory_space<hbm>>) target_semaphore(%run_scoped3A : memref<!tpu.dma_semaphore, #tpu.memory_space<semaphore_mem>>)
      %dma_wait3A = arith.constant 128 : i32
      %dma_wait3A_1639 = tpu.memref_slice %arg5[%dma_wait3A] : memref<1024xf32, #tpu.memory_space<vmem>> -> memref<128xf32, #tpu.memory_space<vmem>>
      %dma_wait3A_1640 = tpu.memref_slice %arg3[%add3A_1621] : memref<32768xf32, #tpu.memory_space<hbm>> -> memref<128xf32, #tpu.memory_space<hbm>>
      %dma_wait3A_1641 = tpu.memref_slice %arg3[%add3A_1621] : memref<32768xf32, #tpu.memory_space<hbm>> -> memref<128xf32, #tpu.memory_space<hbm>>
      %dma_wait3A_1642 = arith.constant 128 : i32
      %dma_wait3A_1643 = tpu.memref_slice %arg5[%dma_wait3A_1642] : memref<1024xf32, #tpu.memory_space<vmem>> -> memref<128xf32, #tpu.memory_space<vmem>>
      tpu.wait_dma2 semaphore(%run_scoped3A : memref<!tpu.dma_semaphore, #tpu.memory_space<semaphore_mem>>) src(%dma_wait3A_1643 : memref<128xf32, #tpu.memory_space<vmem>>) dst(%dma_wait3A_1641 : memref<128xf32, #tpu.memory_space<hbm>>)
      tpu.yield
    }) : () -> ()
    %add3A_1622 = arith.constant 8192 : i32
    %add3A_1623 = arith.addi %add3A_1622, %mul3A_2 : i32
    "tpu.region"() ({
      %run_scoped3A = tpu.sem_alloc : memref<!tpu.dma_semaphore, #tpu.memory_space<semaphore_mem>>
      %dma_start3A = arith.constant 256 : i32
      %dma_start3A_1634 = tpu.memref_slice %arg5[%dma_start3A] : memref<1024xf32, #tpu.memory_space<vmem>> -> memref<128xf32, #tpu.memory_space<vmem>>
      %dma_start3A_1635 = tpu.memref_slice %arg3[%add3A_1623] : memref<32768xf32, #tpu.memory_space<hbm>> -> memref<128xf32, #tpu.memory_space<hbm>>
      %dma_start3A_1636 = tpu.memref_slice %arg3[%add3A_1623] : memref<32768xf32, #tpu.memory_space<hbm>> -> memref<128xf32, #tpu.memory_space<hbm>>
      %dma_start3A_1637 = arith.constant 256 : i32
      %dma_start3A_1638 = tpu.memref_slice %arg5[%dma_start3A_1637] : memref<1024xf32, #tpu.memory_space<vmem>> -> memref<128xf32, #tpu.memory_space<vmem>>
      tpu.enqueue_dma source(%dma_start3A_1638 : memref<128xf32, #tpu.memory_space<vmem>>) target(%dma_start3A_1636 : memref<128xf32, #tpu.memory_space<hbm>>) target_semaphore(%run_scoped3A : memref<!tpu.dma_semaphore, #tpu.memory_space<semaphore_mem>>)
      %dma_wait3A = arith.constant 256 : i32
      %dma_wait3A_1639 = tpu.memref_slice %arg5[%dma_wait3A] : memref<1024xf32, #tpu.memory_space<vmem>> -> memref<128xf32, #tpu.memory_space<vmem>>
      %dma_wait3A_1640 = tpu.memref_slice %arg3[%add3A_1623] : memref<32768xf32, #tpu.memory_space<hbm>> -> memref<128xf32, #tpu.memory_space<hbm>>
      %dma_wait3A_1641 = tpu.memref_slice %arg3[%add3A_1623] : memref<32768xf32, #tpu.memory_space<hbm>> -> memref<128xf32, #tpu.memory_space<hbm>>
      %dma_wait3A_1642 = arith.constant 256 : i32
      %dma_wait3A_1643 = tpu.memref_slice %arg5[%dma_wait3A_1642] : memref<1024xf32, #tpu.memory_space<vmem>> -> memref<128xf32, #tpu.memory_space<vmem>>
      tpu.wait_dma2 semaphore(%run_scoped3A : memref<!tpu.dma_semaphore, #tpu.memory_space<semaphore_mem>>) src(%dma_wait3A_1643 : memref<128xf32, #tpu.memory_space<vmem>>) dst(%dma_wait3A_1641 : memref<128xf32, #tpu.memory_space<hbm>>)
      tpu.yield
    }) : () -> ()
    %add3A_1624 = arith.constant 12288 : i32
    %add3A_1625 = arith.addi %add3A_1624, %mul3A_2 : i32
    "tpu.region"() ({
      %run_scoped3A = tpu.sem_alloc : memref<!tpu.dma_semaphore, #tpu.memory_space<semaphore_mem>>
      %dma_start3A = arith.constant 384 : i32
      %dma_start3A_1634 = tpu.memref_slice %arg5[%dma_start3A] : memref<1024xf32, #tpu.memory_space<vmem>> -> memref<128xf32, #tpu.memory_space<vmem>>
      %dma_start3A_1635 = tpu.memref_slice %arg3[%add3A_1625] : memref<32768xf32, #tpu.memory_space<hbm>> -> memref<128xf32, #tpu.memory_space<hbm>>
      %dma_start3A_1636 = tpu.memref_slice %arg3[%add3A_1625] : memref<32768xf32, #tpu.memory_space<hbm>> -> memref<128xf32, #tpu.memory_space<hbm>>
      %dma_start3A_1637 = arith.constant 384 : i32
      %dma_start3A_1638 = tpu.memref_slice %arg5[%dma_start3A_1637] : memref<1024xf32, #tpu.memory_space<vmem>> -> memref<128xf32, #tpu.memory_space<vmem>>
      tpu.enqueue_dma source(%dma_start3A_1638 : memref<128xf32, #tpu.memory_space<vmem>>) target(%dma_start3A_1636 : memref<128xf32, #tpu.memory_space<hbm>>) target_semaphore(%run_scoped3A : memref<!tpu.dma_semaphore, #tpu.memory_space<semaphore_mem>>)
      %dma_wait3A = arith.constant 384 : i32
      %dma_wait3A_1639 = tpu.memref_slice %arg5[%dma_wait3A] : memref<1024xf32, #tpu.memory_space<vmem>> -> memref<128xf32, #tpu.memory_space<vmem>>
      %dma_wait3A_1640 = tpu.memref_slice %arg3[%add3A_1625] : memref<32768xf32, #tpu.memory_space<hbm>> -> memref<128xf32, #tpu.memory_space<hbm>>
      %dma_wait3A_1641 = tpu.memref_slice %arg3[%add3A_1625] : memref<32768xf32, #tpu.memory_space<hbm>> -> memref<128xf32, #tpu.memory_space<hbm>>
      %dma_wait3A_1642 = arith.constant 384 : i32
      %dma_wait3A_1643 = tpu.memref_slice %arg5[%dma_wait3A_1642] : memref<1024xf32, #tpu.memory_space<vmem>> -> memref<128xf32, #tpu.memory_space<vmem>>
      tpu.wait_dma2 semaphore(%run_scoped3A : memref<!tpu.dma_semaphore, #tpu.memory_space<semaphore_mem>>) src(%dma_wait3A_1643 : memref<128xf32, #tpu.memory_space<vmem>>) dst(%dma_wait3A_1641 : memref<128xf32, #tpu.memory_space<hbm>>)
      tpu.yield
    }) : () -> ()
    %add3A_1626 = arith.constant 16384 : i32
    %add3A_1627 = arith.addi %add3A_1626, %mul3A_2 : i32
    "tpu.region"() ({
      %run_scoped3A = tpu.sem_alloc : memref<!tpu.dma_semaphore, #tpu.memory_space<semaphore_mem>>
      %dma_start3A = arith.constant 512 : i32
      %dma_start3A_1634 = tpu.memref_slice %arg5[%dma_start3A] : memref<1024xf32, #tpu.memory_space<vmem>> -> memref<128xf32, #tpu.memory_space<vmem>>
      %dma_start3A_1635 = tpu.memref_slice %arg3[%add3A_1627] : memref<32768xf32, #tpu.memory_space<hbm>> -> memref<128xf32, #tpu.memory_space<hbm>>
      %dma_start3A_1636 = tpu.memref_slice %arg3[%add3A_1627] : memref<32768xf32, #tpu.memory_space<hbm>> -> memref<128xf32, #tpu.memory_space<hbm>>
      %dma_start3A_1637 = arith.constant 512 : i32
      %dma_start3A_1638 = tpu.memref_slice %arg5[%dma_start3A_1637] : memref<1024xf32, #tpu.memory_space<vmem>> -> memref<128xf32, #tpu.memory_space<vmem>>
      tpu.enqueue_dma source(%dma_start3A_1638 : memref<128xf32, #tpu.memory_space<vmem>>) target(%dma_start3A_1636 : memref<128xf32, #tpu.memory_space<hbm>>) target_semaphore(%run_scoped3A : memref<!tpu.dma_semaphore, #tpu.memory_space<semaphore_mem>>)
      %dma_wait3A = arith.constant 512 : i32
      %dma_wait3A_1639 = tpu.memref_slice %arg5[%dma_wait3A] : memref<1024xf32, #tpu.memory_space<vmem>> -> memref<128xf32, #tpu.memory_space<vmem>>
      %dma_wait3A_1640 = tpu.memref_slice %arg3[%add3A_1627] : memref<32768xf32, #tpu.memory_space<hbm>> -> memref<128xf32, #tpu.memory_space<hbm>>
      %dma_wait3A_1641 = tpu.memref_slice %arg3[%add3A_1627] : memref<32768xf32, #tpu.memory_space<hbm>> -> memref<128xf32, #tpu.memory_space<hbm>>
      %dma_wait3A_1642 = arith.constant 512 : i32
      %dma_wait3A_1643 = tpu.memref_slice %arg5[%dma_wait3A_1642] : memref<1024xf32, #tpu.memory_space<vmem>> -> memref<128xf32, #tpu.memory_space<vmem>>
      tpu.wait_dma2 semaphore(%run_scoped3A : memref<!tpu.dma_semaphore, #tpu.memory_space<semaphore_mem>>) src(%dma_wait3A_1643 : memref<128xf32, #tpu.memory_space<vmem>>) dst(%dma_wait3A_1641 : memref<128xf32, #tpu.memory_space<hbm>>)
      tpu.yield
    }) : () -> ()
    %add3A_1628 = arith.constant 20480 : i32
    %add3A_1629 = arith.addi %add3A_1628, %mul3A_2 : i32
    "tpu.region"() ({
      %run_scoped3A = tpu.sem_alloc : memref<!tpu.dma_semaphore, #tpu.memory_space<semaphore_mem>>
      %dma_start3A = arith.constant 640 : i32
      %dma_start3A_1634 = tpu.memref_slice %arg5[%dma_start3A] : memref<1024xf32, #tpu.memory_space<vmem>> -> memref<128xf32, #tpu.memory_space<vmem>>
      %dma_start3A_1635 = tpu.memref_slice %arg3[%add3A_1629] : memref<32768xf32, #tpu.memory_space<hbm>> -> memref<128xf32, #tpu.memory_space<hbm>>
      %dma_start3A_1636 = tpu.memref_slice %arg3[%add3A_1629] : memref<32768xf32, #tpu.memory_space<hbm>> -> memref<128xf32, #tpu.memory_space<hbm>>
      %dma_start3A_1637 = arith.constant 640 : i32
      %dma_start3A_1638 = tpu.memref_slice %arg5[%dma_start3A_1637] : memref<1024xf32, #tpu.memory_space<vmem>> -> memref<128xf32, #tpu.memory_space<vmem>>
      tpu.enqueue_dma source(%dma_start3A_1638 : memref<128xf32, #tpu.memory_space<vmem>>) target(%dma_start3A_1636 : memref<128xf32, #tpu.memory_space<hbm>>) target_semaphore(%run_scoped3A : memref<!tpu.dma_semaphore, #tpu.memory_space<semaphore_mem>>)
      %dma_wait3A = arith.constant 640 : i32
      %dma_wait3A_1639 = tpu.memref_slice %arg5[%dma_wait3A] : memref<1024xf32, #tpu.memory_space<vmem>> -> memref<128xf32, #tpu.memory_space<vmem>>
      %dma_wait3A_1640 = tpu.memref_slice %arg3[%add3A_1629] : memref<32768xf32, #tpu.memory_space<hbm>> -> memref<128xf32, #tpu.memory_space<hbm>>
      %dma_wait3A_1641 = tpu.memref_slice %arg3[%add3A_1629] : memref<32768xf32, #tpu.memory_space<hbm>> -> memref<128xf32, #tpu.memory_space<hbm>>
      %dma_wait3A_1642 = arith.constant 640 : i32
      %dma_wait3A_1643 = tpu.memref_slice %arg5[%dma_wait3A_1642] : memref<1024xf32, #tpu.memory_space<vmem>> -> memref<128xf32, #tpu.memory_space<vmem>>
      tpu.wait_dma2 semaphore(%run_scoped3A : memref<!tpu.dma_semaphore, #tpu.memory_space<semaphore_mem>>) src(%dma_wait3A_1643 : memref<128xf32, #tpu.memory_space<vmem>>) dst(%dma_wait3A_1641 : memref<128xf32, #tpu.memory_space<hbm>>)
      tpu.yield
    }) : () -> ()
    %add3A_1630 = arith.constant 24576 : i32
    %add3A_1631 = arith.addi %add3A_1630, %mul3A_2 : i32
    "tpu.region"() ({
      %run_scoped3A = tpu.sem_alloc : memref<!tpu.dma_semaphore, #tpu.memory_space<semaphore_mem>>
      %dma_start3A = arith.constant 768 : i32
      %dma_start3A_1634 = tpu.memref_slice %arg5[%dma_start3A] : memref<1024xf32, #tpu.memory_space<vmem>> -> memref<128xf32, #tpu.memory_space<vmem>>
      %dma_start3A_1635 = tpu.memref_slice %arg3[%add3A_1631] : memref<32768xf32, #tpu.memory_space<hbm>> -> memref<128xf32, #tpu.memory_space<hbm>>
      %dma_start3A_1636 = tpu.memref_slice %arg3[%add3A_1631] : memref<32768xf32, #tpu.memory_space<hbm>> -> memref<128xf32, #tpu.memory_space<hbm>>
      %dma_start3A_1637 = arith.constant 768 : i32
      %dma_start3A_1638 = tpu.memref_slice %arg5[%dma_start3A_1637] : memref<1024xf32, #tpu.memory_space<vmem>> -> memref<128xf32, #tpu.memory_space<vmem>>
      tpu.enqueue_dma source(%dma_start3A_1638 : memref<128xf32, #tpu.memory_space<vmem>>) target(%dma_start3A_1636 : memref<128xf32, #tpu.memory_space<hbm>>) target_semaphore(%run_scoped3A : memref<!tpu.dma_semaphore, #tpu.memory_space<semaphore_mem>>)
      %dma_wait3A = arith.constant 768 : i32
      %dma_wait3A_1639 = tpu.memref_slice %arg5[%dma_wait3A] : memref<1024xf32, #tpu.memory_space<vmem>> -> memref<128xf32, #tpu.memory_space<vmem>>
      %dma_wait3A_1640 = tpu.memref_slice %arg3[%add3A_1631] : memref<32768xf32, #tpu.memory_space<hbm>> -> memref<128xf32, #tpu.memory_space<hbm>>
      %dma_wait3A_1641 = tpu.memref_slice %arg3[%add3A_1631] : memref<32768xf32, #tpu.memory_space<hbm>> -> memref<128xf32, #tpu.memory_space<hbm>>
      %dma_wait3A_1642 = arith.constant 768 : i32
      %dma_wait3A_1643 = tpu.memref_slice %arg5[%dma_wait3A_1642] : memref<1024xf32, #tpu.memory_space<vmem>> -> memref<128xf32, #tpu.memory_space<vmem>>
      tpu.wait_dma2 semaphore(%run_scoped3A : memref<!tpu.dma_semaphore, #tpu.memory_space<semaphore_mem>>) src(%dma_wait3A_1643 : memref<128xf32, #tpu.memory_space<vmem>>) dst(%dma_wait3A_1641 : memref<128xf32, #tpu.memory_space<hbm>>)
      tpu.yield
    }) : () -> ()
    %add3A_1632 = arith.constant 28672 : i32
    %add3A_1633 = arith.addi %add3A_1632, %mul3A_2 : i32
    "tpu.region"() ({
      %run_scoped3A = tpu.sem_alloc : memref<!tpu.dma_semaphore, #tpu.memory_space<semaphore_mem>>
      %dma_start3A = arith.constant 896 : i32
      %dma_start3A_1634 = tpu.memref_slice %arg5[%dma_start3A] : memref<1024xf32, #tpu.memory_space<vmem>> -> memref<128xf32, #tpu.memory_space<vmem>>
      %dma_start3A_1635 = tpu.memref_slice %arg3[%add3A_1633] : memref<32768xf32, #tpu.memory_space<hbm>> -> memref<128xf32, #tpu.memory_space<hbm>>
      %dma_start3A_1636 = tpu.memref_slice %arg3[%add3A_1633] : memref<32768xf32, #tpu.memory_space<hbm>> -> memref<128xf32, #tpu.memory_space<hbm>>
      %dma_start3A_1637 = arith.constant 896 : i32
      %dma_start3A_1638 = tpu.memref_slice %arg5[%dma_start3A_1637] : memref<1024xf32, #tpu.memory_space<vmem>> -> memref<128xf32, #tpu.memory_space<vmem>>
      tpu.enqueue_dma source(%dma_start3A_1638 : memref<128xf32, #tpu.memory_space<vmem>>) target(%dma_start3A_1636 : memref<128xf32, #tpu.memory_space<hbm>>) target_semaphore(%run_scoped3A : memref<!tpu.dma_semaphore, #tpu.memory_space<semaphore_mem>>)
      %dma_wait3A = arith.constant 896 : i32
      %dma_wait3A_1639 = tpu.memref_slice %arg5[%dma_wait3A] : memref<1024xf32, #tpu.memory_space<vmem>> -> memref<128xf32, #tpu.memory_space<vmem>>
      %dma_wait3A_1640 = tpu.memref_slice %arg3[%add3A_1633] : memref<32768xf32, #tpu.memory_space<hbm>> -> memref<128xf32, #tpu.memory_space<hbm>>
      %dma_wait3A_1641 = tpu.memref_slice %arg3[%add3A_1633] : memref<32768xf32, #tpu.memory_space<hbm>> -> memref<128xf32, #tpu.memory_space<hbm>>
      %dma_wait3A_1642 = arith.constant 896 : i32
      %dma_wait3A_1643 = tpu.memref_slice %arg5[%dma_wait3A_1642] : memref<1024xf32, #tpu.memory_space<vmem>> -> memref<128xf32, #tpu.memory_space<vmem>>
      tpu.wait_dma2 semaphore(%run_scoped3A : memref<!tpu.dma_semaphore, #tpu.memory_space<semaphore_mem>>) src(%dma_wait3A_1643 : memref<128xf32, #tpu.memory_space<vmem>>) dst(%dma_wait3A_1641 : memref<128xf32, #tpu.memory_space<hbm>>)
      tpu.yield
    }) : () -> ()
    return
  }
}

module attributes {stable_mosaic.version = 14 : i64} {
  func.func @_router_body(%arg0: i32, %arg1: memref<512x2048xf32, #tpu.memory_space<vmem>>, %arg2: memref<8x2048xf32, #tpu.memory_space<vmem>>, %arg3: memref<8x512xf32, #tpu.memory_space<vmem>>, %arg4: memref<512x8xf32, #tpu.memory_space<vmem>>) attributes {dimension_semantics = [#tpu.dimension_semantics<arbitrary>], iteration_bounds = array<i64: 8>, scalar_prefetch = 0 : i64, scratch_operands = 0 : i64, tpu.core_type = #tpu.core_type<tc>, window_params = [{transform_indices = @transform_0, window_bounds = array<i64: 512, 2048>}, {pipeline_mode = #tpu.pipeline_mode<synchronous>, transform_indices = @transform_1, window_bounds = array<i64: 8, 2048>}, {transform_indices = @transform_2, window_bounds = array<i64: 8, 512>}, {transform_indices = @transform_3, window_bounds = array<i64: 512, 8>}]} {
    %get3A = arith.constant 0 : index
    %get3A_0 = arith.constant 0 : index
    %get3A_1 = vector.load %arg2[%get3A, %get3A_0] : memref<8x2048xf32, #tpu.memory_space<vmem>>, vector<8x2048xf32>
    %get3A_2 = arith.constant 0 : index
    %get3A_3 = arith.constant 0 : index
    %get3A_4 = vector.load %arg1[%get3A_2, %get3A_3] : memref<512x2048xf32, #tpu.memory_space<vmem>>, vector<512x2048xf32>
    %dot_general3A = arith.constant dense<0.000000e+00> : vector<8x512xf32>
    %dot_general3A_5 = tpu.matmul %get3A_1, %get3A_4, %dot_general3A {dimension_numbers = #tpu.dot_dimension_numbers<[1], [1], [0], [0], [0, 0, 1, 0], [], []>, transpose_lhs_hint = false} : vector<8x2048xf32>, vector<512x2048xf32>, vector<8x512xf32> -> vector<8x512xf32>
    %swap3A = arith.constant 0 : index
    %swap3A_6 = arith.constant 0 : index
    %swap3A_7 = vector.load %arg3[%swap3A, %swap3A_6] : memref<8x512xf32, #tpu.memory_space<vmem>>, vector<8x512xf32>
    tpu.vector_store %arg3[%swap3A, %swap3A_6], %dot_general3A_5 {strides = array<i32>} : memref<8x512xf32, #tpu.memory_space<vmem>>, vector<8x512xf32>,
    %get3A_8 = arith.constant 0 : index
    %get3A_9 = arith.constant 0 : index
    %get3A_10 = vector.load %arg1[%get3A_8, %get3A_9] : memref<512x2048xf32, #tpu.memory_space<vmem>>, vector<512x2048xf32>
    %get3A_11 = arith.constant 0 : index
    %get3A_12 = arith.constant 0 : index
    %get3A_13 = vector.load %arg2[%get3A_11, %get3A_12] : memref<8x2048xf32, #tpu.memory_space<vmem>>, vector<8x2048xf32>
    %dot_general3A_14 = arith.constant dense<0.000000e+00> : vector<512x8xf32>
    %dot_general3A_15 = tpu.matmul %get3A_10, %get3A_13, %dot_general3A_14 {dimension_numbers = #tpu.dot_dimension_numbers<[1], [1], [0], [0], [0, 0, 1, 0], [], []>, transpose_lhs_hint = false} : vector<512x2048xf32>, vector<8x2048xf32>, vector<512x8xf32> -> vector<512x8xf32>
    %swap3A_16 = arith.constant 0 : index
    %swap3A_17 = arith.constant 0 : index
    %swap3A_18 = vector.load %arg4[%swap3A_16, %swap3A_17] : memref<512x8xf32, #tpu.memory_space<vmem>>, vector<512x8xf32>
    tpu.vector_store %arg4[%swap3A_16, %swap3A_17], %dot_general3A_15 {strides = array<i32>} : memref<512x8xf32, #tpu.memory_space<vmem>>, vector<512x8xf32>,
    return
  }
  func.func @transform_0(%arg0: i32) -> (i32, i32) {
    %c0_i32 = arith.constant 0 : i32
    %c0_i32_0 = arith.constant 0 : i32
    return %arg0, %c0_i32 : i32, i32
  }
  func.func @transform_1(%arg0: i32) -> (i32, i32) {
    %c0_i32 = arith.constant 0 : i32
    %c0_i32_0 = arith.constant 0 : i32
    %c0_i32_1 = arith.constant 0 : i32
    return %c0_i32, %c0_i32_0 : i32, i32
  }
  func.func @transform_2(%arg0: i32) -> (i32, i32) {
    %c0_i32 = arith.constant 0 : i32
    %c0_i32_0 = arith.constant 0 : i32
    return %c0_i32, %arg0 : i32, i32
  }
  func.func @transform_3(%arg0: i32) -> (i32, i32) {
    %c0_i32 = arith.constant 0 : i32
    %c0_i32_0 = arith.constant 0 : i32
    return %arg0, %c0_i32 : i32, i32
  }
}

module attributes {stable_mosaic.version = 14 : i64} {
  func.func @_adapter_body(%arg0: i32, %arg1: memref<512x2048xf32, #tpu.memory_space<vmem>>, %arg2: memref<512x2048xf32, #tpu.memory_space<vmem>>, %arg3: memref<8x512xf32, #tpu.memory_space<vmem>>, %arg4: memref<1024x2048xf32, #tpu.memory_space<vmem>>, %arg5: memref<1024x2048xbf16, #tpu.memory_space<vmem>>, %arg6: memref<512x2048xf32, #tpu.memory_space<vmem>>) attributes {dimension_semantics = [#tpu.dimension_semantics<arbitrary>], iteration_bounds = array<i64: 8>, scalar_prefetch = 0 : i64, scratch_operands = 0 : i64, tpu.core_type = #tpu.core_type<tc>, window_params = [{transform_indices = @transform_0, window_bounds = array<i64: 512, 2048>}, {transform_indices = @transform_1, window_bounds = array<i64: 512, 2048>}, {transform_indices = @transform_2, window_bounds = array<i64: 8, 512>}, {pipeline_mode = #tpu.pipeline_mode<synchronous>, transform_indices = @transform_3, window_bounds = array<i64: 1024, 2048>}, {pipeline_mode = #tpu.pipeline_mode<synchronous>, transform_indices = @transform_4, window_bounds = array<i64: 1024, 2048>}, {transform_indices = @transform_5, window_bounds = array<i64: 512, 2048>}]} {
    %get3A = arith.constant 0 : index
    %get3A_0 = arith.constant 0 : index
    %get3A_1 = vector.load %arg1[%get3A, %get3A_0] : memref<512x2048xf32, #tpu.memory_space<vmem>>, vector<512x2048xf32>
    %convert_element_type3A = arith.truncf %get3A_1 : vector<512x2048xf32> to vector<512x2048xbf16>
    %get3A_2 = arith.constant 0 : index
    %get3A_3 = arith.constant 0 : index
    %get3A_4 = vector.load %arg4[%get3A_2, %get3A_3] : memref<1024x2048xf32, #tpu.memory_space<vmem>>, vector<1024x2048xf32>
    %convert_element_type3A_5 = arith.truncf %get3A_4 : vector<1024x2048xf32> to vector<1024x2048xbf16>
    %dot_general3A = arith.constant dense<0.000000e+00> : vector<512x1024xf32>
    %dot_general3A_6 = tpu.matmul %convert_element_type3A, %convert_element_type3A_5, %dot_general3A {dimension_numbers = #tpu.dot_dimension_numbers<[1], [1], [0], [0], [0, 0, 1, 0], [], []>, transpose_lhs_hint = false} : vector<512x2048xbf16>, vector<1024x2048xbf16>, vector<512x1024xf32> -> vector<512x1024xf32>
    %mul3A = arith.constant 5.000000e-01 : f32
    %mul3A_7 = vector.broadcast %mul3A : f32 to vector<512x1024xf32>
    %mul3A_8 = arith.mulf %mul3A_7, %dot_general3A_6 : vector<512x1024xf32>
    %mul3A_9 = arith.constant 0.707106769 : f32
    %mul3A_10 = vector.broadcast %mul3A_9 : f32 to vector<512x1024xf32>
    %mul3A_11 = arith.mulf %dot_general3A_6, %mul3A_10 : vector<512x1024xf32>
    %erf3A = math.erf %mul3A_11 : vector<512x1024xf32>
    %add3A = arith.constant 1.000000e+00 : f32
    %add3A_12 = vector.broadcast %add3A : f32 to vector<512x1024xf32>
    %add3A_13 = arith.addf %add3A_12, %erf3A : vector<512x1024xf32>
    %mul3A_14 = arith.mulf %mul3A_8, %add3A_13 : vector<512x1024xf32>
    %iota3A = tpu.iota {dimensions = array<i32: 1>} : vector<8x1024xi32>
    %iota3A_15 = tpu.iota {dimensions = array<i32: 0>} : vector<8x1024xi32>
    %jit3A = arith.constant 128 : i32
    %div3A = vector.broadcast %jit3A : i32 to vector<8x1024xi32>
    %div3A_16 = arith.divsi %iota3A, %div3A : vector<8x1024xi32>
    %sign3A = arith.constant 0 : i32
    %sign3A_17 = vector.broadcast %sign3A : i32 to vector<8x1024xi32>
    %sign3A_18 = arith.cmpi sgt, %iota3A, %sign3A_17 : vector<8x1024xi32>
    %sign3A_19 = arith.extui %sign3A_18 : vector<8x1024xi1> to vector<8x1024xi32>
    %sign3A_20 = arith.constant 0 : i32
    %sign3A_21 = vector.broadcast %sign3A_20 : i32 to vector<8x1024xi32>
    %sign3A_22 = arith.cmpi slt, %iota3A, %sign3A_21 : vector<8x1024xi32>
    %sign3A_23 = arith.extui %sign3A_22 : vector<8x1024xi1> to vector<8x1024xi32>
    %sign3A_24 = arith.subi %sign3A_19, %sign3A_23 : vector<8x1024xi32>
    %sign3A_25 = arith.constant 0 : i32
    %sign3A_26 = arith.cmpi sgt, %jit3A, %sign3A_25 : i32
    %sign3A_27 = arith.extui %sign3A_26 : i1 to i32
    %sign3A_28 = arith.constant 0 : i32
    %sign3A_29 = arith.cmpi slt, %jit3A, %sign3A_28 : i32
    %sign3A_30 = arith.extui %sign3A_29 : i1 to i32
    %sign3A_31 = arith.subi %sign3A_27, %sign3A_30 : i32
    %ne3A = vector.broadcast %sign3A_31 : i32 to vector<8x1024xi32>
    %ne3A_32 = arith.cmpi ne, %sign3A_24, %ne3A : vector<8x1024xi32>
    %rem3A = vector.broadcast %jit3A : i32 to vector<8x1024xi32>
    %rem3A_33 = arith.remsi %iota3A, %rem3A : vector<8x1024xi32>
    %ne3A_34 = arith.constant 0 : i32
    %ne3A_35 = vector.broadcast %ne3A_34 : i32 to vector<8x1024xi32>
    %ne3A_36 = arith.cmpi ne, %rem3A_33, %ne3A_35 : vector<8x1024xi32>
    %and3A = arith.andi %ne3A_32, %ne3A_36 : vector<8x1024xi1>
    %sub3A = arith.constant 1 : i32
    %sub3A_37 = vector.broadcast %sub3A : i32 to vector<8x1024xi32>
    %sub3A_38 = arith.subi %div3A_16, %sub3A_37 : vector<8x1024xi32>
    %select_n3A = arith.select %and3A, %sub3A_38, %div3A_16 : vector<8x1024xi1>, vector<8x1024xi32>
    %eq3A = arith.cmpi eq, %select_n3A, %iota3A_15 : vector<8x1024xi32>
    %jit3A_39 = arith.constant 1.000000e+00 : f32
    %jit3A_40 = arith.constant 0.000000e+00 : f32
    %broadcast_in_dim3A = vector.broadcast %jit3A_39 : f32 to vector<8x1024xf32>
    %broadcast_in_dim3A_41 = vector.broadcast %jit3A_40 : f32 to vector<8x1024xf32>
    %select_n3A_42 = arith.select %eq3A, %broadcast_in_dim3A, %broadcast_in_dim3A_41 : vector<8x1024xi1>, vector<8x1024xf32>
    %get3A_43 = arith.constant 0 : index
    %get3A_44 = arith.constant 0 : index
    %get3A_45 = vector.load %arg3[%get3A_43, %get3A_44] : memref<8x512xf32, #tpu.memory_space<vmem>>, vector<8x512xf32>
    %dot_general3A_46 = arith.constant dense<0.000000e+00> : vector<512x1024xf32>
    %dot_general3A_47 = tpu.matmul %get3A_45, %select_n3A_42, %dot_general3A_46 {dimension_numbers = #tpu.dot_dimension_numbers<[0], [0], [1], [1], [0, 1, 1, 1], [], []>, transpose_lhs_hint = false} : vector<8x512xf32>, vector<8x1024xf32>, vector<512x1024xf32> -> vector<512x1024xf32>
    %mul3A_48 = arith.mulf %mul3A_14, %dot_general3A_47 : vector<512x1024xf32>
    %convert_element_type3A_49 = arith.truncf %mul3A_48 : vector<512x1024xf32> to vector<512x1024xbf16>
    %get3A_50 = arith.constant 0 : index
    %get3A_51 = arith.constant 0 : index
    %get3A_52 = vector.load %arg5[%get3A_50, %get3A_51] : memref<1024x2048xbf16, #tpu.memory_space<vmem>>, vector<1024x2048xbf16>
    %dot_general3A_53 = arith.constant dense<0.000000e+00> : vector<512x2048xf32>
    %dot_general3A_54 = tpu.matmul %convert_element_type3A_49, %get3A_52, %dot_general3A_53 {dimension_numbers = #tpu.dot_dimension_numbers<[1], [0], [0], [1], [0, 0, 1, 1], [], []>, transpose_lhs_hint = false} : vector<512x1024xbf16>, vector<1024x2048xbf16>, vector<512x2048xf32> -> vector<512x2048xf32>
    %get3A_55 = arith.constant 0 : index
    %get3A_56 = arith.constant 0 : index
    %get3A_57 = vector.load %arg2[%get3A_55, %get3A_56] : memref<512x2048xf32, #tpu.memory_space<vmem>>, vector<512x2048xf32>
    %add3A_58 = arith.addf %get3A_57, %dot_general3A_54 : vector<512x2048xf32>
    %swap3A = arith.constant 0 : index
    %swap3A_59 = arith.constant 0 : index
    %swap3A_60 = vector.load %arg6[%swap3A, %swap3A_59] : memref<512x2048xf32, #tpu.memory_space<vmem>>, vector<512x2048xf32>
    tpu.vector_store %arg6[%swap3A, %swap3A_59], %add3A_58 {strides = array<i32>} : memref<512x2048xf32, #tpu.memory_space<vmem>>, vector<512x2048xf32>,
    return
  }
  func.func @transform_0(%arg0: i32) -> (i32, i32) {
    %c0_i32 = arith.constant 0 : i32
    %c0_i32_0 = arith.constant 0 : i32
    return %arg0, %c0_i32 : i32, i32
  }
  func.func @transform_1(%arg0: i32) -> (i32, i32) {
    %c0_i32 = arith.constant 0 : i32
    %c0_i32_0 = arith.constant 0 : i32
    return %arg0, %c0_i32 : i32, i32
  }
  func.func @transform_2(%arg0: i32) -> (i32, i32) {
    %c0_i32 = arith.constant 0 : i32
    %c0_i32_0 = arith.constant 0 : i32
    return %c0_i32, %arg0 : i32, i32
  }
  func.func @transform_3(%arg0: i32) -> (i32, i32) {
    %c0_i32 = arith.constant 0 : i32
    %c0_i32_0 = arith.constant 0 : i32
    %c0_i32_1 = arith.constant 0 : i32
    return %c0_i32, %c0_i32_0 : i32, i32
  }
  func.func @transform_4(%arg0: i32) -> (i32, i32) {
    %c0_i32 = arith.constant 0 : i32
    %c0_i32_0 = arith.constant 0 : i32
    %c0_i32_1 = arith.constant 0 : i32
    return %c0_i32, %c0_i32_0 : i32, i32
  }
  func.func @transform_5(%arg0: i32) -> (i32, i32) {
    %c0_i32 = arith.constant 0 : i32
    %c0_i32_0 = arith.constant 0 : i32
    return %arg0, %c0_i32 : i32, i32
  }
}

</mosaic_0001>

<sc_bundles>
// kernel: kernel.5.cloned.1.call-start
scs
__scs_entry_jumppad:
0x0: {  	(pc) =	sbr.rel $0x88, $3  }
0x1: {  	(tag) =	ssettag $0x0;
	lr =	simm.s32 $0x1  }
0x2: {  	[smem:$0x3F9B] =	sst lr;
	_ =	strace $0xD0000000  }
0x3: {  	_ = 	snop  }
0x4: {  	_ = 	snop  }
0x5: {  	_ = 	snop  }
0x6: {  	_ = 	snop  }
0x7: {  	_ = 	snop  }
__scs_overlays_trampoline_lowered:
0x8: {  	[smem:$0x3FAA] =	sst s0  }
0x9: {  	[smem:$0x3FAB] =	sst s1  }
0xa: {  	[smem:$0x3FAC] =	sst s2  }
0xb: {  	[smem:$0x3FAD] =	sst s3  }
0xc: {  	[smem:$0x3FAE] =	sst s4  }
0xd: {  	[smem:$0x3FAF] =	sst s5  }
0xe: {  	[smem:$0x3FB0] =	sst s6  }
0xf: {  	[smem:$0x3FB1] =	sst s7  }
0x10: {  	[smem:$0x3FB2] =	sst s8  }
0x11: {  	[smem:$0x3FB3] =	sst s9;
	s0 =	simm.s32 @!p0 $0x0  }
0x12: {  	s1 =	sld [smem:$0x3F99];
	s0 =	simm.s32 @p0 $0x1  }
0x13: {  	[smem:$0x3FB4] =	sst s0;
	s0 =	simm.s32 @!p1 $0x0  }
0x14: {  	s2 =	sld [smem:$0x3F98];
	s0 =	simm.s32 @p1 $0x1  }
0x15: {  	[smem:$0x3FB5] =	sst s0;
	s0 =	simm.s32 @!p2 $0x0  }
0x16: {  	s3 =	sld [smem:$0x3FDB];
	s0 =	simm.s32 @p2 $0x1  }
0x17: {  	s4 =	simm.s32 $0x1BF5;
	[smem:$0x3FB7] =	sst s0  }
0x18: {  	s0 =	sld [smem:$0x3F9A];
	_ =	swait.ge [sflag:s4], $0x0  }
0x19: {  	s7 =	sld [smem:$0x3F9B]  }
0x1a: {  	s8 =	sadd.s32 $0xFFFFE003, lr  }
0x1b: {  	s9 =	sadd.s32 $0xFFFFFEF7, lr;
	s5 =	simm.s32 $0xFFFFFFFF;
	p2 =	slt.u32 s8, $0xFFFFF086  }
0x1c: {  	p1 =	slt.u32 s9, $0xF7A;
	s5 =	simm.s32 @!p2 $0x0  }
0x1d: {  	s5 =	simm.s32 @p1 $0x1;
	p0 =	seq.s32 s7, s2  }
0x1e: {  	s7 =	smul.u32 @!p0 $0xF7A, s2;
	p2 =	seq.s32 @!p0 s5, $0x0  }
0x1f: {  	s9 =	smul.u32 $0xF7A, s1;
	s8 =	simm.s32 @!p0 $0x1BF5;
	p2 =	por !p2, p0  }
0x20: {  	[sflag:s8] =	ssyncset.s32 @!p0 $0xFFFFF086;
	s6 =	sadd.s32 @!p0 s3, s7;
	s7 =	simm.s32 @!p0 $0x108  }
0x21: {  	s3 =	sadd.s32 s3, s9;
	s6 =	sadd.s32 @!p0 $0x88, s6;
	s7 =	simm.s32 @p2 $0x1082  }
0x22: {  	[simem:s7], [sflag:s8] =	dma.local @!p0 [hbm:s6], $0xF7A  }
0x23: {  	s9 =	sor.u32 $0xD0000000, s2;
	s6 =	simm.s32 $0x108;
	_ =	swait.ge @!p0 [sflag:s8], $0x0  }
0x24: {  	s3 =	sadd.s32 $0x88, s3;
	s6 =	simm.s32 @!p1 $0x1082;
	[sflag:s4] =	ssyncset.s32 $0xFFFFF086  }
0x25: {  	[simem:s6], [sflag:s4] =	dma.local [hbm:s3], $0xF7A  }
0x26: {  	[smem:$0x3F9B] =	sst s1;
	(tag) =	ssettag s2;
	_ =	strace s9  }
0x27: {  	s1 =	sld [smem:$0x3FAB]  }
0x28: {  	s2 =	sld [smem:$0x3FAC]  }
0x29: {  	s4 =	sld [smem:$0x3FAE]  }
0x2a: {  	p0 =	seq.s32 s5, $0x0;
	s5 =	sld [smem:$0x3FAF]  }
0x2b: {  	s6 =	sld [smem:$0x3FB0]  }
0x2c: {  	s7 =	sld [smem:$0x3FB1]  }
0x2d: {  	s3 =	simm.s32 $0x108;
	s8 =	sld [smem:$0x3FB2]  }
0x2e: {  	s3 =	simm.s32 @!p0 $0x1082;
	s9 =	sld [smem:$0x3FB3]  }
0x2f: {  	lr =	sadd.s32 s0, s3;
	s0 =	sld [smem:$0x3FAA]  }
0x30: {  	s3 =	sld [smem:$0x3FAD]  }
0x31: {  	[smem:$0x3FB6] =	sst s10  }
0x32: {  	s10 =	sld [smem:$0x3FB4];
	_ =	sdelay $0x3  }
0x33: {  	p0 =	seq.s32 s10, $0x1;
	s10 =	sld [smem:$0x3FB6];
	_ =	sdelay $0x3  }
0x34: {  	[smem:$0x3FB6] =	sst s10  }
0x35: {  	s10 =	sld [smem:$0x3FB5];
	_ =	sdelay $0x3  }
0x36: {  	p1 =	seq.s32 s10, $0x1;
	s10 =	sld [smem:$0x3FB6];
	_ =	sdelay $0x3  }
0x37: {  	[smem:$0x3FB6] =	sst s10  }
0x38: {  	s10 =	sld [smem:$0x3FB7]  }
0x39: {  	_ = 	snop;
	(pc) =	sbr.ind lr, $3  }
0x3a: {  	_ = 	snop  }
0x3b: {  	_ = 	snop  }
0x3c: {  	p2 =	seq.s32 s10, $0x1;
	s10 =	sld [smem:$0x3FB6]  }
0x3d: {  	_ =	shalt  }
0x3e: {  	_ =	shalt  }
0x3f: {  	_ =	shalt  }
0x40: {  	_ =	shalt  }
0x41: {  	_ =	shalt  }
0x42: {  	_ =	shalt  }
0x43: {  	_ =	shalt  }
0x44: {  	_ =	shalt  }
0x45: {  	_ =	shalt  }
0x46: {  	_ =	shalt  }
0x47: {  	_ =	shalt  }
0x48: {  	_ =	shalt  }
0x49: {  	_ =	shalt  }
0x4a: {  	_ =	shalt  }
0x4b: {  	_ =	shalt  }
0x4c: {  	_ =	shalt  }
0x4d: {  	_ =	shalt  }
0x4e: {  	_ =	shalt  }
0x4f: {  	_ =	shalt  }
0x50: {  	_ =	shalt  }
0x51: {  	_ =	shalt  }
0x52: {  	_ =	shalt  }
0x53: {  	_ =	shalt  }
0x54: {  	_ =	shalt  }
0x55: {  	_ =	shalt  }
0x56: {  	_ =	shalt  }
0x57: {  	_ =	shalt  }
0x58: {  	_ =	shalt  }
0x59: {  	_ =	shalt  }
0x5a: {  	_ =	shalt  }
0x5b: {  	_ =	shalt  }
0x5c: {  	_ =	shalt  }
0x5d: {  	_ =	shalt  }
0x5e: {  	_ =	shalt  }
0x5f: {  	_ =	shalt  }
0x60: {  	_ =	shalt  }
0x61: {  	_ =	shalt  }
0x62: {  	_ =	shalt  }
0x63: {  	_ =	shalt  }
0x64: {  	_ =	shalt  }
0x65: {  	_ =	shalt  }
0x66: {  	_ =	shalt  }
0x67: {  	_ =	shalt  }
0x68: {  	_ =	shalt  }
0x69: {  	_ =	shalt  }
0x6a: {  	_ =	shalt  }
0x6b: {  	_ =	shalt  }
0x6c: {  	_ =	shalt  }
0x6d: {  	_ =	shalt  }
0x6e: {  	_ =	shalt  }
0x6f: {  	_ =	shalt  }
0x70: {  	_ =	shalt  }
0x71: {  	_ =	shalt  }
0x72: {  	_ =	shalt  }
0x73: {  	_ =	shalt  }
0x74: {  	_ =	shalt  }
0x75: {  	_ =	shalt  }
0x76: {  	_ =	shalt  }
0x77: {  	_ =	shalt  }
0x78: {  	_ =	shalt  }
0x79: {  	_ =	shalt  }
0x7a: {  	_ =	shalt  }
0x7b: {  	_ =	shalt  }
0x7c: {  	_ =	shalt  }
0x7d: {  	_ =	shalt  }
0x7e: {  	_ =	shalt  }
0x7f: {  	_ =	shalt  }
0x80: {  	_ =	shalt  }
0x81: {  	_ =	shalt  }
0x82: {  	_ =	shalt  }
0x83: {  	_ =	shalt  }
0x84: {  	_ =	shalt  }
0x85: {  	_ =	shalt  }
0x86: {  	_ =	shalt  }
0x87: {  	_ =	shalt  }
.Lfunc_end0:
.L_simem_size_0:
called_computation_lowered:
.L_overlay_start_0:
0x88: {  	s2 =	sld [smem:$0x3FD9]  }
0x89: {  	s3 =	sld [smem:$0x3FFE];
	_ =	sdelay $0x1  }
0x8a: {  	s1 =	srdreg.scid  }
0x8b: {  	s0 =	sand.u32 $0x1, s1  }
0x8c: {  	s14 =	sshll.u32 s0, $0xA;
	s2 =	sadd.s32 s3, s2  }
0x8d: {  	s2 =	sadd.s32 s2, s14  }
0x8e: {  	[smem:$0x3FC2] =	sst s2  }
0x8f: {  	_ = 	snop  }
0x90: {  	s2 =	sld [smem:$0x3FD0];
	_ =	sdelay $0x2  }
0x91: {  	s15 =	simm.s32 $0xA;
	s4 =	simm.s32 $0x10  }
0x92: {  	[smem:s4], [sflag:s15] =	dma.local [hbm:s2], $0x1  }
0x93: {  	_ =	swait.eq [sflag:s15], $0x1  }
0x94: {  	[sflag:s15] =	ssyncset.done $0x0  }
0x95: {  	[sflag:s15] =	ssyncadd.s32 $0xFFFFFFFF  }
0x96: {  	s16 =	sld [smem:$0x10];
	(tm) =	ssettm $0x1  }
0x97: {  	s17 =	sld [smem:$0x3FFB];
	_ =	sdelay $0x3  }
0x98: {  	_ =	strace s17  }
0x99: {  	s3 =	sld [smem:$0x3FFC];
	_ =	sdelay $0x3  }
0x9a: {  	_ =	strace s3  }
0x9b: {  	s3 =	sld [smem:$0x3FFD];
	_ =	sdelay $0x3  }
0x9c: {  	_ =	strace s3  }
0x9d: {  	_ =	strace $0x8FFFFFFF  }
0x9e: {  	s18 =	sld [smem:$0x3FDB];
	_ =	sdelay $0x1  }
0x9f: {  	s19 =	simm.s32 $_scs_section_size  }
0xa0: {  	s5 =	simm.s32 $_size__tile_overlayer_lowered;
	s6 =	simm.s32 $_tile_overlayer_lowered  }
0xa1: {  	s22 =	simm.s32 $0x1BFF;
	s21 =	sshll.u32 s6, $0x1;
	s3 =	sadd.s32 s19, s18  }
0xa2: {  	s7 =	simm.s32 $0x0;
	s20 =	sshll.u32 s5, $0x1;
	s5 =	sadd.s32 s21, s3  }
0xa3: {  	[timem:s7], [sflag:s22] =	dma.local [hbm:s5], s20  }
0xa4: {  	_ =	swait.ge [sflag:s22], s20  }
0xa5: {  	s4 =	ssub.s32 $0x0, s20;
	[sflag:s22] =	ssyncset.done $0x0  }
0xa6: {  	[sflag:s22] =	ssyncadd.s32 s4;
	_ =	sdelay $0x1  }
0xa7: {  	s23 =	simm.s32 $0x1B8B  }
0xa8: {  	_ =	swait.ge [sflag:s23], $0x1  }
0xa9: {  	[sflag:s23] =	ssyncset.done $0x0  }
0xaa: {  	s25 =	simm.s32 $0x1B8E;
	s24 =	sld [smem:$0x3FFE];
	[sflag:s23] =	ssyncadd.s32 $0xFFFFFFFF  }
0xab: {  	s26 =	simm.s32 $execute0_lowered;
	[smem:$0x3FD2] =	sst s25  }
0xac: {  	s5 =	sshll.u32 s26, $0x1;
	_ =	strace $0x80000046;
	[dreg:$0x1] =	wrdreg $0xFFFFFFFF  }
0xad: {  	s28 =	simm.s32 $_size_execute0_lowered;
	s3 =	sadd.s32 s3, s5;
	[dreg:$0x0] =	wrdreg $0x0  }
0xae: {  	s5 =	sshll.u32 s28, $0x1;
	[dreg:$0x2] =	wrdreg s3  }
0xaf: {  	[dreg:$0x3] =	wrdreg s5  }
0xb0: {  	[dreg:$0x4] =	wrdreg $0xC0  }
0xb1: {  	_ =	task [dreg:s7], $0x5FFFF  }
0xb2: {  	[dreg:$0x1] =	wrdreg $0xFFFFFFFF  }
0xb3: {  	[dreg:$0x0] =	wrdreg $0x60  }
0xb4: {  	[dreg:$0x2] =	wrdreg s16  }
0xb5: {  	[dreg:$0x3] =	wrdreg s24  }
0xb6: {  	[dreg:$0x4] =	wrdreg $0x9  }
0xb7: {  	_ =	task.clear_ibuf [dreg:s7], $0x5FFFF;
	_ =	strace $0x90000046  }
0xb8: {  	s29 =	simm.s32 $0x9;
	_ =	strace $0x80000048  }
0xb9: {  	_ =	swait.ge [sflag:s29], $0x1  }
0xba: {  	[sflag:s29] =	ssyncadd.s32 $0xFFFFFFFF  }
0xbb: {  	_ =	strace $0x90000048  }
0xbc: {  	_ =	sfence  }
0xbd: {  	s30 =	sld [smem:$0x0];
	_ =	sdelay $0x2  }
0xbe: {  	s31 =	sshll.u32 s1, $0xD;
	s1 =	sshrl.u32 s1, $0x2  }
0xbf: {  	s3 =	sand.u32 $0x4000, s31;
	s1 =	sadd.s32 s1, s30  }
0xc0: {  	s0 =	sor.u32 s3, s0;
	s1 =	sshll.u32 s1, $0x11  }
0xc1: {  	s0 =	sor.u32 s1, s0  }
0xc2: {  	s0 =	sadd.s32 $0x8F2B, s0  }
0xc3: {  	[sflag:s0] =	ssyncadd.remote.s32 $0x1  }
0xc4: {  	_ =	sfence.sel $0xFFFF  }
0xc5: {  	[dreg:$0x0] =	wrdreg $0xFFFFFFFF;
	(pc) =	sbr.abs _section_cstart, $3  }
0xc6: {  	[dreg:$0x1] =	wrdreg $0xFFFFFFFF  }
0xc7: {  	_ =	task.clear_ibuf [dreg:s7], $0x2FFFF;
	_ =	strace $0x9FFFFFFF  }
0xc8: {  	(tm) =	ssettm $0x7FFFFFFF  }
0xc9: {  	_ =	shalt  }
tec
execute0_lowered:
.L_overlay_start_1:
0x0: {  	(tag) =	ssettag $0x1  }
0x1: {  	s0 =	rddreg [dreg:$0x0]  }
0x2: {  	s3 =	rddreg [dreg:$0x1]  }
0x3: {  	s2 =	simm.s32 $0x0;
	s4 =	srdreg.scid;
	s1 =	stileid.u32  }
0x4: {  	s17 =	simm.s32 $0x80;
	s18 =	simm.s32 $0x100;
	s19 =	simm.s32 $0x180  }
0x5: {  	s20 =	simm.s32 $0x200;
	s21 =	simm.s32 $0x280;
	s28 =	simm.s32 $0x580  }
0x6: {  	s29 =	simm.s32 $0x600;
	s30 =	simm.s32 $0x680;
	s31 =	simm.s32 $0x700  }
0x7: {  	[smem:$0x7FF] =	sst s2;
	s4 =	sand.u32 $0x1, s4;
	s6 =	sshll.u32 s1, $0x5  }
0x8: {  	s14 =	sadd.s32 $0x1200, s3;
	s5 =	ssub.s32 $0x2, s4;
	s4 =	sshll.u32 s4, $0x4  }
0x9: {  	_ =	strace $0x80000047;
	s22 =	sshrl.u32 s5, $0x1;
	s7 =	sor.u32 s4, s6  }
0xa: {  	s15 =	ssub.s32 s5, s22;
	s23 =	sadd.s32 s0, s7;
	s8 =	sor.u32 $0x200, s7  }
0xb: {  	s9 =	sor.u32 $0x400, s7;
	s10 =	sor.u32 $0x600, s7;
	s11 =	sor.u32 $0x800, s7  }
0xc: {  	s12 =	sor.u32 $0xA00, s7;
	s13 =	sor.u32 $0xC00, s7;
	s16 =	sor.u32 $0xE00, s7  }
0xd: {  	s7 =	sadd.s32 s14, s7;
	s22 =	simm.s32 $0x300;
	[dreg:$0x3] =	wrdreg s23  }
0xe: {  	s24 =	sadd.s32 s0, s8;
	s25 =	sadd.s32 s0, s9;
	s26 =	sadd.s32 s0, s10  }
0xf: {  	s3 =	sadd.s32 s0, s11;
	s4 =	sadd.s32 s0, s12;
	s5 =	sadd.s32 s0, s13  }
0x10: {  	s6 =	sadd.s32 s0, s16;
	s8 =	sadd.s32 s14, s8;
	s9 =	sadd.s32 s14, s9  }
0x11: {  	s10 =	sadd.s32 s14, s10;
	s11 =	sadd.s32 s14, s11;
	s12 =	sadd.s32 s14, s12  }
0x12: {  	s13 =	sadd.s32 s14, s13;
	s14 =	sadd.s32 s14, s16;
	[dreg:$0x4] =	wrdreg s24  }
0x13: {  	s15 =	smax.u32 s15, $0x1;
	s16 =	simm.s32 $0x1;
	[dreg:$0x5] =	wrdreg s25  }
0x14: {  	s23 =	simm.s32 $0x380;
	s0 =	simm.s32 $0x780;
	[dreg:$0x6] =	wrdreg s26  }
0x15: {  	v41 =	vimm.s32 $0x0;
	s24 =	simm.s32 $0x400;
	s25 =	simm.s32 $0x480;
	s26 =	simm.s32 $0x500  }
.LBB2_1:
0x16: {  	s1 =	rddreg [dreg:$0x3]  }
0x17: {  	[tilespmem:s2], [sflag:$0x1] =	stream.linear.gather [hbm4b:s1+s2], $0x80, $0x38;
	[tilespmem:$0x800] =	vst v63  }
0x18: {  	_ =	swait.ge [sflag:s16], $0x80  }
0x19: {  	[sflag:s16] =	ssyncset.done $0x0  }
0x1a: {  	s1 =	rddreg [dreg:$0x4];
	[sflag:s16] =	ssyncadd.s32 $0xFFFFFF80  }
0x1b: {  	[tilespmem:s17], [sflag:$0x1] =	stream.linear.gather [hbm4b:s1+s2], $0x80, $0x38;
	[tilespmem:$0x800] =	vst v63  }
0x1c: {  	_ =	swait.ge [sflag:s16], $0x80  }
0x1d: {  	[sflag:s16] =	ssyncset.done $0x0  }
0x1e: {  	s1 =	rddreg [dreg:$0x5];
	[sflag:s16] =	ssyncadd.s32 $0xFFFFFF80  }
0x1f: {  	[tilespmem:s18], [sflag:$0x1] =	stream.linear.gather [hbm4b:s1+s2], $0x80, $0x38;
	[tilespmem:$0x800] =	vst v63  }
0x20: {  	_ =	swait.ge [sflag:s16], $0x80  }
0x21: {  	[sflag:s16] =	ssyncset.done $0x0  }
0x22: {  	s1 =	rddreg [dreg:$0x6];
	[sflag:s16] =	ssyncadd.s32 $0xFFFFFF80  }
0x23: {  	[tilespmem:s19], [sflag:$0x1] =	stream.linear.gather [hbm4b:s1+s2], $0x80, $0x38;
	[tilespmem:$0x800] =	vst v63  }
0x24: {  	_ =	swait.ge [sflag:s16], $0x80  }
0x25: {  	[sflag:s16] =	ssyncset.done $0x0  }
0x26: {  	[sflag:s16] =	ssyncadd.s32 $0xFFFFFF80  }
0x27: {  	[tilespmem:s20], [sflag:$0x1] =	stream.linear.gather [hbm4b:s3+s2], $0x80, $0x38;
	[tilespmem:$0x800] =	vst v63  }
0x28: {  	_ =	swait.ge [sflag:s16], $0x80  }
0x29: {  	[sflag:s16] =	ssyncset.done $0x0  }
0x2a: {  	[sflag:s16] =	ssyncadd.s32 $0xFFFFFF80  }
0x2b: {  	[tilespmem:s21], [sflag:$0x1] =	stream.linear.gather [hbm4b:s4+s2], $0x80, $0x38;
	[tilespmem:$0x800] =	vst v63  }
0x2c: {  	_ =	swait.ge [sflag:s16], $0x80  }
0x2d: {  	[sflag:s16] =	ssyncset.done $0x0  }
0x2e: {  	[sflag:s16] =	ssyncadd.s32 $0xFFFFFF80  }
0x2f: {  	[tilespmem:s22], [sflag:$0x1] =	stream.linear.gather [hbm4b:s5+s2], $0x80, $0x38;
	[tilespmem:$0x800] =	vst v63  }
0x30: {  	_ =	swait.ge [sflag:s16], $0x80  }
0x31: {  	[sflag:s16] =	ssyncset.done $0x0  }
0x32: {  	[sflag:s16] =	ssyncadd.s32 $0xFFFFFF80  }
0x33: {  	[tilespmem:s23], [sflag:$0x1] =	stream.linear.gather [hbm4b:s6+s2], $0x80, $0x38;
	[tilespmem:$0x800] =	vst v63  }
0x34: {  	_ =	swait.ge [sflag:s16], $0x80  }
0x35: {  	[sflag:s16] =	ssyncset.done $0x0  }
0x36: {  	[sflag:s16] =	ssyncadd.s32 $0xFFFFFF80  }
0x37: {  	v0 =	vld [tilespmem:$0x80]  }
0x38: {  	v1 =	vld [tilespmem:$0x0];
	_ =	sdelay $0x1  }
0x39: {  	v2 =	vld [tilespmem:$0x100];
	_ =	sdelay $0x1  }
0x3a: {  	vm8 =	vgt.f32 v0, $-3.000000010e+38  }
0x3b: {  	v3 =	vld [tilespmem:$0x180];
	vm10 =	vgt.f32 v0, v1;
	v4 =	vnsel vm8, $0xFF61B1E6, v0  }
0x3c: {  	v4 =	vsel vm10, v1, v4  }
0x3d: {  	v0 =	vsel vm10, v0, v1;
	vm11 =	vgt.f32 v2, v4  }
0x3e: {  	v43 =	vld [tilespmem:$0x200];
	vm14 =	vgt.f32 v2, v0;
	v4 =	vsel vm11, v2, v4  }
0x3f: {  	v4 =	vsel vm14, v0, v4  }
0x40: {  	v0 =	vsel vm14, v2, v0;
	vm12 =	vgt.f32 v3, v4  }
0x41: {  	v44 =	vld [tilespmem:$0x280];
	vm1 =	vgt.f32 v3, v0;
	v4 =	vsel vm12, v3, v4  }
0x42: {  	v4 =	vsel vm1, v0, v4  }
0x43: {  	v0 =	vsel vm1, v3, v0;
	vm15 =	vgt.f32 v43, v4  }
0x44: {  	v45 =	vld [tilespmem:$0x300];
	vm13 =	vgt.f32 v43, v0;
	v4 =	vsel vm15, v43, v4  }
0x45: {  	v4 =	vsel vm13, v0, v4  }
0x46: {  	v0 =	vsel vm13, v43, v0;
	vm6 =	vgt.f32 v44, v4  }
0x47: {  	v46 =	vld [tilespmem:$0x380];
	vm0 =	vgt.f32 v44, v0;
	v4 =	vsel vm6, v44, v4  }
0x48: {  	v4 =	vsel vm0, v0, v4  }
0x49: {  	v0 =	vsel vm0, v44, v0;
	vm9 =	vgt.f32 v45, v4  }
0x4a: {  	vm3 =	vgt.f32 v45, v0;
	v47 =	vsel vm9, v45, v4  }
0x4b: {  	v2 =	vsel vm3, v0, v47;
	v0 =	vsel vm3, v45, v0  }
0x4c: {  	v48 =	vld [tilespmem:$0x90];
	vm2 =	vgt.f32 v46, v0;
	vm7 =	vgt.f32 v46, v2  }
0x4d: {  	v49 =	vld [tilespmem:$0x10];
	vm2 =	vmneg vm2;
	v2 =	vsel vm7, v46, v2  }
0x4e: {  	v51 =	vimm.s32 $0x0;
	v2 =	vsel vm2, v2, v0;
	v0 =	vsel vm2, v0, v46  }
0x4f: {  	v54 =	vimm.s32 $0x0;
	v40 =	vimm.s32 $0xFFFFFFFF;
	v50 =	vld [tilespmem:$0x110];
	v0 =	vsub.f32 v2, v0  }
0x50: {  	v56 =	vimm.s32 $0x0;
	v24 =	vimm.s32 $0x0;
	v29 =	vimm.s32 $0x0  }
0x51: {  	v32 =	vimm.s32 $0x0;
	vm5 =	vgt.f32 v48, $-3.000000010e+38;
	v0 =	vmul.f32 $1.442695020e+00, v0  }
0x52: {  	v52 =	vld [tilespmem:$0x190];
	vm4 =	vgt.f32 v48, v49;
	v53 =	vnsel vm5, $0xFF61B1E6, v48;
	v4 =	vsel vm5, $0xFFFFFFFF, v51  }
0x53: {  	v34 =	vimm.s32 $0x0;
	[tilespmem:$0x1FD50] =	vst v4;
	v4 =	vsel vm4, v49, v53;
	(erf) = vpow2.f32 v0  }
0x54: {  	v37 =	vimm.s32 $0x0;
	v1 =	vsel vm4, v48, v49;
	vm5 =	vgt.f32 v50, v4  }
0x55: {  	v55 =	vld [tilespmem:$0x210];
	v3 =	vsel vm5, $0xFFFFFFFF, v54;
	v4 =	vsel vm5, v50, v4;
	vm5 =	vgt.f32 v50, v1  }
0x56: {  	v5 =	vsel vm8, $0x1, v40;
	v6 =	vsel vm10, $0x1, v41;
	v4 =	vsel vm5, v1, v4  }
0x57: {  	v20 =	vsel vm4, $0x1, v41;
	v1 =	vsel vm5, v50, v1;
	vm8 =	vgt.f32 v52, v4  }
0x58: {  	v2 =	vsel vm8, $0xFFFFFFFF, v56;
	v4 =	vsel vm8, v52, v4;
	vm8 =	vgt.f32 v52, v1  }
0x59: {  	v58 =	vld [tilespmem:$0x290];
	v57 =	vsel vm10, $0x0, v5;
	v59 =	vsel vm14, $0x2, v6;
	v4 =	vsel vm8, v1, v4  }
0x5a: {  	v49 =	vimm.s32 $0x0;
	[tilespmem:$0x1FD70] =	vst v2;
	v2 =	vsel vm11, $0x2, v57;
	vm11 =	vgt.f32 v55, v4  }
0x5b: {  	v2 =	vsel vm14, v6, v2;
	v0 =	vsel vm8, v52, v1;
	v4 =	vsel vm11, v55, v4  }
0x5c: {  	v7 =	vld [tilespmem:$0x310];
	v2 =	vsel vm12, $0x3, v2;
	v1 =	vsel vm1, $0x3, v59;
	vm10 =	vgt.f32 v55, v0;
	v60 =	vpop (erf)  }
0x5d: {  	v2 =	vsel vm1, v59, v2;
	v4 =	vsel vm10, v0, v4;
	v6 =	vadd.f32 $1.000000000e+00, v60  }
0x5e: {  	v0 =	vsel vm10, v55, v0;
	v2 =	vsel vm15, $0x4, v2;
	vm14 =	vgt.f32 v58, v4  }
0x5f: {  	v61 =	vld [tilespmem:$0x390];
	vm12 =	vgt.f32 v58, v0;
	v4 =	vsel vm14, v58, v4;
	(erf) = vrcp.f32 v6  }
0x60: {  	v22 =	vsel vm5, $0x2, v20;
	v2 =	vsel vm13, v1, v2;
	v4 =	vsel vm12, v0, v4  }
0x61: {  	v1 =	vsel vm13, $0x4, v1;
	v0 =	vsel vm12, v58, v0;
	vm15 =	vgt.f32 v7, v4  }
0x62: {  	v2 =	vsel vm6, $0x5, v2;
	vm1 =	vgt.f32 v7, v0;
	v4 =	vsel vm15, v7, v4  }
0x63: {  	v2 =	vsel vm0, v1, v2;
	v4 =	vsel vm1, v0, v4;
	v0 =	vsel vm1, v7, v0  }
0x64: {  	v1 =	vsel vm0, $0x5, v1;
	vm6 =	vgt.f32 v61, v0;
	vm13 =	vgt.f32 v61, v4  }
0x65: {  	v2 =	vsel vm9, $0x6, v2;
	vm0 =	vmneg vm6;
	v4 =	vsel vm13, v61, v4  }
0x66: {  	v2 =	vsel vm3, v1, v2;
	v4 =	vsel vm0, v4, v0;
	v0 =	vsel vm0, v0, v61  }
0x67: {  	v1 =	vsel vm3, $0x6, v1;
	v2 =	vsel vm7, $0x7, v2;
	v0 =	vsub.f32 v4, v0  }
0x68: {  	v56 =	vimm.s32 $0x0;
	v59 =	vimm.s32 $0x0;
	v2 =	vsel vm2, v2, v1;
	v62 =	vpop (erf)  }
0x69: {  	[tilespmem:$0x1FD60] =	vst v3;
	v1 =	vnsel vm2, $0x7, v1;
	v0 =	vmul.f32 $1.442695020e+00, v0;
	v3 =	vadd.f32 v62, v62  }
0x6a: {  	vm3 =	vmand vm3, vm2;
	vm6 =	veq.s32 v1, $0x0;
	vm7 =	veq.s32 v2, $0x0  }
0x6b: {  	vm9 =	veq.s32 v1, $0x1;
	(erf) = vpow2.f32 v0;
	v63 =	vsub.f32 $2.000000000e+00, v3  }
0x6c: {  	v10 =	vnsel vm6, $0x0, v3;
	v12 =	vnsel vm9, $0x0, v3;
	vm6 =	veq.s32 v2, $0x1  }
0x6d: {  	v16 =	vld [tilespmem:$0x1FD50];
	vm9 =	veq.s32 v2, $0x2;
	v54 =	vnsel vm3, $0x0, v3;
	v42 =	vnsel vm7, $0x0, v63  }
0x6e: {  	v8 =	vld [tilespmem:$0x1FD60];
	vm7 =	veq.s32 v1, $0x2;
	v43 =	vnsel vm6, $0x0, v63;
	v45 =	vnsel vm9, $0x0, v63  }
0x6f: {  	vm6 =	veq.s32 v1, $0x3;
	vm9 =	veq.s32 v1, $0x4;
	v11 =	vnsel vm7, $0x0, v3  }
0x70: {  	v23 =	vld [tilespmem:$0x1FD70];
	vm7 =	veq.s32 v2, $0x3;
	v46 =	vnsel vm6, $0x0, v3;
	v48 =	vnsel vm9, $0x0, v3  }
0x71: {  	vm6 =	veq.s32 v2, $0x4;
	vm9 =	veq.s32 v2, $0x5;
	v10 =	vadd.f32 v42, v10  }
0x72: {  	v17 =	vld [tilespmem:$0xA0];
	v47 =	vnsel vm7, $0x0, v63;
	vm7 =	veq.s32 v1, $0x5;
	v52 =	vnsel vm6, $0x0, v63  }
0x73: {  	v19 =	vld [tilespmem:$0x20];
	v53 =	vnsel vm9, $0x0, v63;
	vm9 =	vnez.u8 v16;
	vm6 =	vnez.u8 v8  }
0x74: {  	v51 =	vnsel vm7, $0x0, v3;
	v0 =	vsel vm9, $0x1, v40;
	vm9 =	veq.s32 v2, $0x6  }
0x75: {  	v3 =	vsel vm2, $0x0, v3;
	vm2 =	veq.s32 v2, $0x7;
	vm7 =	vnez.u8 v23  }
0x76: {  	v57 =	vnsel vm9, $0x0, v63;
	v0 =	vsel vm4, $0x0, v0;
	[tilespmem:$0x1FE40] =	vst v3;
	v3 =	vsel vm8, $0x3, v22  }
0x77: {  	v21 =	vld [tilespmem:$0x120];
	v18 =	vpop (erf);
	vm9 =	vgt.f32 v17, $-3.000000010e+38;
	v4 =	vnsel vm2, $0x0, v63;
	v0 =	vsel vm6, $0x2, v0  }
0x78: {  	v5 =	vadd.f32 $1.000000000e+00, v18;
	vm6 =	vgt.f32 v17, v19;
	v26 =	vnsel vm9, $0xFF61B1E6, v17  }
0x79: {  	v57 =	vadd.f32 v57, v54;
	v0 =	vsel vm5, v20, v0;
	v27 =	vsel vm6, v19, v26  }
0x7a: {  	v1 =	vsel vm6, v17, v19;
	v0 =	vsel vm7, $0x3, v0;
	(erf) = vrcp.f32 v5  }
0x7b: {  	v25 =	vld [tilespmem:$0x1A0];
	v62 =	vsel vm6, $0x1, v41;
	v5 =	vsel vm9, $0xFFFFFFFF, v24;
	v0 =	vsel vm8, v22, v0  }
0x7c: {  	vm4 =	vgt.f32 v21, v1;
	v0 =	vsel vm11, $0x4, v0;
	vm11 =	vgt.f32 v21, v27  }
0x7d: {  	[tilespmem:$0x1FE50] =	vst v4;
	v0 =	vsel vm10, v3, v0;
	v3 =	vsel vm10, $0x4, v3;
	v4 =	vsel vm11, v21, v27  }
0x7e: {  	v28 =	vld [tilespmem:$0x220];
	v0 =	vsel vm14, $0x5, v0;
	vm14 =	vmmov vm11;
	v4 =	vsel vm4, v1, v4  }
0x7f: {  	v1 =	vsel vm4, v21, v1;
	v0 =	vsel vm12, v3, v0;
	v3 =	vsel vm12, $0x5, v3  }
0x80: {  	vm5 =	vgt.f32 v25, v1;
	v0 =	vsel vm15, $0x6, v0;
	vm15 =	vgt.f32 v25, v4  }
0x81: {  	v2 =	vsel vm15, $0xFFFFFFFF, v29;
	v0 =	vsel vm1, v3, v0;
	v4 =	vsel vm15, v25, v4  }
0x82: {  	v3 =	vsel vm1, $0x6, v3;
	v0 =	vsel vm13, $0x7, v0;
	v4 =	vsel vm5, v1, v4  }
0x83: {  	v30 =	vld [tilespmem:$0x2A0];
	v1 =	vsel vm5, v25, v1;
	v31 =	vpop (erf);
	vm7 =	vgt.f32 v28, v4;
	v0 =	vsel vm0, v0, v3  }
0x84: {  	vm9 =	vgt.f32 v28, v1;
	v3 =	vnsel vm0, $0x7, v3;
	v7 =	vadd.f32 v31, v31  }
0x85: {  	[tilespmem:$0x1FD80] =	vst v5;
	v5 =	vsel vm7, $0xFFFFFFFF, v32;
	v4 =	vsel vm7, v28, v4;
	vm12 =	veq.s32 v3, $0x0  }
0x86: {  	vm15 =	veq.s32 v0, $0x0;
	vm7 =	veq.s32 v3, $0x1;
	vm8 =	veq.s32 v0, $0x1  }
0x87: {  	vm3 =	veq.s32 v0, $0x2;
	v4 =	vsel vm9, v1, v4;
	v1 =	vsel vm9, v28, v1  }
0x88: {  	v8 =	vsub.f32 $2.000000000e+00, v7;
	vm13 =	vgt.f32 v30, v4;
	vm11 =	vgt.f32 v30, v1  }
0x89: {  	v33 =	vld [tilespmem:$0x320];
	v9 =	vnsel vm12, $0x0, v7;
	v16 =	vnsel vm7, $0x0, v7;
	v29 =	vsel vm0, $0x0, v7  }
0x8a: {  	v38 =	vld [tilespmem:$0xB0];
	v6 =	vsel vm13, $0xFFFFFFFF, v34;
	v4 =	vsel vm13, v30, v4;
	vm13 =	veq.s32 v3, $0x2  }
0x8b: {  	v15 =	vnsel vm15, $0x0, v8;
	v4 =	vsel vm11, v1, v4;
	v1 =	vsel vm11, v30, v1  }
0x8c: {  	v35 =	vld [tilespmem:$0x3A0];
	v18 =	vnsel vm8, $0x0, v8;
	v19 =	vnsel vm13, $0x0, v7;
	v23 =	vnsel vm3, $0x0, v8  }
0x8d: {  	vm13 =	veq.s32 v0, $0x3;
	vm3 =	veq.s32 v3, $0x4;
	vm8 =	veq.s32 v3, $0x5  }
0x8e: {  	vm15 =	vgt.f32 v33, v4;
	vm7 =	vgt.f32 v33, v1;
	v20 =	vnsel vm13, $0x0, v8  }
0x8f: {  	v14 =	vnsel vm3, $0x0, v7;
	vm13 =	vgt.f32 v38, $-3.000000010e+38;
	v36 =	vsel vm15, v33, v4  }
0x90: {  	v60 =	vld [tilespmem:$0x1FD80];
	[tilespmem:$0x1FD90] =	vst v2;
	vm3 =	veq.s32 v0, $0x5;
	v2 =	vsel vm7, v1, v36;
	v1 =	vsel vm7, v33, v1  }
0x91: {  	v24 =	vnsel vm8, $0x0, v7;
	vm10 =	vgt.f32 v35, v1;
	vm12 =	vgt.f32 v35, v2  }
0x92: {  	v39 =	vld [tilespmem:$0x30];
	vm8 =	vmand vm1, vm0;
	vm2 =	vmneg vm10;
	v2 =	vsel vm12, v35, v2  }
0x93: {  	[tilespmem:$0x1FDB0] =	vst v6;
	v6 =	vsel vm13, $0xFFFFFFFF, v49;
	v2 =	vsel vm2, v2, v1;
	v1 =	vsel vm2, v1, v35  }
0x94: {  	v44 =	vld [tilespmem:$0x130];
	v50 =	vnsel vm13, $0xFF61B1E6, v38;
	v25 =	vnsel vm3, $0x0, v8;
	v1 =	vsub.f32 v2, v1  }
0x95: {  	v26 =	vnsel vm8, $0x0, v7;
	vm8 =	vnez.u8 v60;
	v33 =	vimm.s32 $0x0  }
0x96: {  	v4 =	vsel vm12, $0xFFFFFFFF, v37;
	vm12 =	veq.s32 v3, $0x3;
	v1 =	vmul.f32 $1.442695020e+00, v1  }
0x97: {  	v55 =	vld [tilespmem:$0x1B0];
	vm10 =	vgt.f32 v38, v39;
	v17 =	vnsel vm12, $0x0, v7;
	vm12 =	veq.s32 v0, $0x4  }
0x98: {  	v27 =	vld [tilespmem:$0x1FD90];
	v7 =	vsel vm4, $0x2, v62;
	(erf) = vpow2.f32 v1;
	v1 =	vsel vm10, v39, v50  }
0x99: {  	v22 =	vnsel vm12, $0x0, v8;
	v2 =	vsel vm10, v38, v39;
	vm12 =	vgt.f32 v44, v1  }
0x9a: {  	v31 =	vsel vm5, $0x3, v7;
	vm3 =	vgt.f32 v44, v2;
	v1 =	vsel vm12, v44, v1  }
0x9b: {  	v58 =	vld [tilespmem:$0x230];
	[tilespmem:$0x1FDA0] =	vst v5;
	v3 =	vsel vm12, $0xFFFFFFFF, v56;
	vm12 =	veq.s32 v0, $0x6;
	v1 =	vsel vm3, v2, v1  }
0x9c: {  	v32 =	vld [tilespmem:$0x1FDA0];
	v34 =	vsel vm9, $0x4, v31;
	v28 =	vnsel vm12, $0x0, v8;
	vm13 =	vgt.f32 v55, v1  }
0x9d: {  	[tilespmem:$0x1FDC0] =	vst v4;
	v2 =	vsel vm3, v44, v2;
	vm12 =	vnez.u8 v27;
	v4 =	vsel vm13, $0xFFFFFFFF, v59  }
0x9e: {  	v61 =	vld [tilespmem:$0x2B0];
	vm1 =	vgt.f32 v55, v2;
	v1 =	vsel vm13, v55, v1;
	[tilespmem:$0x1FDF0] =	vst v4;
	v4 =	vsel vm8, $0x1, v40  }
0x9f: {  	v1 =	vsel vm1, v2, v1;
	v2 =	vsel vm1, v55, v2;
	v4 =	vsel vm6, $0x0, v4  }
0xa0: {  	v21 =	vld [tilespmem:$0x330];
	vm13 =	vgt.f32 v58, v2;
	v4 =	vsel vm14, $0x2, v4;
	vm14 =	vgt.f32 v58, v1  }
0xa1: {  	v35 =	vld [tilespmem:$0x1FDB0];
	v63 =	vpop (erf);
	v1 =	vsel vm14, v58, v1;
	v4 =	vsel vm4, v62, v4;
	vm4 =	vnez.u8 v32  }
0xa2: {  	v13 =	vadd.f32 $1.000000000e+00, v63;
	v1 =	vsel vm13, v2, v1;
	v2 =	vsel vm13, v58, v2  }
0xa3: {  	[tilespmem:$0x1FDE0] =	vst v3;
	v3 =	vsel vm12, $0x3, v4;
	vm8 =	vgt.f32 v61, v1;
	vm6 =	vgt.f32 v61, v2  }
0xa4: {  	v30 =	vld [tilespmem:$0x3B0];
	v3 =	vsel vm5, v7, v3;
	(erf) = vrcp.f32 v13;
	v1 =	vsel vm8, v61, v1  }
0xa5: {  	v63 =	vld [tilespmem:$0x1FDC0];
	v3 =	vsel vm4, $0x4, v3;
	v1 =	vsel vm6, v2, v1;
	v2 =	vsel vm6, v61, v2  }
0xa6: {  	v3 =	vsel vm9, v31, v3;
	vm9 =	vnez.u8 v35;
	vm5 =	vgt.f32 v21, v1  }
0xa7: {  	vm12 =	vgt.f32 v21, v2;
	v3 =	vsel vm9, $0x5, v3;
	v1 =	vsel vm5, v21, v1  }
0xa8: {  	v5 =	vsel vm5, $0xFFFFFFFF, v33;
	v3 =	vsel vm11, v34, v3;
	v1 =	vsel vm12, v2, v1  }
0xa9: {  	[tilespmem:$0x1FE00] =	vst v5;
	v2 =	vsel vm12, v21, v2;
	v5 =	vsel vm11, $0x5, v34;
	v3 =	vsel vm15, $0x6, v3  }
0xaa: {  	vm11 =	vnez.u8 v63;
	vm0 =	vgt.f32 v30, v2;
	vm5 =	vgt.f32 v30, v1  }
0xab: {  	v36 =	vsel vm7, $0x6, v5;
	v38 =	vsel vm7, v5, v3;
	vm9 =	vmneg vm0  }
0xac: {  	v1 =	vsel vm5, v30, v1;
	v39 =	vnsel vm2, $0x7, v36;
	vm0 =	veq.s32 v0, $0x7  }
0xad: {  	v0 =	vsel vm11, $0x7, v38;
	v1 =	vsel vm9, v1, v2;
	v2 =	vsel vm9, v2, v30  }
0xae: {  	v38 =	vimm.s32 $0x0;
	vm4 =	veq.s32 v39, $0x0;
	v1 =	vsub.f32 v1, v2  }
0xaf: {  	v50 =	vnsel vm0, $0x0, v8;
	v0 =	vsel vm2, v0, v36;
	vm15 =	veq.s32 v39, $0x1;
	v37 =	vpop (erf)  }
0xb0: {  	v31 =	vld [tilespmem:$0x1FDE0];
	v30 =	vsel vm10, $0x1, v41;
	v44 =	vadd.f32 v37, v37;
	v1 =	vmul.f32 $1.442695020e+00, v1  }
0xb1: {  	vm0 =	veq.s32 v39, $0x2;
	vm11 =	veq.s32 v0, $0x0;
	v4 =	vsel vm3, $0x2, v30  }
0xb2: {  	v49 =	vnsel vm4, $0x0, v44;
	v2 =	vsub.f32 $2.000000000e+00, v44;
	(erf) = vpow2.f32 v1  }
0xb3: {  	[tilespmem:$0x1FDD0] =	vst v6;
	vm4 =	veq.s32 v0, $0x1;
	v56 =	vnsel vm15, $0x0, v44;
	v59 =	vnsel vm0, $0x0, v44  }
0xb4: {  	v13 =	vld [tilespmem:$0x1FDD0];
	vm0 =	veq.s32 v0, $0x3;
	vm15 =	veq.s32 v39, $0x5;
	v5 =	vsel vm2, $0x0, v44  }
0xb5: {  	v27 =	vld [tilespmem:$0xC0];
	v3 =	vnsel vm15, $0x0, v44;
	vm15 =	vnez.u8 v31;
	v31 =	vimm.s32 $0x0  }
0xb6: {  	v32 =	vld [tilespmem:$0x40];
	v55 =	vnsel vm11, $0x0, v2;
	v58 =	vnsel vm4, $0x0, v2;
	vm11 =	veq.s32 v0, $0x2  }
0xb7: {  	v35 =	vld [tilespmem:$0x1FDF0];
	vm4 =	veq.s32 v39, $0x3;
	v60 =	vnsel vm11, $0x0, v2;
	vm11 =	veq.s32 v39, $0x4  }
0xb8: {  	v6 =	vnsel vm4, $0x0, v44;
	vm4 =	veq.s32 v0, $0x4;
	v8 =	vnsel vm11, $0x0, v44  }
0xb9: {  	[tilespmem:$0x1FE60] =	vst v9;
	v9 =	vnsel vm4, $0x0, v2;
	vm11 =	vnez.u8 v13;
	vm4 =	veq.s32 v0, $0x5  }
0xba: {  	v36 =	vld [tilespmem:$0x140];
	v7 =	vnsel vm0, $0x0, v2;
	v1 =	vsel vm11, $0x1, v40;
	v21 =	vnsel vm4, $0x0, v2  }
0xbb: {  	vm11 =	vmand vm7, vm2;
	vm7 =	veq.s32 v0, $0x6;
	vm4 =	vgt.f32 v27, v32  }
0xbc: {  	v1 =	vsel vm10, $0x0, v1;
	v33 =	vnsel vm11, $0x0, v44;
	vm10 =	vnez.u8 v35  }
0xbd: {  	[tilespmem:$0x1FF10] =	vst v3;
	v13 =	vld [tilespmem:$0x1FE00];
	v37 =	vnsel vm7, $0x0, v2;
	vm11 =	vgt.f32 v27, $-3.000000010e+38;
	v3 =	vsel vm4, v27, v32  }
0xbe: {  	[tilespmem:$0x1FF50] =	vst v5;
	v1 =	vsel vm15, $0x2, v1;
	v5 =	vsel vm11, $0xFFFFFFFF, v38;
	v44 =	vnsel vm11, $0xFF61B1E6, v27  }
0xbf: {  	vm15 =	veq.s32 v0, $0x7;
	vm7 =	vgt.f32 v36, v3;
	v1 =	vsel vm3, v30, v1  }
0xc0: {  	v62 =	vsel vm4, v32, v44;
	v2 =	vnsel vm15, $0x0, v2;
	v34 =	vpop (erf);
	v1 =	vsel vm10, $0x3, v1  }
0xc1: {  	[tilespmem:$0x1FEE0] =	vst v7;
	vm11 =	vgt.f32 v36, v62;
	v7 =	vadd.f32 $1.000000000e+00, v34;
	v1 =	vsel vm1, v4, v1  }
0xc2: {  	v39 =	vld [tilespmem:$0x1C0];
	vm10 =	vnez.u8 v13;
	v4 =	vsel vm1, $0x3, v4;
	v1 =	vsel vm14, $0x4, v1  }
0xc3: {  	v13 =	vsel vm4, $0x1, v41;
	(erf) = vrcp.f32 v7;
	v61 =	vsel vm13, v4, v1  }
0xc4: {  	v4 =	vsel vm13, $0x4, v4;
	v1 =	vsel vm11, v36, v62;
	v62 =	vadd.f32 v52, v48  }
0xc5: {  	[tilespmem:$0x1FF00] =	vst v9;
	v0 =	vsel vm8, $0x5, v61;
	v1 =	vsel vm7, v3, v1;
	v9 =	vsel vm6, $0x5, v4  }
0xc6: {  	v63 =	vld [tilespmem:$0x240];
	v3 =	vsel vm7, v36, v3;
	v36 =	vimm.s32 $0x0;
	v61 =	vadd.f32 v53, v51  }
0xc7: {  	v53 =	vimm.s32 $0x0;
	v0 =	vsel vm6, v4, v0;
	vm14 =	vgt.f32 v39, v1  }
0xc8: {  	vm8 =	vgt.f32 v39, v3;
	v0 =	vsel vm10, $0x6, v0;
	v1 =	vsel vm14, v39, v1  }
0xc9: {  	[tilespmem:$0x1FF60] =	vst v2;
	v2 =	vsel vm12, $0x6, v9;
	v0 =	vsel vm12, v9, v0;
	v1 =	vsel vm8, v3, v1  }
0xca: {  	[tilespmem:$0x1FF20] =	vst v21;
	v21 =	vld [tilespmem:$0x2C0];
	v3 =	vsel vm8, v39, v3;
	v9 =	vadd.f32 v43, v12;
	vm12 =	vmand vm12, vm9  }
0xcb: {  	v0 =	vsel vm5, $0x7, v0;
	vm15 =	vgt.f32 v63, v1;
	vm2 =	vgt.f32 v63, v3  }
0xcc: {  	v1 =	vsel vm15, v63, v1;
	v0 =	vsel vm9, v0, v2;
	v2 =	vnsel vm9, $0x7, v2  }
0xcd: {  	v30 =	vld [tilespmem:$0x340];
	v1 =	vsel vm2, v3, v1;
	v3 =	vsel vm2, v63, v3;
	vm10 =	veq.s32 v2, $0x0;
	v27 =	vpop (erf)  }
0xce: {  	[tilespmem:$0x1FE10] =	vst v5;
	vm5 =	veq.s32 v0, $0x1;
	vm1 =	veq.s32 v0, $0x2;
	v5 =	vadd.f32 v27, v27  }
0xcf: {  	v63 =	vadd.f32 v47, v46;
	vm13 =	vgt.f32 v21, v1;
	vm6 =	vgt.f32 v21, v3  }
0xd0: {  	[tilespmem:$0x1FED0] =	vst v6;
	v32 =	vld [tilespmem:$0x3C0];
	v6 =	vsel vm13, $0xFFFFFFFF, v31;
	v1 =	vsel vm13, v21, v1;
	v44 =	vsub.f32 $2.000000000e+00, v5  }
0xd1: {  	vm13 =	veq.s32 v0, $0x0;
	v1 =	vsel vm6, v3, v1;
	v3 =	vsel vm6, v21, v3  }
0xd2: {  	v21 =	vadd.f32 v45, v11;
	v34 =	vnsel vm13, $0x0, v44;
	vm13 =	vgt.f32 v30, v1  }
0xd3: {  	[tilespmem:$0x1FF30] =	vst v33;
	vm3 =	vgt.f32 v30, v3;
	v33 =	vnsel vm10, $0x0, v5;
	v1 =	vsel vm13, v30, v1  }
0xd4: {  	vm10 =	veq.s32 v2, $0x1;
	v43 =	vsel vm9, $0x0, v5;
	v1 =	vsel vm3, v3, v1  }
0xd5: {  	v35 =	vnsel vm10, $0x0, v5;
	v3 =	vsel vm3, v30, v3;
	vm0 =	vgt.f32 v32, v1  }
0xd6: {  	[tilespmem:$0x1FF40] =	vst v37;
	v37 =	vnsel vm5, $0x0, v44;
	vm10 =	vgt.f32 v32, v3;
	v4 =	vsel vm0, $0xFFFFFFFF, v36  }
0xd7: {  	[tilespmem:$0x1FE20] =	vst v6;
	vm5 =	vmneg vm10;
	v1 =	vsel vm0, v32, v1;
	vm0 =	veq.s32 v2, $0x2  }
0xd8: {  	v51 =	vld [tilespmem:$0x1FE20];
	v36 =	vnsel vm1, $0x0, v44;
	vm10 =	veq.s32 v2, $0x3;
	vm1 =	veq.s32 v2, $0x5  }
0xd9: {  	v11 =	vld [tilespmem:$0x1FE10];
	v1 =	vsel vm5, v1, v3;
	v3 =	vsel vm5, v3, v32;
	v38 =	vnsel vm0, $0x0, v5  }
0xda: {  	[tilespmem:$0x1FF90] =	vst v35;
	vm0 =	veq.s32 v0, $0x3;
	v39 =	vnsel vm10, $0x0, v5;
	vm10 =	veq.s32 v0, $0x4  }
0xdb: {  	v42 =	vld [tilespmem:$0xD0];
	[tilespmem:$0x1FF80] =	vst v34;
	v1 =	vsub.f32 v1, v3;
	v34 =	vnsel vm0, $0x0, v44;
	vm0 =	veq.s32 v2, $0x4  }
0xdc: {  	[tilespmem:$0x1FFC0] =	vst v39;
	v39 =	vnsel vm10, $0x0, v44;
	v2 =	vnsel vm1, $0x0, v5;
	vm10 =	veq.s32 v0, $0x5  }
0xdd: {  	v45 =	vld [tilespmem:$0x50];
	[tilespmem:$0x1FFB0] =	vst v38;
	v38 =	vnsel vm12, $0x0, v5;
	vm1 =	veq.s32 v0, $0x6;
	vm12 =	vnez.u8 v51  }
0xde: {  	[tilespmem:$0x1FFA0] =	vst v37;
	v37 =	vnsel vm0, $0x0, v5;
	v35 =	vnsel vm10, $0x0, v44;
	vm10 =	vnez.u8 v11  }
0xdf: {  	v54 =	vld [tilespmem:$0x150];
	[tilespmem:$0x1FE30] =	vst v4;
	v11 =	vimm.s32 $0x0;
	v1 =	vmul.f32 $1.442695020e+00, v1;
	v4 =	vsel vm10, $0x1, v40  }
0xe0: {  	vm10 =	veq.s32 v0, $0x7;
	v12 =	vsel vm4, $0x0, v4;
	vm4 =	vgt.f32 v42, $-3.000000010e+38  }
0xe1: {  	v4 =	vsel vm7, $0x2, v13;
	(erf) = vpow2.f32 v1;
	v0 =	vsel vm11, $0x2, v12  }
0xe2: {  	v27 =	vld [tilespmem:$0x1D0];
	vm11 =	vgt.f32 v42, v45;
	v30 =	vnsel vm4, $0xFF61B1E6, v42;
	v0 =	vsel vm7, v13, v0  }
0xe3: {  	v7 =	vsel vm11, v45, v30;
	v1 =	vsel vm11, v42, v45;
	v42 =	vnsel vm1, $0x0, v44  }
0xe4: {  	v44 =	vnsel vm10, $0x0, v44;
	v30 =	vimm.s32 $0x0;
	vm0 =	vgt.f32 v54, v7  }
0xe5: {  	v0 =	vsel vm14, $0x3, v0;
	vm7 =	vgt.f32 v54, v1;
	v7 =	vsel vm0, v54, v7  }
0xe6: {  	v32 =	vld [tilespmem:$0x250];
	v0 =	vsel vm8, v4, v0;
	v4 =	vsel vm8, $0x3, v4;
	v7 =	vsel vm7, v1, v7  }
0xe7: {  	v12 =	vld [tilespmem:$0x1FE30];
	v0 =	vsel vm15, $0x4, v0;
	v1 =	vsel vm7, v54, v1;
	vm8 =	vgt.f32 v27, v7  }
0xe8: {  	vm14 =	vgt.f32 v27, v1;
	v0 =	vsel vm2, v4, v0;
	v48 =	vsel vm8, v27, v7  }
0xe9: {  	v4 =	vsel vm2, $0x4, v4;
	v0 =	vsel vm12, $0x5, v0;
	v3 =	vsel vm14, v1, v48  }
0xea: {  	[tilespmem:$0x1FF70] =	vst v33;
	v33 =	vld [tilespmem:$0x2D0];
	v1 =	vsel vm14, v27, v1;
	v0 =	vsel vm6, v4, v0;
	v4 =	vsel vm6, $0x5, v4  }
0xeb: {  	vm15 =	vgt.f32 v32, v3;
	vm1 =	vgt.f32 v32, v1;
	v0 =	vsel vm13, $0x6, v0  }
0xec: {  	vm13 =	vnez.u8 v12;
	v31 =	vpop (erf);
	v3 =	vsel vm15, v32, v3;
	v0 =	vsel vm3, v4, v0  }
0xed: {  	v52 =	vld [tilespmem:$0x350];
	[tilespmem:$0x1FFD0] =	vst v2;
	v4 =	vsel vm3, $0x6, v4;
	vm3 =	vmand vm3, vm5;
	v2 =	vadd.f32 $1.000000000e+00, v31  }
0xee: {  	v3 =	vsel vm1, v1, v3;
	v1 =	vsel vm1, v32, v1;
	v0 =	vsel vm13, $0x7, v0  }
0xef: {  	v31 =	vsel vm4, $0x1, v40;
	vm12 =	vgt.f32 v33, v3;
	vm6 =	vgt.f32 v33, v1  }
0xf0: {  	[tilespmem:$0x1FEF0] =	vst v8;
	v8 =	vsel vm5, v0, v4;
	(erf) = vrcp.f32 v2;
	v3 =	vsel vm12, v33, v3  }
0xf1: {  	v6 =	vsel vm11, $0x0, v31;
	v5 =	vsel vm12, $0xFFFFFFFF, v53;
	v3 =	vsel vm6, v1, v3  }
0xf2: {  	v54 =	vld [tilespmem:$0x3D0];
	v6 =	vsel vm0, $0x2, v6;
	v1 =	vsel vm6, v33, v1;
	vm2 =	vgt.f32 v52, v3  }
0xf3: {  	v32 =	vld [tilespmem:$0xE0];
	vm13 =	vgt.f32 v52, v1;
	v2 =	vsel vm2, $0xFFFFFFFF, v11;
	v13 =	vsel vm2, v52, v3  }
0xf4: {  	v33 =	vld [tilespmem:$0x60];
	v3 =	vnsel vm5, $0x7, v4;
	v11 =	vsel vm11, $0x1, v41;
	[tilespmem:$0x1FE80] =	vst v2;
	v2 =	vsel vm13, v1, v13  }
0xf5: {  	v1 =	vsel vm13, v52, v1;
	vm4 =	veq.s32 v3, $0x0;
	vm0 =	veq.s32 v3, $0x1  }
0xf6: {  	v6 =	vsel vm7, v11, v6;
	v7 =	vsel vm7, $0x2, v11;
	vm7 =	veq.s32 v3, $0x3  }
0xf7: {  	v12 =	vld [tilespmem:$0x160];
	vm11 =	veq.s32 v3, $0x4;
	vm2 =	vgt.f32 v54, v1;
	vm12 =	vgt.f32 v54, v2  }
0xf8: {  	v6 =	vsel vm8, $0x3, v6;
	vm8 =	veq.s32 v8, $0x2;
	v0 =	vsel vm12, $0xFFFFFFFF, v30  }
0xf9: {  	vm2 =	vmneg vm2;
	v2 =	vsel vm12, v54, v2;
	vm9 =	vgt.f32 v32, v33;
	v27 =	vpop (erf)  }
0xfa: {  	v2 =	vsel vm2, v2, v1;
	v1 =	vsel vm2, v1, v54;
	v4 =	vadd.f32 v27, v27  }
0xfb: {  	vm12 =	veq.s32 v3, $0x2;
	v1 =	vsub.f32 v2, v1;
	v2 =	vsel vm9, v32, v33  }
0xfc: {  	vm10 =	vgt.f32 v12, v2;
	v52 =	vnsel vm4, $0x0, v4;
	vm4 =	vgt.f32 v32, $-3.000000010e+38  }
0xfd: {  	v13 =	vld [tilespmem:$0x1E0];
	v1 =	vmul.f32 $1.442695020e+00, v1;
	v48 =	vnsel vm0, $0x0, v4;
	v27 =	vnsel vm4, $0xFF61B1E6, v32  }
0xfe: {  	v45 =	vnsel vm12, $0x0, v4;
	vm12 =	veq.s32 v3, $0x5;
	v30 =	vsel vm9, v33, v27  }
0xff: {  	v53 =	vnsel vm7, $0x0, v4;
	v46 =	vnsel vm11, $0x0, v4;
	vm7 =	vgt.f32 v12, v30  }
0x100: {  	(erf) = vpow2.f32 v1;
	v47 =	vnsel vm3, $0x0, v4;
	v3 =	vsel vm7, v12, v30  }
0x101: {  	v51 =	vsel vm5, $0x0, v4;
	v54 =	vnsel vm12, $0x0, v4;
	v31 =	vsel vm10, v2, v3  }
0x102: {  	v32 =	vimm.s32 $0x0;
	v2 =	vsel vm10, v12, v2;
	vm12 =	vgt.f32 v13, v31  }
0x103: {  	[tilespmem:$0x1FE70] =	vst v5;
	v33 =	vsel vm14, v7, v6;
	vm11 =	vgt.f32 v13, v2;
	v1 =	vsel vm12, v13, v31  }
0x104: {  	[tilespmem:$0x1FE90] =	vst v0;
	v0 =	vsel vm12, $0xFFFFFFFF, v32;
	v5 =	vsel vm11, v13, v2;
	v11 =	vsel vm11, v2, v1;
	v2 =	vld [tilespmem:$0x260]  }
0x105: {  	v6 =	vsel vm14, $0x3, v7;
	vm14 =	veq.s32 v8, $0x1;
	[tilespmem:$0x1FEA0] =	vst v0;
	v0 =	vsub.f32 $2.000000000e+00, v4  }
0x106: {  	v7 =	vsel vm15, $0x4, v33;
	vm15 =	veq.s32 v8, $0x5;
	vm12 =	veq.s32 v8, $0x0  }
0x107: {  	v3 =	vld [tilespmem:$0x2E0];
	v12 =	vnsel vm12, $0x0, v0;
	vm12 =	veq.s32 v8, $0x3;
	v13 =	vnsel vm14, $0x0, v0  }
0x108: {  	vm14 =	veq.s32 v8, $0x4;
	v30 =	vnsel vm8, $0x0, v0;
	vm8 =	veq.s32 v8, $0x6  }
0x109: {  	v32 =	vnsel vm15, $0x0, v0;
	vm15 =	veq.s32 v8, $0x7;
	vm3 =	vgt.f32 v2, v11  }
0x10a: {  	v27 =	vnsel vm12, $0x0, v0;
	vm12 =	vgt.f32 v2, v5;
	v11 =	vsel vm3, v2, v11  }
0x10b: {  	v31 =	vnsel vm14, $0x0, v0;
	v2 =	vsel vm12, v2, v5;
	v4 =	vsel vm12, v5, v11  }
0x10c: {  	v5 =	vsel vm1, v6, v7;
	v7 =	vimm.s32 $0x0;
	vm5 =	vgt.f32 v3, v4  }
0x10d: {  	v8 =	vld [tilespmem:$0x1FE50];
	v33 =	vnsel vm8, $0x0, v0;
	v11 =	vnsel vm15, $0x0, v0;
	v0 =	vsel vm5, $0xFFFFFFFF, v7  }
0x10e: {  	[tilespmem:$0x1FEB0] =	vst v0;
	v0 =	vld [tilespmem:$0x1FE40];
	_ =	sdelay $0x4  }
0x10f: {  	v0 =	vadd.f32 v8, v0;
	v8 =	vld [tilespmem:$0x1FE60];
	_ =	sdelay $0x3  }
0x110: {  	v1 =	vld [tilespmem:$0x360]  }
0x111: {  	v50 =	vadd.f32 v50, v29;
	v15 =	vadd.f32 v15, v8;
	v8 =	vld [tilespmem:$0x1FE70]  }
0x112: {  	v49 =	vadd.f32 v55, v49;
	v12 =	vadd.f32 v12, v52  }
0x113: {  	v13 =	vadd.f32 v13, v48;
	vm14 =	vgt.f32 v3, v2;
	v4 =	vsel vm5, v3, v4  }
0x114: {  	v52 =	vadd.f32 v30, v45;
	v53 =	vadd.f32 v27, v53;
	v7 =	vld [tilespmem:$0x3E0];
	v4 =	vsel vm14, v2, v4  }
0x115: {  	v6 =	vsel vm1, $0x4, v6;
	v11 =	vadd.f32 v11, v51;
	vm5 =	vgt.f32 v1, v4  }
0x116: {  	v2 =	vsel vm14, v3, v2;
	v4 =	vsel vm5, v1, v4;
	vm8 =	vnez.u8 v8  }
0x117: {  	v3 =	vsel vm8, $0x5, v5;
	v5 =	vadd.f32 v18, v16;
	vm8 =	vgt.f32 v1, v2  }
0x118: {  	v55 =	vld [tilespmem:$0x1FE90];
	v16 =	vpop (erf);
	v18 =	vimm.s32 $0x0;
	v4 =	vsel vm8, v2, v4;
	v1 =	vsel vm8, v1, v2  }
0x119: {  	v2 =	vadd.f32 $1.000000000e+00, v16;
	v16 =	vadd.f32 v23, v19;
	vm0 =	vgt.f32 v7, v1  }
0x11a: {  	v3 =	vsel vm6, v6, v3;
	vm15 =	vgt.f32 v7, v4;
	vm1 =	vmneg vm0  }
0x11b: {  	v19 =	vsel vm15, v7, v4;
	v4 =	vsel vm6, $0x5, v6;
	v6 =	vadd.f32 v20, v17;
	v20 =	vld [tilespmem:$0x1FE80]  }
0x11c: {  	(erf) = vrcp.f32 v2;
	v2 =	vsel vm1, v19, v1;
	v1 =	vsel vm1, v1, v7  }
0x11d: {  	v23 =	vsel vm4, $0x1, v40;
	vm4 =	vnez.u8 v55;
	v1 =	vsub.f32 v2, v1;
	v2 =	vld [tilespmem:$0xF0]  }
0x11e: {  	v8 =	vsel vm15, $0xFFFFFFFF, v18;
	v17 =	vadd.f32 v28, v26;
	v7 =	vadd.f32 v22, v14;
	v22 =	vld [tilespmem:$0x70]  }
0x11f: {  	v28 =	vadd.f32 v58, v56;
	v56 =	vsel vm9, $0x0, v23;
	v1 =	vmul.f32 $1.442695020e+00, v1  }
0x120: {  	v58 =	vimm.s32 $0x0;
	v14 =	vadd.f32 v25, v24;
	vm15 =	vnez.u8 v20  }
0x121: {  	v25 =	vadd.f32 v60, v59;
	v3 =	vsel vm15, $0x6, v3;
	(erf) = vpow2.f32 v1  }
0x122: {  	v29 =	vsel vm13, v4, v3;
	vm6 =	vgt.f32 v2, $-3.000000010e+38;
	v3 =	vsel vm7, $0x2, v56  }
0x123: {  	v19 =	vld [tilespmem:$0x170];
	vm15 =	vgt.f32 v2, v22;
	v4 =	vsel vm13, $0x6, v4;
	v1 =	vsel vm4, $0x7, v29  }
0x124: {  	v18 =	vsel vm6, $0xFFFFFFFF, v58;
	v59 =	vnsel vm6, $0xFF61B1E6, v2;
	v2 =	vsel vm15, v2, v22  }
0x125: {  	v60 =	vnsel vm2, $0x7, v4;
	v29 =	vsel vm9, $0x1, v41;
	[tilespmem:$0x1FFE0] =	vst v18;
	v18 =	vsel vm15, v22, v59  }
0x126: {  	v58 =	vld [tilespmem:$0x1FEA0];
	v24 =	vsel vm2, v1, v4;
	vm6 =	veq.s32 v60, $0x0;
	v55 =	vsel vm10, v29, v3  }
0x127: {  	v26 =	vpop (erf);
	v56 =	vsel vm10, $0x2, v29;
	vm7 =	veq.s32 v60, $0x1;
	vm4 =	veq.s32 v60, $0x2  }
0x128: {  	v59 =	vimm.s32 $0x0;
	v22 =	vadd.f32 v26, v26;
	vm10 =	vgt.f32 v19, v18  }
0x129: {  	vm0 =	veq.s32 v60, $0x5;
	v23 =	vsel vm11, $0x3, v56;
	v18 =	vsel vm10, v19, v18  }
0x12a: {  	v20 =	vld [tilespmem:$0x1F0];
	v4 =	vnsel vm6, $0x0, v22;
	vm6 =	vgt.f32 v19, v2;
	v3 =	vnsel vm4, $0x0, v22  }
0x12b: {  	vm4 =	veq.s32 v24, $0x1;
	vm9 =	vnez.u8 v58;
	v19 =	vsel vm6, v19, v2  }
0x12c: {  	v1 =	vsel vm9, $0x3, v55;
	vm9 =	veq.s32 v60, $0x3;
	v55 =	vsub.f32 $2.000000000e+00, v22  }
0x12d: {  	v1 =	vsel vm11, v56, v1;
	vm11 =	veq.s32 v60, $0x4;
	v60 =	vsel vm6, v2, v18  }
0x12e: {  	v29 =	vld [tilespmem:$0x270];
	v58 =	vpop (erf);
	v2 =	vnsel vm9, $0x0, v22;
	v26 =	vsel vm3, $0x4, v1;
	v1 =	vsel vm10, $0xFFFFFFFF, v59  }
0x12f: {  	[tilespmem:$0x500] =	vst v21;
	v59 =	vadd.f32 $1.000000000e+00, v58;
	vm10 =	vgt.f32 v20, v60;
	v18 =	vnsel vm11, $0x0, v22  }
0x130: {  	[tilespmem:$0x1FEC0] =	vst v8;
	vm3 =	vmand vm13, vm2;
	v21 =	vnsel vm4, $0x0, v55;
	vm4 =	veq.s32 v24, $0x6  }
0x131: {  	[tilespmem:$0x1FFF0] =	vst v1;
	v1 =	vnsel vm7, $0x0, v22;
	vm7 =	vgt.f32 v20, v19;
	v8 =	vsel vm10, v20, v60  }
0x132: {  	v58 =	vsel vm12, v23, v26;
	(erf) = vrcp.f32 v59;
	v8 =	vsel vm7, v19, v8  }
0x133: {  	v26 =	vld [tilespmem:$0x2F0];
	v60 =	vsel vm7, v20, v19;
	v19 =	vnsel vm0, $0x0, v22;
	vm11 =	vgt.f32 v29, v8  }
0x134: {  	[tilespmem:$0x400] =	vst v10;
	v59 =	vsel vm12, $0x4, v23;
	vm9 =	vgt.f32 v29, v60;
	v8 =	vsel vm11, v29, v8  }
0x135: {  	[tilespmem:$0x700] =	vst v57;
	vm12 =	veq.s32 v24, $0x2;
	v29 =	vsel vm9, v29, v60;
	v56 =	vsel vm9, v60, v8;
	v60 =	vld [tilespmem:$0x1FEB0]  }
0x136: {  	[tilespmem:$0x790] =	vst v50;
	v20 =	vnsel vm3, $0x0, v22;
	v1 =	vadd.f32 v21, v1;
	v10 =	vnsel vm12, $0x0, v55  }
0x137: {  	[tilespmem:$0x600] =	vst v62;
	v3 =	vadd.f32 v10, v3;
	v8 =	vsel vm2, $0x0, v22;
	vm2 =	veq.s32 v24, $0x0  }
0x138: {  	[tilespmem:$0x480] =	vst v9;
	v23 =	vnsel vm2, $0x0, v55;
	vm3 =	vgt.f32 v26, v56;
	vm12 =	vgt.f32 v26, v29  }
0x139: {  	[tilespmem:$0x580] =	vst v63;
	vm2 =	veq.s32 v24, $0x5;
	v56 =	vsel vm3, v26, v56;
	v57 =	vsel vm12, v26, v29  }
0x13a: {  	[tilespmem:$0x410] =	vst v15;
	v15 =	vld [tilespmem:$0x3F0];
	v26 =	vnsel vm4, $0x0, v55;
	v4 =	vadd.f32 v23, v4;
	vm13 =	vnez.u8 v60  }
0x13b: {  	[tilespmem:$0x780] =	vst v0;
	v63 =	vld [tilespmem:$0x1FEC0];
	v0 =	vsel vm12, v29, v56;
	v20 =	vadd.f32 v26, v20;
	v9 =	vsel vm13, $0x5, v58  }
0x13c: {  	[tilespmem:$0x680] =	vst v61;
	v60 =	vld [tilespmem:$0x370];
	v58 =	vsel vm14, $0x5, v59;
	vm13 =	veq.s32 v24, $0x3;
	v62 =	vpop (erf);
	v9 =	vsel vm14, v59, v9  }
0x13d: {  	[tilespmem:$0x610] =	vst v7;
	v61 =	vsel vm8, $0x6, v58;
	v7 =	vadd.f32 v62, v62;
	v62 =	vld [tilespmem:$0x1FF30];
	v59 =	vsel vm5, $0x6, v9  }
0x13e: {  	[tilespmem:$0x590] =	vst v6;
	vm5 =	veq.s32 v24, $0x4;
	v9 =	vnsel vm13, $0x0, v55;
	v6 =	vsel vm8, v58, v59;
	v58 =	vld [tilespmem:$0x1FEF0]  }
0x13f: {  	[tilespmem:$0x420] =	vst v49;
	v56 =	vnsel vm1, $0x7, v61;
	v22 =	vnsel vm5, $0x0, v55;
	vm5 =	veq.s32 v24, $0x7;
	v59 =	vld [tilespmem:$0x1FF00]  }
0x140: {  	[tilespmem:$0x690] =	vst v14;
	v24 =	vnsel vm2, $0x0, v55;
	vm13 =	veq.s32 v56, $0x0;
	v14 =	vnsel vm5, $0x0, v55;
	v55 =	vld [tilespmem:$0x1FED0]  }
0x141: {  	[tilespmem:$0x440] =	vst v12;
	vm14 =	vgt.f32 v60, v0;
	vm2 =	vgt.f32 v60, v57;
	vm5 =	vnez.u8 v63;
	v63 =	vld [tilespmem:$0x1FF40]  }
0x142: {  	[tilespmem:$0x490] =	vst v5;
	vm8 =	vmand vm8, vm1;
	v0 =	vsel vm14, v60, v0;
	v5 =	vsel vm2, v60, v57;
	v60 =	vld [tilespmem:$0x1FF10]  }
0x143: {  	[tilespmem:$0x4C0] =	vst v13;
	v29 =	vnsel vm13, $0x0, v7;
	v6 =	vsel vm5, $0x7, v6;
	v0 =	vsel vm2, v57, v0;
	v57 =	vld [tilespmem:$0x1FEE0]  }
0x144: {  	[tilespmem:$0x540] =	vst v52;
	vm0 =	vgt.f32 v15, v5;
	v6 =	vsel vm1, v6, v61;
	v61 =	vld [tilespmem:$0x1FF20];
	vm13 =	vgt.f32 v15, v0  }
0x145: {  	[tilespmem:$0x710] =	vst v17;
	vm4 =	vmneg vm0;
	v0 =	vsel vm13, v15, v0;
	v17 =	vadd.f32 v59, v58;
	v58 =	vld [tilespmem:$0x1FF70]  }
0x146: {  	[tilespmem:$0x510] =	vst v16;
	v18 =	vadd.f32 v22, v18;
	v19 =	vadd.f32 v24, v19;
	v59 =	vld [tilespmem:$0x1FF80];
	v0 =	vsel vm4, v0, v5  }
0x147: {  	v5 =	vsel vm4, v5, v15;
	v15 =	vsub.f32 $2.000000000e+00, v7;
	[tilespmem:$0x620] =	vst v17;
	v17 =	vadd.f32 v63, v62;
	v62 =	vld [tilespmem:$0x1FFB0]  }
0x148: {  	[tilespmem:$0x4A0] =	vst v28;
	vm0 =	veq.s32 v6, $0x0;
	v0 =	vsub.f32 v0, v5;
	v16 =	vadd.f32 v57, v55;
	v55 =	vld [tilespmem:$0x1FF50]  }
0x149: {  	[tilespmem:$0x520] =	vst v25;
	vm5 =	veq.s32 v56, $0x1;
	v5 =	vnsel vm0, $0x0, v15;
	vm0 =	veq.s32 v6, $0x1;
	v57 =	vld [tilespmem:$0x1FF60]  }
0x14a: {  	v25 =	vadd.f32 v61, v60;
	v60 =	vld [tilespmem:$0x1FF90];
	v0 =	vmul.f32 $1.442695020e+00, v0;
	v28 =	vnsel vm0, $0x0, v15;
	[tilespmem:$0x720] =	vst v17  }
0x14b: {  	v61 =	vld [tilespmem:$0x1FFA0];
	v29 =	vadd.f32 v5, v29;
	[tilespmem:$0x5A0] =	vst v16;
	v16 =	vnsel vm5, $0x0, v7;
	v17 =	vadd.f32 v59, v58  }
0x14c: {  	[tilespmem:$0x6A0] =	vst v25;
	vm5 =	veq.s32 v56, $0x2;
	v58 =	vadd.f32 v42, v38;
	v59 =	vadd.f32 v44, v43  }
0x14d: {  	v63 =	vld [tilespmem:$0x1FFC0];
	(erf) = vpow2.f32 v0;
	v0 =	vnsel vm5, $0x0, v7;
	vm5 =	veq.s32 v6, $0x2;
	[tilespmem:$0x430] =	vst v17  }
0x14e: {  	v48 =	vld [tilespmem:$0x1FFF0];
	v49 =	vnsel vm5, $0x0, v15;
	v17 =	vadd.f32 v36, v62;
	[tilespmem:$0x730] =	vst v58;
	v25 =	vadd.f32 v57, v55  }
0x14f: {  	vm5 =	veq.s32 v56, $0x3;
	[tilespmem:$0x7B0] =	vst v59;
	v58 =	vadd.f32 v32, v54;
	v59 =	vadd.f32 v33, v47;
	v57 =	vld [tilespmem:$0x1FFD0]  }
0x150: {  	v50 =	vnsel vm5, $0x0, v7;
	vm5 =	veq.s32 v6, $0x3;
	[tilespmem:$0x7A0] =	vst v25;
	v25 =	vadd.f32 v61, v60;
	v60 =	vld [tilespmem:$0x1FFE0]  }
0x151: {  	[tilespmem:$0x5C0] =	vst v53;
	v55 =	vadd.f32 v39, v37;
	v36 =	vnsel vm5, $0x0, v15;
	vm5 =	veq.s32 v56, $0x4  }
0x152: {  	[tilespmem:$0x4B0] =	vst v25;
	v25 =	vadd.f32 v34, v63;
	v34 =	vnsel vm5, $0x0, v7;
	vm5 =	veq.s32 v6, $0x4  }
0x153: {  	[tilespmem:$0x7C0] =	vst v11;
	v39 =	vnsel vm8, $0x0, v7;
	v37 =	vnsel vm5, $0x0, v15;
	vm5 =	veq.s32 v56, $0x5  }
0x154: {  	[tilespmem:$0x5B0] =	vst v25;
	v25 =	vadd.f32 v35, v57;
	v35 =	vnsel vm5, $0x0, v7;
	vm5 =	veq.s32 v6, $0x5  }
0x155: {  	[tilespmem:$0x4D0] =	vst v1;
	vm8 =	vnez.u8 v48;
	v38 =	vnsel vm5, $0x0, v15;
	vm5 =	vnez.u8 v60  }
0x156: {  	[tilespmem:$0x550] =	vst v3;
	v0 =	vadd.f32 v49, v0;
	v36 =	vadd.f32 v36, v50;
	v61 =	vpop (erf);
	v40 =	vsel vm5, $0x1, v40  }
0x157: {  	[tilespmem:$0x530] =	vst v17;
	v63 =	vsel vm15, $0x1, v41;
	v17 =	vadd.f32 $1.000000000e+00, v61;
	v62 =	vsel vm15, $0x0, v40  }
0x158: {  	v56 =	vsel vm6, $0x2, v63;
	v57 =	vadd.f32 v31, v46;
	[tilespmem:$0x6B0] =	vst v25;
	v25 =	vsel vm8, $0x2, v62  }
0x159: {  	[tilespmem:$0x630] =	vst v55;
	v7 =	vsel vm1, $0x0, v7;
	(erf) = vrcp.f32 v17;
	v55 =	vsel vm6, v63, v25  }
0x15a: {  	[tilespmem:$0x450] =	vst v4;
	v31 =	vadd.f32 v28, v16;
	v42 =	vadd.f32 v37, v34;
	v17 =	vsel vm10, $0x3, v55  }
0x15b: {  	[tilespmem:$0x750] =	vst v20;
	v44 =	vadd.f32 v38, v35;
	vm10 =	veq.s32 v6, $0x6;
	v17 =	vsel vm7, v56, v17  }
0x15c: {  	[tilespmem:$0x650] =	vst v18;
	v25 =	vsel vm7, $0x3, v56;
	v61 =	vnsel vm10, $0x0, v15;
	v17 =	vsel vm11, $0x4, v17  }
0x15d: {  	[tilespmem:$0x6D0] =	vst v19;
	vm11 =	veq.s32 v6, $0x7;
	v46 =	vadd.f32 v61, v39;
	v17 =	vsel vm9, v25, v17  }
0x15e: {  	[tilespmem:$0x460] =	vst v29;
	v25 =	vsel vm9, $0x4, v25;
	v6 =	vnsel vm11, $0x0, v15;
	v60 =	vsel vm3, $0x5, v17  }
0x15f: {  	[tilespmem:$0x6C0] =	vst v58;
	v63 =	vsel vm12, $0x5, v25;
	v17 =	vadd.f32 v9, v2;
	v62 =	vsel vm12, v25, v60  }
0x160: {  	[tilespmem:$0x740] =	vst v59;
	v48 =	vadd.f32 v6, v7;
	v23 =	vsel vm2, $0x6, v63;
	v4 =	vsel vm14, $0x6, v62  }
0x161: {  	[tilespmem:$0x560] =	vst v0;
	v25 =	vadd.f32 v14, v8;
	v26 =	vnsel vm4, $0x7, v23;
	v22 =	vsel vm2, v63, v4  }
0x162: {  	[tilespmem:$0x5E0] =	vst v36;
	v21 =	vpop (erf);
	vm12 =	veq.s32 v26, $0x0;
	vm14 =	veq.s32 v26, $0x1;
	vm5 =	veq.s32 v26, $0x2  }
0x163: {  	[tilespmem:$0x640] =	vst v57;
	vm7 =	veq.s32 v26, $0x3;
	v24 =	vadd.f32 v21, v21;
	v1 =	vsel vm13, $0x7, v22  }
0x164: {  	[tilespmem:$0x4E0] =	vst v31;
	vm9 =	veq.s32 v26, $0x4;
	vm11 =	veq.s32 v26, $0x5;
	v1 =	vsel vm4, v1, v23  }
0x165: {  	[tilespmem:$0x660] =	vst v42;
	v27 =	vsub.f32 $2.000000000e+00, v24;
	v30 =	vnsel vm12, $0x0, v24;
	vm13 =	veq.s32 v1, $0x0  }
0x166: {  	[tilespmem:$0x6E0] =	vst v44;
	v33 =	vnsel vm14, $0x0, v24;
	vm15 =	veq.s32 v1, $0x1;
	v43 =	vnsel vm5, $0x0, v24  }
0x167: {  	[tilespmem:$0x760] =	vst v46;
	vm6 =	veq.s32 v1, $0x2;
	v47 =	vnsel vm7, $0x0, v24;
	vm8 =	veq.s32 v1, $0x3  }
0x168: {  	[tilespmem:$0x5D0] =	vst v17;
	v51 =	vnsel vm9, $0x0, v24;
	vm10 =	veq.s32 v1, $0x4;
	v32 =	vnsel vm13, $0x0, v27  }
0x169: {  	[tilespmem:$0x7E0] =	vst v48;
	v55 =	vnsel vm11, $0x0, v24;
	v40 =	vnsel vm15, $0x0, v27;
	v50 =	vadd.f32 v32, v30  }
0x16a: {  	[tilespmem:$0x7D0] =	vst v25;
	vm12 =	veq.s32 v1, $0x5;
	v45 =	vnsel vm6, $0x0, v27;
	v52 =	vadd.f32 v40, v33  }
0x16b: {  	vm14 =	veq.s32 v1, $0x6;
	v49 =	vnsel vm8, $0x0, v27;
	v54 =	vadd.f32 v45, v43;
	[tilespmem:$0x470] =	vst v50  }
0x16c: {  	v53 =	vnsel vm10, $0x0, v27;
	v57 =	vnsel vm12, $0x0, v27;
	v56 =	vadd.f32 v49, v47;
	[tilespmem:$0x4F0] =	vst v52  }
0x16d: {  	vm13 =	vmand vm2, vm4;
	v60 =	vnsel vm14, $0x0, v27;
	v4 =	vadd.f32 v53, v51;
	[tilespmem:$0x570] =	vst v54  }
0x16e: {  	vm15 =	veq.s32 v1, $0x7;
	v58 =	vadd.f32 v57, v55;
	v59 =	vnsel vm13, $0x0, v24;
	[tilespmem:$0x5F0] =	vst v56  }
0x16f: {  	v62 =	vsel vm4, $0x0, v24;
	v3 =	vnsel vm15, $0x0, v27;
	v61 =	vadd.f32 v60, v59;
	[tilespmem:$0x670] =	vst v4  }
0x170: {  	v63 =	vadd.f32 v3, v62;
	[tilespmem:$0x6F0] =	vst v58  }
0x171: {  	[tilespmem:$0x770] =	vst v61  }
0x172: {  	[tilespmem:$0x7F0] =	vst v63  }
0x173: {  	[hbm4b:s7+s2] =	stream.linear.scatter [tilespmem:s24], [sflag:$0x1], $0x80, $0x38;
	[tilespmem:$0x800] =	vst v63  }
0x174: {  	_ =	swait.ge [sflag:s16], $0x80  }
0x175: {  	[sflag:s16] =	ssyncset.done $0x0  }
0x176: {  	[sflag:s16] =	ssyncadd.s32 $0xFFFFFF80  }
0x177: {  	[hbm4b:s8+s2] =	stream.linear.scatter [tilespmem:s25], [sflag:$0x1], $0x80, $0x38;
	[tilespmem:$0x800] =	vst v63  }
0x178: {  	_ =	swait.ge [sflag:s16], $0x80  }
0x179: {  	[sflag:s16] =	ssyncset.done $0x0  }
0x17a: {  	[sflag:s16] =	ssyncadd.s32 $0xFFFFFF80  }
0x17b: {  	[hbm4b:s9+s2] =	stream.linear.scatter [tilespmem:s26], [sflag:$0x1], $0x80, $0x38;
	[tilespmem:$0x800] =	vst v63  }
0x17c: {  	_ =	swait.ge [sflag:s16], $0x80  }
0x17d: {  	[sflag:s16] =	ssyncset.done $0x0  }
0x17e: {  	[sflag:s16] =	ssyncadd.s32 $0xFFFFFF80  }
0x17f: {  	[hbm4b:s10+s2] =	stream.linear.scatter [tilespmem:s28], [sflag:$0x1], $0x80, $0x38;
	[tilespmem:$0x800] =	vst v63  }
0x180: {  	_ =	swait.ge [sflag:s16], $0x80  }
0x181: {  	[sflag:s16] =	ssyncset.done $0x0  }
0x182: {  	[sflag:s16] =	ssyncadd.s32 $0xFFFFFF80  }
0x183: {  	[hbm4b:s11+s2] =	stream.linear.scatter [tilespmem:s29], [sflag:$0x1], $0x80, $0x38;
	[tilespmem:$0x800] =	vst v63  }
0x184: {  	_ =	swait.ge [sflag:s16], $0x80  }
0x185: {  	[sflag:s16] =	ssyncset.done $0x0  }
0x186: {  	[sflag:s16] =	ssyncadd.s32 $0xFFFFFF80  }
0x187: {  	[hbm4b:s12+s2] =	stream.linear.scatter [tilespmem:s30], [sflag:$0x1], $0x80, $0x38;
	[tilespmem:$0x800] =	vst v63  }
0x188: {  	_ =	swait.ge [sflag:s16], $0x80  }
0x189: {  	[sflag:s16] =	ssyncset.done $0x0  }
0x18a: {  	[sflag:s16] =	ssyncadd.s32 $0xFFFFFF80  }
0x18b: {  	[hbm4b:s13+s2] =	stream.linear.scatter [tilespmem:s31], [sflag:$0x1], $0x80, $0x38;
	[tilespmem:$0x800] =	vst v63  }
0x18c: {  	_ =	swait.ge [sflag:s16], $0x80  }
0x18d: {  	p0 =	sne.s32 s15, $0x1;
	[sflag:s16] =	ssyncset.done $0x0  }
.Ltmp0:
0x18e: {  	[sflag:s16] =	ssyncadd.s32 $0xFFFFFF80;
	(pc) =	sbr.rel @p0 .LBB2_1-.Ltmp0, $4  }
0x18f: {  	[hbm4b:s14+s2] =	stream.linear.scatter [tilespmem:s0], [sflag:$0x1], $0x80, $0x38;
	[tilespmem:$0x800] =	vst v63  }
0x190: {  	_ =	swait.ge [sflag:s16], $0x80  }
0x191: {  	[sflag:s16] =	ssyncset.done $0x0  }
0x192: {  	s15 =	sadd.s32 $0xFFFFFFFF, s15;
	[sflag:s16] =	ssyncadd.s32 $0xFFFFFF80  }
0x193: {  	_ =	sfence.sel $0x180000  }
0x194: {  	[bflag:$0x0] =	sbarrier.arrive $0xFFFF  }
0x195: {  	_ =	strace $0x90000047  }
0x196: {  	s0 =	stileid.u32;
	[bflag:$0x2] =	sbarrier.arrive $0xFFFF  }
0x197: {  	p0 =	sne.s32 s0, $0x0;
	s0 =	rddreg [dreg:$0x2]  }
0x198: {  	s0 =	sadd.s32 @!p0 $0x100000, s0  }
0x199: {  	[sflag:s0] =	ssyncadd.tile.s32 @!p0 $0x1;
	_ =	shalt  }
.Lfunc_end2:
_tile_overlayer_lowered:
.L_overlay_start_2:
0x19a: {  	(tag) =	ssettag $0x2  }
0x19b: {  	s0 =	rddreg [dreg:$0x0];
	s2 =	stileid.u32  }
0x19c: {  	s1 =	rddreg [dreg:$0x1];
	p0 =	sne.s32 s2, $0x0  }
0x19d: {  	s3 =	rddreg [dreg:$0x2];
	[bflag:$0x3] =	sbarrier.arrive $0xFFFF;
	s2 =	simm.s32 @!p0 $0x1C01  }
0x19e: {  	[timem:s3], [sflag:s2] =	dma.local @!p0 [hbm:s0], s1  }
0x19f: {  	s0 =	simm.s32 @!p0 $0x1  }
0x1a0: {  	_ =	swait.ge @!p0 [sflag:s0], s1  }
0x1a1: {  	s1 =	ssub.s32 @!p0 $0x0, s1;
	[sflag:s0] =	ssyncset.done @!p0 $0x0  }
0x1a2: {  	[sflag:s0] =	ssyncadd.s32 @!p0 s1  }
0x1a3: {  	[bflag:$0x3] =	sbarrier.arrive $0xFFFF  }
0x1a4: {  	_ =	shalt  }

</sc_bundles>
